<compile_context>
chip_gen: v7x
topology: tpu7x:2x2x1
jax: 0.10.2.dev20260603
libtpu: 0.0.44.dev20260713+nightly
codegen_flags: <defaults>
</compile_context>

<pallas_src>
import functools
import jax
import jax.numpy as jnp
from jax import lax
from jax.experimental import pallas as pl
from jax.experimental.pallas import tpu as pltpu
from jax.experimental.pallas import tpu_sc as plsc

_N = 10000
_F = 128
_NC = 2
_NS = 16
_NW = _NC * _NS
_CHUNK = 128
_NACC = 10240
_ZROWS = _NACC // _NS


def _seg_sum(h, src_t, dst_t, n_chunks):
    mesh = plsc.VectorSubcoreMesh(core_axis_name="c", subcore_axis_name="s")

    @functools.partial(
        pl.kernel,
        out_type=jax.ShapeDtypeStruct((_NC, _NACC, _F), jnp.float32),
        mesh=mesh,
        scratch_types=[
            pltpu.VMEM((n_chunks, _CHUNK), jnp.int32),
            pltpu.VMEM((n_chunks, _CHUNK), jnp.int32),
            pltpu.VMEM((_CHUNK, _F), jnp.float32),
            pltpu.VMEM_SHARED((_NACC, _F), jnp.float32),
            pltpu.SemaphoreType.DMA,
        ],
    )
    def seg(h_hbm, src_hbm, dst_hbm, out_hbm, src_v, dst_v, rows, acc, sem):
        c = lax.axis_index("c")
        s = lax.axis_index("s")
        wid = s * _NC + c

        pltpu.sync_copy(src_hbm.at[wid], src_v)
        pltpu.sync_copy(dst_hbm.at[wid], dst_v)

        @pl.loop(0, _CHUNK)
        def _(i):
            @pl.loop(0, _F, step=16)
            def _(j):
                rows[i, pl.ds(j, 16)] = jnp.zeros((16,), jnp.float32)

        zbase = s * _ZROWS
        for k in range(_ZROWS // _CHUNK):
            pltpu.sync_copy(rows, acc.at[pl.ds(zbase + k * _CHUNK, _CHUNK)])

        plsc.subcore_barrier()

        @pl.loop(0, n_chunks)
        def _(j):
            pltpu.async_copy(h_hbm.at[src_v.at[j]], rows, sem).wait()
            pltpu.sync_copy(rows, acc.at[dst_v.at[j]], add=True)

        plsc.subcore_barrier()

        for k in range(_ZROWS // _CHUNK):
            ob = s * _ZROWS + k * _CHUNK
            pltpu.sync_copy(acc.at[pl.ds(ob, _CHUNK)], rows)
            pltpu.sync_copy(rows, out_hbm.at[c].at[pl.ds(ob, _CHUNK)])

    return seg(h, src_t, dst_t)


def _mm_relu(p, w):
    BN = 2048

    def body(p_ref, w_ref, o_ref):
        x = p_ref[0] + p_ref[1]
        o_ref[...] = jnp.maximum(
            jnp.dot(x, w_ref[...], preferred_element_type=jnp.float32), 0.0)

    return pl.pallas_call(
        body,
        grid=(_NACC // BN,),
        in_specs=[
            pl.BlockSpec((_NC, BN, _F), lambda i: (0, i, 0)),
            pl.BlockSpec((_F, _F), lambda i: (0, 0)),
        ],
        out_specs=pl.BlockSpec((BN, _F), lambda i: (i, 0)),
        out_shape=jax.ShapeDtypeStruct((_NACC, _F), jnp.float32),
    )(p, w)


def _mm_head(p, w):
    BN = 2048

    def body(p_ref, w_ref, lp_ref, h_ref):
        x = p_ref[0] + p_ref[1]
        h = jnp.dot(x, w_ref[...], preferred_element_type=jnp.float32)
        h_ref[...] = h
        m = jnp.max(h, axis=1, keepdims=True)
        lse = jnp.log(jnp.sum(jnp.exp(h - m), axis=1, keepdims=True)) + m
        lp_ref[...] = h - lse

    return pl.pallas_call(
        body,
        grid=(_NACC // BN,),
        in_specs=[
            pl.BlockSpec((_NC, BN, _F), lambda i: (0, i, 0)),
            pl.BlockSpec((_F, _F), lambda i: (0, 0)),
        ],
        out_specs=[
            pl.BlockSpec((BN, _F), lambda i: (i, 0)),
            pl.BlockSpec((BN, _F), lambda i: (i, 0)),
        ],
        out_shape=[
            jax.ShapeDtypeStruct((_NACC, _F), jnp.float32),
            jax.ShapeDtypeStruct((_NACC, _F), jnp.float32),
        ],
    )(p, w)


def kernel(tinput, adj, W0, W1, W2):
    E = adj.shape[1]
    epb = _NW * _CHUNK
    E_pad = ((E + epb - 1) // epb) * epb
    n_chunks = E_pad // epb
    pad = E_pad - E
    src = jnp.concatenate([adj[0], jnp.zeros((pad,), jnp.int32)])
    dst = jnp.concatenate([adj[1], jnp.full((pad,), _N, jnp.int32)])
    src_t = src.reshape(_NW, n_chunks, _CHUNK)
    dst_t = dst.reshape(_NW, n_chunks, _CHUNK)

    h = tinput
    for w in (W0, W1):
        p = _seg_sum(h, src_t, dst_t, n_chunks)
        h = _mm_relu(p, w)
    p = _seg_sum(h, src_t, dst_t, n_chunks)
    lp, h3 = _mm_head(p, W2)
    return (lp[:_N], h3[:_N])

# --- scband reference (transcript-rebuilt; emitter-appended) ---
"""Pipeline reference for scband-base-68590627717628 (READ-ONLY COPY).

The authoritative reference and input builder live on the scoring server;
editing this copy changes nothing except your own understanding.
"""

import jax, jax.numpy as jnp
import numpy as np

N = 10000
E = 320000
F_IN = 128
HID = [128, 128]
NDIM = 128


def setup_inputs(seed: int = 0) -> dict:
    key = jax.random.key(seed)
    k1, k2, k3, k4, k5 = jax.random.split(key, 5)
    tinput = jax.random.normal(k1, (N, F_IN), dtype=jnp.float32)
    adj = jax.random.randint(k2, (2, E), 0, N, dtype=jnp.int32)
    # GNN layer weights: 128 -> 128 -> 128 -> 128 (ndim), bias=None
    W0 = jax.random.normal(k3, (F_IN, HID[0]), dtype=jnp.float32) / np.sqrt(F_IN)
    W1 = jax.random.normal(k4, (HID[0], HID[1]), dtype=jnp.float32) / np.sqrt(HID[0])
    W2 = jax.random.normal(k5, (HID[1], NDIM), dtype=jnp.float32) / np.sqrt(HID[1])
    return {"tinput": tinput, "adj": adj, "W0": W0, "W1": W1, "W2": W2}


def reference(tinput, adj, W0, W1, W2):
    # BASE.forward: h = GNN(x, adj); logprobs = log_softmax(h, dim=1); return (logprobs, h)
    # GNN: stacked GCN layers, aggregation = scatter-add of neighbor messages over edges.
    src = adj[0]
    dst = adj[1]
    h = tinput
    for W, act in ((W0, True), (W1, True), (W2, False)):
        m = jnp.take(h, src, axis=0)                      # gather source-node features per edge
        agg = jax.ops.segment_sum(m, dst, num_segments=N)  # scatter-add to destination nodes
        h = agg @ W                                        # no bias (bias=None in configs)
        if act:
            h = jax.nn.relu(h)
    logprobs = jax.nn.log_softmax(h, axis=1)
    return (logprobs, h)

if __name__ == "__main__":
    import jax
    _d = setup_inputs()
    print(jax.jit(kernel)(*tuple(_d.values())))

</pallas_src>

<mosaic_0001>
#map = affine_map<(d0, d1) -> (0, 0)>
#map1 = affine_map<(d0, d1) -> (0, 0, 0)>
module attributes {stable_mosaic.version = 14 : i64} {
  func.func @seg(%arg0: i32, %arg1: i32, %arg2: memref<10240x128xf32, #tpu.memory_space<hbm>>, %arg3: memref<32x79x128xi32, #tpu.memory_space<hbm>>, %arg4: memref<32x79x128xi32, #tpu.memory_space<hbm>>, %arg5: memref<2x10240x128xf32, #tpu.memory_space<hbm>>, %arg6: memref<79x128xi32, #tpu.memory_space<vmem>>, %arg7: memref<79x128xi32, #tpu.memory_space<vmem>>, %arg8: memref<128x128xf32, #tpu.memory_space<vmem>>, %arg9: memref<10240x128xf32, #tpu.memory_space<vmem_shared>>, %arg10: memref<!tpu.dma_semaphore, #tpu.memory_space<semaphore_mem>>) attributes {dimension_semantics = [#tpu.dimension_semantics<core_parallel>, #tpu.dimension_semantics<subcore_parallel>], iteration_bounds = array<i64: 2, 16>, scalar_prefetch = 0 : i64, scratch_operands = 5 : i64, tpu.core_type = #tpu.core_type<sc_vector_subcore>, window_params = [{transform_indices = #map}, {transform_indices = #map1}, {transform_indices = #map1}, {transform_indices = #map1}]} {
    %mul3A = arith.constant 2 : i32
    %mul3A_0 = arith.muli %arg1, %mul3A : i32
    %add3A = arith.addi %mul3A_0, %arg0 : i32
    "tpu.region"() ({
      %run_scoped3A = tpu.sem_alloc : memref<!tpu.dma_semaphore, #tpu.memory_space<semaphore_mem>>
      %dma_start3A = arith.constant 0 : i32
      %dma_start3A_43 = arith.constant 0 : i32
      %dma_start3A_44 = tpu.memref_slice %arg3[%add3A, %dma_start3A, %dma_start3A_43] : memref<32x79x128xi32, #tpu.memory_space<hbm>> -> memref<1x79x128xi32, #tpu.memory_space<hbm>>
      %dma_start3A_45 = tpu.memref_squeeze %dma_start3A_44 : memref<1x79x128xi32, #tpu.memory_space<hbm>> -> memref<79x128xi32, #tpu.memory_space<hbm>>
      %dma_start3A_46 = arith.constant 0 : i32
      %dma_start3A_47 = arith.constant 0 : i32
      %dma_start3A_48 = tpu.memref_slice %arg3[%add3A, %dma_start3A_46, %dma_start3A_47] : memref<32x79x128xi32, #tpu.memory_space<hbm>> -> memref<1x79x128xi32, #tpu.memory_space<hbm>>
      %dma_start3A_49 = tpu.memref_squeeze %dma_start3A_48 : memref<1x79x128xi32, #tpu.memory_space<hbm>> -> memref<79x128xi32, #tpu.memory_space<hbm>>
      tpu.enqueue_dma source(%dma_start3A_49 : memref<79x128xi32, #tpu.memory_space<hbm>>) target(%arg6 : memref<79x128xi32, #tpu.memory_space<vmem>>) target_semaphore(%run_scoped3A : memref<!tpu.dma_semaphore, #tpu.memory_space<semaphore_mem>>)
      %dma_wait3A = arith.constant 0 : i32
      %dma_wait3A_50 = arith.constant 0 : i32
      %dma_wait3A_51 = tpu.memref_slice %arg3[%add3A, %dma_wait3A, %dma_wait3A_50] : memref<32x79x128xi32, #tpu.memory_space<hbm>> -> memref<1x79x128xi32, #tpu.memory_space<hbm>>
      %dma_wait3A_52 = tpu.memref_squeeze %dma_wait3A_51 : memref<1x79x128xi32, #tpu.memory_space<hbm>> -> memref<79x128xi32, #tpu.memory_space<hbm>>
      %dma_wait3A_53 = arith.constant 0 : i32
      %dma_wait3A_54 = arith.constant 0 : i32
      %dma_wait3A_55 = tpu.memref_slice %arg3[%add3A, %dma_wait3A_53, %dma_wait3A_54] : memref<32x79x128xi32, #tpu.memory_space<hbm>> -> memref<1x79x128xi32, #tpu.memory_space<hbm>>
      %dma_wait3A_56 = tpu.memref_squeeze %dma_wait3A_55 : memref<1x79x128xi32, #tpu.memory_space<hbm>> -> memref<79x128xi32, #tpu.memory_space<hbm>>
      tpu.wait_dma2 semaphore(%run_scoped3A : memref<!tpu.dma_semaphore, #tpu.memory_space<semaphore_mem>>) src(%dma_wait3A_56 : memref<79x128xi32, #tpu.memory_space<hbm>>) dst(%arg6 : memref<79x128xi32, #tpu.memory_space<vmem>>)
      tpu.yield
    }) : () -> ()
    "tpu.region"() ({
      %run_scoped3A = tpu.sem_alloc : memref<!tpu.dma_semaphore, #tpu.memory_space<semaphore_mem>>
      %dma_start3A = arith.constant 0 : i32
      %dma_start3A_43 = arith.constant 0 : i32
      %dma_start3A_44 = tpu.memref_slice %arg4[%add3A, %dma_start3A, %dma_start3A_43] : memref<32x79x128xi32, #tpu.memory_space<hbm>> -> memref<1x79x128xi32, #tpu.memory_space<hbm>>
      %dma_start3A_45 = tpu.memref_squeeze %dma_start3A_44 : memref<1x79x128xi32, #tpu.memory_space<hbm>> -> memref<79x128xi32, #tpu.memory_space<hbm>>
      %dma_start3A_46 = arith.constant 0 : i32
      %dma_start3A_47 = arith.constant 0 : i32
      %dma_start3A_48 = tpu.memref_slice %arg4[%add3A, %dma_start3A_46, %dma_start3A_47] : memref<32x79x128xi32, #tpu.memory_space<hbm>> -> memref<1x79x128xi32, #tpu.memory_space<hbm>>
      %dma_start3A_49 = tpu.memref_squeeze %dma_start3A_48 : memref<1x79x128xi32, #tpu.memory_space<hbm>> -> memref<79x128xi32, #tpu.memory_space<hbm>>
      tpu.enqueue_dma source(%dma_start3A_49 : memref<79x128xi32, #tpu.memory_space<hbm>>) target(%arg7 : memref<79x128xi32, #tpu.memory_space<vmem>>) target_semaphore(%run_scoped3A : memref<!tpu.dma_semaphore, #tpu.memory_space<semaphore_mem>>)
      %dma_wait3A = arith.constant 0 : i32
      %dma_wait3A_50 = arith.constant 0 : i32
      %dma_wait3A_51 = tpu.memref_slice %arg4[%add3A, %dma_wait3A, %dma_wait3A_50] : memref<32x79x128xi32, #tpu.memory_space<hbm>> -> memref<1x79x128xi32, #tpu.memory_space<hbm>>
      %dma_wait3A_52 = tpu.memref_squeeze %dma_wait3A_51 : memref<1x79x128xi32, #tpu.memory_space<hbm>> -> memref<79x128xi32, #tpu.memory_space<hbm>>
      %dma_wait3A_53 = arith.constant 0 : i32
      %dma_wait3A_54 = arith.constant 0 : i32
      %dma_wait3A_55 = tpu.memref_slice %arg4[%add3A, %dma_wait3A_53, %dma_wait3A_54] : memref<32x79x128xi32, #tpu.memory_space<hbm>> -> memref<1x79x128xi32, #tpu.memory_space<hbm>>
      %dma_wait3A_56 = tpu.memref_squeeze %dma_wait3A_55 : memref<1x79x128xi32, #tpu.memory_space<hbm>> -> memref<79x128xi32, #tpu.memory_space<hbm>>
      tpu.wait_dma2 semaphore(%run_scoped3A : memref<!tpu.dma_semaphore, #tpu.memory_space<semaphore_mem>>) src(%dma_wait3A_56 : memref<79x128xi32, #tpu.memory_space<hbm>>) dst(%arg7 : memref<79x128xi32, #tpu.memory_space<vmem>>)
      tpu.yield
    }) : () -> ()
    %scan3A = arith.constant 0 : i32
    %scan3A_1 = arith.constant 128 : i32
    %scan3A_2 = arith.addi %scan3A, %scan3A_1 : i32
    %scan3A_3 = arith.constant 1 : i32
    scf.for %scan3A_43 = %scan3A to %scan3A_2 step %scan3A_3  : i32 {
      %mul3A_44 = arith.constant 1 : i32
      %mul3A_45 = arith.muli %scan3A_43, %mul3A_44 : i32
      %add3A_46 = arith.constant 0 : i32
      %add3A_47 = arith.addi %add3A_46, %mul3A_45 : i32
      %scan3A_48 = arith.constant 0 : i32
      %scan3A_49 = arith.constant 8 : i32
      %scan3A_50 = arith.addi %scan3A_48, %scan3A_49 : i32
      %scan3A_51 = arith.constant 1 : i32
      scf.for %scan3A_53 = %scan3A_48 to %scan3A_50 step %scan3A_51  : i32 {
        %mul3A_54 = arith.constant 16 : i32
        %mul3A_55 = arith.muli %scan3A_53, %mul3A_54 : i32
        %add3A_56 = arith.constant 0 : i32
        %add3A_57 = arith.addi %add3A_56, %mul3A_55 : i32
        %broadcast_in_dim3A = arith.constant 0.000000e+00 : f32
        %broadcast_in_dim3A_58 = vector.broadcast %broadcast_in_dim3A : f32 to vector<16xf32>
        %swap3A = arith.index_cast %add3A_47 : i32 to index
        %swap3A_59 = arith.index_cast %add3A_57 : i32 to index
        %swap3A_60 = tpu.vector_load %arg8[%swap3A, %swap3A_59] {strides = array<i32>} : memref<128x128xf32, #tpu.memory_space<vmem>>, vector<1x16xf32>,
        %swap3A_61 = vector.shape_cast %swap3A_60 : vector<1x16xf32> to vector<16xf32>
        %swap3A_62 = vector.shape_cast %broadcast_in_dim3A_58 : vector<16xf32> to vector<1x16xf32>
        tpu.vector_store %arg8[%swap3A, %swap3A_59], %swap3A_62 {strides = array<i32>} : memref<128x128xf32, #tpu.memory_space<vmem>>, vector<1x16xf32>,
      }
      %scan3A_52 = arith.constant 8 : i32
    }
    %scan3A_4 = arith.constant 128 : i32
    %mul3A_5 = arith.constant 640 : i32
    %mul3A_6 = arith.muli %arg1, %mul3A_5 : i32
    %add3A_7 = arith.constant 0 : i32
    %add3A_8 = arith.addi %mul3A_6, %add3A_7 : i32
    "tpu.region"() ({
      %run_scoped3A = tpu.sem_alloc : memref<!tpu.dma_semaphore, #tpu.memory_space<semaphore_mem>>
      %dma_start3A = arith.constant 0 : i32
      %dma_start3A_43 = tpu.memref_slice %arg9[%add3A_8, %dma_start3A] : memref<10240x128xf32, #tpu.memory_space<vmem_shared>> -> memref<128x128xf32, #tpu.memory_space<vmem_shared>>
      %dma_start3A_44 = arith.constant 0 : i32
      %dma_start3A_45 = tpu.memref_slice %arg9[%add3A_8, %dma_start3A_44] : memref<10240x128xf32, #tpu.memory_space<vmem_shared>> -> memref<128x128xf32, #tpu.memory_space<vmem_shared>>
      tpu.enqueue_dma source(%arg8 : memref<128x128xf32, #tpu.memory_space<vmem>>) target(%dma_start3A_45 : memref<128x128xf32, #tpu.memory_space<vmem_shared>>) target_semaphore(%run_scoped3A : memref<!tpu.dma_semaphore, #tpu.memory_space<semaphore_mem>>)
      %dma_wait3A = arith.constant 0 : i32
      %dma_wait3A_46 = tpu.memref_slice %arg9[%add3A_8, %dma_wait3A] : memref<10240x128xf32, #tpu.memory_space<vmem_shared>> -> memref<128x128xf32, #tpu.memory_space<vmem_shared>>
      %dma_wait3A_47 = arith.constant 0 : i32
      %dma_wait3A_48 = tpu.memref_slice %arg9[%add3A_8, %dma_wait3A_47] : memref<10240x128xf32, #tpu.memory_space<vmem_shared>> -> memref<128x128xf32, #tpu.memory_space<vmem_shared>>
      tpu.wait_dma2 semaphore(%run_scoped3A : memref<!tpu.dma_semaphore, #tpu.memory_space<semaphore_mem>>) src(%arg8 : memref<128x128xf32, #tpu.memory_space<vmem>>) dst(%dma_wait3A_48 : memref<128x128xf32, #tpu.memory_space<vmem_shared>>)
      tpu.yield
    }) : () -> ()
    %add3A_9 = arith.constant 128 : i32
    %add3A_10 = arith.addi %mul3A_6, %add3A_9 : i32
    "tpu.region"() ({
      %run_scoped3A = tpu.sem_alloc : memref<!tpu.dma_semaphore, #tpu.memory_space<semaphore_mem>>
      %dma_start3A = arith.constant 0 : i32
      %dma_start3A_43 = tpu.memref_slice %arg9[%add3A_10, %dma_start3A] : memref<10240x128xf32, #tpu.memory_space<vmem_shared>> -> memref<128x128xf32, #tpu.memory_space<vmem_shared>>
      %dma_start3A_44 = arith.constant 0 : i32
      %dma_start3A_45 = tpu.memref_slice %arg9[%add3A_10, %dma_start3A_44] : memref<10240x128xf32, #tpu.memory_space<vmem_shared>> -> memref<128x128xf32, #tpu.memory_space<vmem_shared>>
      tpu.enqueue_dma source(%arg8 : memref<128x128xf32, #tpu.memory_space<vmem>>) target(%dma_start3A_45 : memref<128x128xf32, #tpu.memory_space<vmem_shared>>) target_semaphore(%run_scoped3A : memref<!tpu.dma_semaphore, #tpu.memory_space<semaphore_mem>>)
      %dma_wait3A = arith.constant 0 : i32
      %dma_wait3A_46 = tpu.memref_slice %arg9[%add3A_10, %dma_wait3A] : memref<10240x128xf32, #tpu.memory_space<vmem_shared>> -> memref<128x128xf32, #tpu.memory_space<vmem_shared>>
      %dma_wait3A_47 = arith.constant 0 : i32
      %dma_wait3A_48 = tpu.memref_slice %arg9[%add3A_10, %dma_wait3A_47] : memref<10240x128xf32, #tpu.memory_space<vmem_shared>> -> memref<128x128xf32, #tpu.memory_space<vmem_shared>>
      tpu.wait_dma2 semaphore(%run_scoped3A : memref<!tpu.dma_semaphore, #tpu.memory_space<semaphore_mem>>) src(%arg8 : memref<128x128xf32, #tpu.memory_space<vmem>>) dst(%dma_wait3A_48 : memref<128x128xf32, #tpu.memory_space<vmem_shared>>)
      tpu.yield
    }) : () -> ()
    %add3A_11 = arith.constant 256 : i32
    %add3A_12 = arith.addi %mul3A_6, %add3A_11 : i32
    "tpu.region"() ({
      %run_scoped3A = tpu.sem_alloc : memref<!tpu.dma_semaphore, #tpu.memory_space<semaphore_mem>>
      %dma_start3A = arith.constant 0 : i32
      %dma_start3A_43 = tpu.memref_slice %arg9[%add3A_12, %dma_start3A] : memref<10240x128xf32, #tpu.memory_space<vmem_shared>> -> memref<128x128xf32, #tpu.memory_space<vmem_shared>>
      %dma_start3A_44 = arith.constant 0 : i32
      %dma_start3A_45 = tpu.memref_slice %arg9[%add3A_12, %dma_start3A_44] : memref<10240x128xf32, #tpu.memory_space<vmem_shared>> -> memref<128x128xf32, #tpu.memory_space<vmem_shared>>
      tpu.enqueue_dma source(%arg8 : memref<128x128xf32, #tpu.memory_space<vmem>>) target(%dma_start3A_45 : memref<128x128xf32, #tpu.memory_space<vmem_shared>>) target_semaphore(%run_scoped3A : memref<!tpu.dma_semaphore, #tpu.memory_space<semaphore_mem>>)
      %dma_wait3A = arith.constant 0 : i32
      %dma_wait3A_46 = tpu.memref_slice %arg9[%add3A_12, %dma_wait3A] : memref<10240x128xf32, #tpu.memory_space<vmem_shared>> -> memref<128x128xf32, #tpu.memory_space<vmem_shared>>
      %dma_wait3A_47 = arith.constant 0 : i32
      %dma_wait3A_48 = tpu.memref_slice %arg9[%add3A_12, %dma_wait3A_47] : memref<10240x128xf32, #tpu.memory_space<vmem_shared>> -> memref<128x128xf32, #tpu.memory_space<vmem_shared>>
      tpu.wait_dma2 semaphore(%run_scoped3A : memref<!tpu.dma_semaphore, #tpu.memory_space<semaphore_mem>>) src(%arg8 : memref<128x128xf32, #tpu.memory_space<vmem>>) dst(%dma_wait3A_48 : memref<128x128xf32, #tpu.memory_space<vmem_shared>>)
      tpu.yield
    }) : () -> ()
    %add3A_13 = arith.constant 384 : i32
    %add3A_14 = arith.addi %mul3A_6, %add3A_13 : i32
    "tpu.region"() ({
      %run_scoped3A = tpu.sem_alloc : memref<!tpu.dma_semaphore, #tpu.memory_space<semaphore_mem>>
      %dma_start3A = arith.constant 0 : i32
      %dma_start3A_43 = tpu.memref_slice %arg9[%add3A_14, %dma_start3A] : memref<10240x128xf32, #tpu.memory_space<vmem_shared>> -> memref<128x128xf32, #tpu.memory_space<vmem_shared>>
      %dma_start3A_44 = arith.constant 0 : i32
      %dma_start3A_45 = tpu.memref_slice %arg9[%add3A_14, %dma_start3A_44] : memref<10240x128xf32, #tpu.memory_space<vmem_shared>> -> memref<128x128xf32, #tpu.memory_space<vmem_shared>>
      tpu.enqueue_dma source(%arg8 : memref<128x128xf32, #tpu.memory_space<vmem>>) target(%dma_start3A_45 : memref<128x128xf32, #tpu.memory_space<vmem_shared>>) target_semaphore(%run_scoped3A : memref<!tpu.dma_semaphore, #tpu.memory_space<semaphore_mem>>)
      %dma_wait3A = arith.constant 0 : i32
      %dma_wait3A_46 = tpu.memref_slice %arg9[%add3A_14, %dma_wait3A] : memref<10240x128xf32, #tpu.memory_space<vmem_shared>> -> memref<128x128xf32, #tpu.memory_space<vmem_shared>>
      %dma_wait3A_47 = arith.constant 0 : i32
      %dma_wait3A_48 = tpu.memref_slice %arg9[%add3A_14, %dma_wait3A_47] : memref<10240x128xf32, #tpu.memory_space<vmem_shared>> -> memref<128x128xf32, #tpu.memory_space<vmem_shared>>
      tpu.wait_dma2 semaphore(%run_scoped3A : memref<!tpu.dma_semaphore, #tpu.memory_space<semaphore_mem>>) src(%arg8 : memref<128x128xf32, #tpu.memory_space<vmem>>) dst(%dma_wait3A_48 : memref<128x128xf32, #tpu.memory_space<vmem_shared>>)
      tpu.yield
    }) : () -> ()
    %add3A_15 = arith.constant 512 : i32
    %add3A_16 = arith.addi %mul3A_6, %add3A_15 : i32
    "tpu.region"() ({
      %run_scoped3A = tpu.sem_alloc : memref<!tpu.dma_semaphore, #tpu.memory_space<semaphore_mem>>
      %dma_start3A = arith.constant 0 : i32
      %dma_start3A_43 = tpu.memref_slice %arg9[%add3A_16, %dma_start3A] : memref<10240x128xf32, #tpu.memory_space<vmem_shared>> -> memref<128x128xf32, #tpu.memory_space<vmem_shared>>
      %dma_start3A_44 = arith.constant 0 : i32
      %dma_start3A_45 = tpu.memref_slice %arg9[%add3A_16, %dma_start3A_44] : memref<10240x128xf32, #tpu.memory_space<vmem_shared>> -> memref<128x128xf32, #tpu.memory_space<vmem_shared>>
      tpu.enqueue_dma source(%arg8 : memref<128x128xf32, #tpu.memory_space<vmem>>) target(%dma_start3A_45 : memref<128x128xf32, #tpu.memory_space<vmem_shared>>) target_semaphore(%run_scoped3A : memref<!tpu.dma_semaphore, #tpu.memory_space<semaphore_mem>>)
      %dma_wait3A = arith.constant 0 : i32
      %dma_wait3A_46 = tpu.memref_slice %arg9[%add3A_16, %dma_wait3A] : memref<10240x128xf32, #tpu.memory_space<vmem_shared>> -> memref<128x128xf32, #tpu.memory_space<vmem_shared>>
      %dma_wait3A_47 = arith.constant 0 : i32
      %dma_wait3A_48 = tpu.memref_slice %arg9[%add3A_16, %dma_wait3A_47] : memref<10240x128xf32, #tpu.memory_space<vmem_shared>> -> memref<128x128xf32, #tpu.memory_space<vmem_shared>>
      tpu.wait_dma2 semaphore(%run_scoped3A : memref<!tpu.dma_semaphore, #tpu.memory_space<semaphore_mem>>) src(%arg8 : memref<128x128xf32, #tpu.memory_space<vmem>>) dst(%dma_wait3A_48 : memref<128x128xf32, #tpu.memory_space<vmem_shared>>)
      tpu.yield
    }) : () -> ()
    %barrier3A = arith.constant 0 : index
    tpu.barrier barrier_id(%barrier3A)
    %scan3A_17 = arith.constant 0 : i32
    %scan3A_18 = arith.constant 79 : i32
    %scan3A_19 = arith.addi %scan3A_17, %scan3A_18 : i32
    %scan3A_20 = arith.constant 1 : i32
    scf.for %scan3A_43 = %scan3A_17 to %scan3A_19 step %scan3A_20  : i32 {
      %mul3A_44 = arith.constant 1 : i32
      %mul3A_45 = arith.muli %scan3A_43, %mul3A_44 : i32
      %add3A_46 = arith.constant 0 : i32
      %add3A_47 = arith.addi %add3A_46, %mul3A_45 : i32
      %dma_start3A = arith.constant 0 : i32
      %dma_start3A_48 = tpu.memref_slice %arg6[%add3A_47, %dma_start3A] : memref<79x128xi32, #tpu.memory_space<vmem>> -> memref<1x128xi32, #tpu.memory_space<vmem>>
      %dma_start3A_49 = tpu.memref_squeeze %dma_start3A_48 : memref<1x128xi32, #tpu.memory_space<vmem>> -> memref<128xi32, #tpu.memory_space<vmem>>
      %dma_start3A_50 = arith.constant 0 : i32
      %dma_start3A_51 = arith.constant 0 : i32
      %dma_start3A_52 = tpu.memref_slice %arg2[%dma_start3A_50, %dma_start3A_51] : memref<10240x128xf32, #tpu.memory_space<hbm>> -> memref<10240x128xf32, #tpu.memory_space<hbm>>
      tpu.enqueue_indirect_dma source(%dma_start3A_52 : memref<10240x128xf32, #tpu.memory_space<hbm>>) target(%arg8 : memref<128x128xf32, #tpu.memory_space<vmem>>) offsets(%dma_start3A_49 : memref<128xi32, #tpu.memory_space<vmem>>) semaphore(%arg10 : memref<!tpu.dma_semaphore, #tpu.memory_space<semaphore_mem>>)
      %dma_wait3A = arith.constant 0 : i32
      %dma_wait3A_53 = tpu.memref_slice %arg6[%add3A_47, %dma_wait3A] : memref<79x128xi32, #tpu.memory_space<vmem>> -> memref<1x128xi32, #tpu.memory_space<vmem>>
      %dma_wait3A_54 = tpu.memref_squeeze %dma_wait3A_53 : memref<1x128xi32, #tpu.memory_space<vmem>> -> memref<128xi32, #tpu.memory_space<vmem>>
      %dma_wait3A_55 = arith.constant 0 : i32
      %dma_wait3A_56 = arith.constant 0 : i32
      %dma_wait3A_57 = tpu.memref_slice %arg2[%dma_wait3A_55, %dma_wait3A_56] : memref<10240x128xf32, #tpu.memory_space<hbm>> -> memref<10240x128xf32, #tpu.memory_space<hbm>>
      tpu.wait_indirect_dma semaphore(%arg10 : memref<!tpu.dma_semaphore, #tpu.memory_space<semaphore_mem>>) src(%dma_wait3A_57 : memref<10240x128xf32, #tpu.memory_space<hbm>>) dst(%arg8 : memref<128x128xf32, #tpu.memory_space<vmem>>)
      "tpu.region"() ({
        %run_scoped3A = tpu.sem_alloc : memref<!tpu.dma_semaphore, #tpu.memory_space<semaphore_mem>>
        %dma_start3A_58 = arith.constant 0 : i32
        %dma_start3A_59 = tpu.memref_slice %arg7[%add3A_47, %dma_start3A_58] : memref<79x128xi32, #tpu.memory_space<vmem>> -> memref<1x128xi32, #tpu.memory_space<vmem>>
        %dma_start3A_60 = tpu.memref_squeeze %dma_start3A_59 : memref<1x128xi32, #tpu.memory_space<vmem>> -> memref<128xi32, #tpu.memory_space<vmem>>
        %dma_start3A_61 = arith.constant 0 : i32
        %dma_start3A_62 = arith.constant 0 : i32
        %dma_start3A_63 = tpu.memref_slice %arg9[%dma_start3A_61, %dma_start3A_62] : memref<10240x128xf32, #tpu.memory_space<vmem_shared>> -> memref<10240x128xf32, #tpu.memory_space<vmem_shared>>
        tpu.enqueue_indirect_dma source(%arg8 : memref<128x128xf32, #tpu.memory_space<vmem>>) target(%dma_start3A_63 : memref<10240x128xf32, #tpu.memory_space<vmem_shared>>) offsets(%dma_start3A_60 : memref<128xi32, #tpu.memory_space<vmem>>) semaphore(%run_scoped3A : memref<!tpu.dma_semaphore, #tpu.memory_space<semaphore_mem>>) {add = true}
        %dma_wait3A_64 = arith.constant 0 : i32
        %dma_wait3A_65 = tpu.memref_slice %arg7[%add3A_47, %dma_wait3A_64] : memref<79x128xi32, #tpu.memory_space<vmem>> -> memref<1x128xi32, #tpu.memory_space<vmem>>
        %dma_wait3A_66 = tpu.memref_squeeze %dma_wait3A_65 : memref<1x128xi32, #tpu.memory_space<vmem>> -> memref<128xi32, #tpu.memory_space<vmem>>
        %dma_wait3A_67 = arith.constant 0 : i32
        %dma_wait3A_68 = arith.constant 0 : i32
        %dma_wait3A_69 = tpu.memref_slice %arg9[%dma_wait3A_67, %dma_wait3A_68] : memref<10240x128xf32, #tpu.memory_space<vmem_shared>> -> memref<10240x128xf32, #tpu.memory_space<vmem_shared>>
        tpu.wait_indirect_dma semaphore(%run_scoped3A : memref<!tpu.dma_semaphore, #tpu.memory_space<semaphore_mem>>) src(%arg8 : memref<128x128xf32, #tpu.memory_space<vmem>>) dst(%dma_wait3A_69 : memref<10240x128xf32, #tpu.memory_space<vmem_shared>>)
        tpu.yield
      }) : () -> ()
    }
    %scan3A_21 = arith.constant 79 : i32
    %barrier3A_22 = arith.constant 0 : index
    tpu.barrier barrier_id(%barrier3A_22)
    %mul3A_23 = arith.constant 640 : i32
    %mul3A_24 = arith.muli %arg1, %mul3A_23 : i32
    %add3A_25 = arith.constant 0 : i32
    %add3A_26 = arith.addi %mul3A_24, %add3A_25 : i32
    "tpu.region"() ({
      %run_scoped3A = tpu.sem_alloc : memref<!tpu.dma_semaphore, #tpu.memory_space<semaphore_mem>>
      %dma_start3A = arith.constant 0 : i32
      %dma_start3A_43 = tpu.memref_slice %arg9[%add3A_26, %dma_start3A] : memref<10240x128xf32, #tpu.memory_space<vmem_shared>> -> memref<128x128xf32, #tpu.memory_space<vmem_shared>>
      %dma_start3A_44 = arith.constant 0 : i32
      %dma_start3A_45 = tpu.memref_slice %arg9[%add3A_26, %dma_start3A_44] : memref<10240x128xf32, #tpu.memory_space<vmem_shared>> -> memref<128x128xf32, #tpu.memory_space<vmem_shared>>
      tpu.enqueue_dma source(%dma_start3A_45 : memref<128x128xf32, #tpu.memory_space<vmem_shared>>) target(%arg8 : memref<128x128xf32, #tpu.memory_space<vmem>>) target_semaphore(%run_scoped3A : memref<!tpu.dma_semaphore, #tpu.memory_space<semaphore_mem>>)
      %dma_wait3A = arith.constant 0 : i32
      %dma_wait3A_46 = tpu.memref_slice %arg9[%add3A_26, %dma_wait3A] : memref<10240x128xf32, #tpu.memory_space<vmem_shared>> -> memref<128x128xf32, #tpu.memory_space<vmem_shared>>
      %dma_wait3A_47 = arith.constant 0 : i32
      %dma_wait3A_48 = tpu.memref_slice %arg9[%add3A_26, %dma_wait3A_47] : memref<10240x128xf32, #tpu.memory_space<vmem_shared>> -> memref<128x128xf32, #tpu.memory_space<vmem_shared>>
      tpu.wait_dma2 semaphore(%run_scoped3A : memref<!tpu.dma_semaphore, #tpu.memory_space<semaphore_mem>>) src(%dma_wait3A_48 : memref<128x128xf32, #tpu.memory_space<vmem_shared>>) dst(%arg8 : memref<128x128xf32, #tpu.memory_space<vmem>>)
      tpu.yield
    }) : () -> ()
    "tpu.region"() ({
      %run_scoped3A = tpu.sem_alloc : memref<!tpu.dma_semaphore, #tpu.memory_space<semaphore_mem>>
      %dma_start3A = arith.constant 0 : i32
      %dma_start3A_43 = arith.constant 0 : i32
      %dma_start3A_44 = tpu.memref_slice %arg5[%arg0, %dma_start3A, %dma_start3A_43] : memref<2x10240x128xf32, #tpu.memory_space<hbm>> -> memref<1x10240x128xf32, #tpu.memory_space<hbm>>
      %dma_start3A_45 = tpu.memref_squeeze %dma_start3A_44 : memref<1x10240x128xf32, #tpu.memory_space<hbm>> -> memref<10240x128xf32, #tpu.memory_space<hbm>>
      %dma_start3A_46 = arith.constant 0 : i32
      %dma_start3A_47 = tpu.memref_slice %dma_start3A_45[%add3A_26, %dma_start3A_46] : memref<10240x128xf32, #tpu.memory_space<hbm>> -> memref<128x128xf32, #tpu.memory_space<hbm>>
      %dma_start3A_48 = arith.constant 0 : i32
      %dma_start3A_49 = arith.constant 0 : i32
      %dma_start3A_50 = tpu.memref_slice %arg5[%arg0, %dma_start3A_48, %dma_start3A_49] : memref<2x10240x128xf32, #tpu.memory_space<hbm>> -> memref<1x10240x128xf32, #tpu.memory_space<hbm>>
      %dma_start3A_51 = tpu.memref_squeeze %dma_start3A_50 : memref<1x10240x128xf32, #tpu.memory_space<hbm>> -> memref<10240x128xf32, #tpu.memory_space<hbm>>
      %dma_start3A_52 = arith.constant 0 : i32
      %dma_start3A_53 = tpu.memref_slice %dma_start3A_51[%add3A_26, %dma_start3A_52] : memref<10240x128xf32, #tpu.memory_space<hbm>> -> memref<128x128xf32, #tpu.memory_space<hbm>>
      tpu.enqueue_dma source(%arg8 : memref<128x128xf32, #tpu.memory_space<vmem>>) target(%dma_start3A_53 : memref<128x128xf32, #tpu.memory_space<hbm>>) target_semaphore(%run_scoped3A : memref<!tpu.dma_semaphore, #tpu.memory_space<semaphore_mem>>)
      %dma_wait3A = arith.constant 0 : i32
      %dma_wait3A_54 = arith.constant 0 : i32
      %dma_wait3A_55 = tpu.memref_slice %arg5[%arg0, %dma_wait3A, %dma_wait3A_54] : memref<2x10240x128xf32, #tpu.memory_space<hbm>> -> memref<1x10240x128xf32, #tpu.memory_space<hbm>>
      %dma_wait3A_56 = tpu.memref_squeeze %dma_wait3A_55 : memref<1x10240x128xf32, #tpu.memory_space<hbm>> -> memref<10240x128xf32, #tpu.memory_space<hbm>>
      %dma_wait3A_57 = arith.constant 0 : i32
      %dma_wait3A_58 = tpu.memref_slice %dma_wait3A_56[%add3A_26, %dma_wait3A_57] : memref<10240x128xf32, #tpu.memory_space<hbm>> -> memref<128x128xf32, #tpu.memory_space<hbm>>
      %dma_wait3A_59 = arith.constant 0 : i32
      %dma_wait3A_60 = arith.constant 0 : i32
      %dma_wait3A_61 = tpu.memref_slice %arg5[%arg0, %dma_wait3A_59, %dma_wait3A_60] : memref<2x10240x128xf32, #tpu.memory_space<hbm>> -> memref<1x10240x128xf32, #tpu.memory_space<hbm>>
      %dma_wait3A_62 = tpu.memref_squeeze %dma_wait3A_61 : memref<1x10240x128xf32, #tpu.memory_space<hbm>> -> memref<10240x128xf32, #tpu.memory_space<hbm>>
      %dma_wait3A_63 = arith.constant 0 : i32
      %dma_wait3A_64 = tpu.memref_slice %dma_wait3A_62[%add3A_26, %dma_wait3A_63] : memref<10240x128xf32, #tpu.memory_space<hbm>> -> memref<128x128xf32, #tpu.memory_space<hbm>>
      tpu.wait_dma2 semaphore(%run_scoped3A : memref<!tpu.dma_semaphore, #tpu.memory_space<semaphore_mem>>) src(%arg8 : memref<128x128xf32, #tpu.memory_space<vmem>>) dst(%dma_wait3A_64 : memref<128x128xf32, #tpu.memory_space<hbm>>)
      tpu.yield
    }) : () -> ()
    %mul3A_27 = arith.constant 640 : i32
    %mul3A_28 = arith.muli %arg1, %mul3A_27 : i32
    %add3A_29 = arith.constant 128 : i32
    %add3A_30 = arith.addi %mul3A_28, %add3A_29 : i32
    "tpu.region"() ({
      %run_scoped3A = tpu.sem_alloc : memref<!tpu.dma_semaphore, #tpu.memory_space<semaphore_mem>>
      %dma_start3A = arith.constant 0 : i32
      %dma_start3A_43 = tpu.memref_slice %arg9[%add3A_30, %dma_start3A] : memref<10240x128xf32, #tpu.memory_space<vmem_shared>> -> memref<128x128xf32, #tpu.memory_space<vmem_shared>>
      %dma_start3A_44 = arith.constant 0 : i32
      %dma_start3A_45 = tpu.memref_slice %arg9[%add3A_30, %dma_start3A_44] : memref<10240x128xf32, #tpu.memory_space<vmem_shared>> -> memref<128x128xf32, #tpu.memory_space<vmem_shared>>
      tpu.enqueue_dma source(%dma_start3A_45 : memref<128x128xf32, #tpu.memory_space<vmem_shared>>) target(%arg8 : memref<128x128xf32, #tpu.memory_space<vmem>>) target_semaphore(%run_scoped3A : memref<!tpu.dma_semaphore, #tpu.memory_space<semaphore_mem>>)
      %dma_wait3A = arith.constant 0 : i32
      %dma_wait3A_46 = tpu.memref_slice %arg9[%add3A_30, %dma_wait3A] : memref<10240x128xf32, #tpu.memory_space<vmem_shared>> -> memref<128x128xf32, #tpu.memory_space<vmem_shared>>
      %dma_wait3A_47 = arith.constant 0 : i32
      %dma_wait3A_48 = tpu.memref_slice %arg9[%add3A_30, %dma_wait3A_47] : memref<10240x128xf32, #tpu.memory_space<vmem_shared>> -> memref<128x128xf32, #tpu.memory_space<vmem_shared>>
      tpu.wait_dma2 semaphore(%run_scoped3A : memref<!tpu.dma_semaphore, #tpu.memory_space<semaphore_mem>>) src(%dma_wait3A_48 : memref<128x128xf32, #tpu.memory_space<vmem_shared>>) dst(%arg8 : memref<128x128xf32, #tpu.memory_space<vmem>>)
      tpu.yield
    }) : () -> ()
    "tpu.region"() ({
      %run_scoped3A = tpu.sem_alloc : memref<!tpu.dma_semaphore, #tpu.memory_space<semaphore_mem>>
      %dma_start3A = arith.constant 0 : i32
      %dma_start3A_43 = arith.constant 0 : i32
      %dma_start3A_44 = tpu.memref_slice %arg5[%arg0, %dma_start3A, %dma_start3A_43] : memref<2x10240x128xf32, #tpu.memory_space<hbm>> -> memref<1x10240x128xf32, #tpu.memory_space<hbm>>
      %dma_start3A_45 = tpu.memref_squeeze %dma_start3A_44 : memref<1x10240x128xf32, #tpu.memory_space<hbm>> -> memref<10240x128xf32, #tpu.memory_space<hbm>>
      %dma_start3A_46 = arith.constant 0 : i32
      %dma_start3A_47 = tpu.memref_slice %dma_start3A_45[%add3A_30, %dma_start3A_46] : memref<10240x128xf32, #tpu.memory_space<hbm>> -> memref<128x128xf32, #tpu.memory_space<hbm>>
      %dma_start3A_48 = arith.constant 0 : i32
      %dma_start3A_49 = arith.constant 0 : i32
      %dma_start3A_50 = tpu.memref_slice %arg5[%arg0, %dma_start3A_48, %dma_start3A_49] : memref<2x10240x128xf32, #tpu.memory_space<hbm>> -> memref<1x10240x128xf32, #tpu.memory_space<hbm>>
      %dma_start3A_51 = tpu.memref_squeeze %dma_start3A_50 : memref<1x10240x128xf32, #tpu.memory_space<hbm>> -> memref<10240x128xf32, #tpu.memory_space<hbm>>
      %dma_start3A_52 = arith.constant 0 : i32
      %dma_start3A_53 = tpu.memref_slice %dma_start3A_51[%add3A_30, %dma_start3A_52] : memref<10240x128xf32, #tpu.memory_space<hbm>> -> memref<128x128xf32, #tpu.memory_space<hbm>>
      tpu.enqueue_dma source(%arg8 : memref<128x128xf32, #tpu.memory_space<vmem>>) target(%dma_start3A_53 : memref<128x128xf32, #tpu.memory_space<hbm>>) target_semaphore(%run_scoped3A : memref<!tpu.dma_semaphore, #tpu.memory_space<semaphore_mem>>)
      %dma_wait3A = arith.constant 0 : i32
      %dma_wait3A_54 = arith.constant 0 : i32
      %dma_wait3A_55 = tpu.memref_slice %arg5[%arg0, %dma_wait3A, %dma_wait3A_54] : memref<2x10240x128xf32, #tpu.memory_space<hbm>> -> memref<1x10240x128xf32, #tpu.memory_space<hbm>>
      %dma_wait3A_56 = tpu.memref_squeeze %dma_wait3A_55 : memref<1x10240x128xf32, #tpu.memory_space<hbm>> -> memref<10240x128xf32, #tpu.memory_space<hbm>>
      %dma_wait3A_57 = arith.constant 0 : i32
      %dma_wait3A_58 = tpu.memref_slice %dma_wait3A_56[%add3A_30, %dma_wait3A_57] : memref<10240x128xf32, #tpu.memory_space<hbm>> -> memref<128x128xf32, #tpu.memory_space<hbm>>
      %dma_wait3A_59 = arith.constant 0 : i32
      %dma_wait3A_60 = arith.constant 0 : i32
      %dma_wait3A_61 = tpu.memref_slice %arg5[%arg0, %dma_wait3A_59, %dma_wait3A_60] : memref<2x10240x128xf32, #tpu.memory_space<hbm>> -> memref<1x10240x128xf32, #tpu.memory_space<hbm>>
      %dma_wait3A_62 = tpu.memref_squeeze %dma_wait3A_61 : memref<1x10240x128xf32, #tpu.memory_space<hbm>> -> memref<10240x128xf32, #tpu.memory_space<hbm>>
      %dma_wait3A_63 = arith.constant 0 : i32
      %dma_wait3A_64 = tpu.memref_slice %dma_wait3A_62[%add3A_30, %dma_wait3A_63] : memref<10240x128xf32, #tpu.memory_space<hbm>> -> memref<128x128xf32, #tpu.memory_space<hbm>>
      tpu.wait_dma2 semaphore(%run_scoped3A : memref<!tpu.dma_semaphore, #tpu.memory_space<semaphore_mem>>) src(%arg8 : memref<128x128xf32, #tpu.memory_space<vmem>>) dst(%dma_wait3A_64 : memref<128x128xf32, #tpu.memory_space<hbm>>)
      tpu.yield
    }) : () -> ()
    %mul3A_31 = arith.constant 640 : i32
    %mul3A_32 = arith.muli %arg1, %mul3A_31 : i32
    %add3A_33 = arith.constant 256 : i32
    %add3A_34 = arith.addi %mul3A_32, %add3A_33 : i32
    "tpu.region"() ({
      %run_scoped3A = tpu.sem_alloc : memref<!tpu.dma_semaphore, #tpu.memory_space<semaphore_mem>>
      %dma_start3A = arith.constant 0 : i32
      %dma_start3A_43 = tpu.memref_slice %arg9[%add3A_34, %dma_start3A] : memref<10240x128xf32, #tpu.memory_space<vmem_shared>> -> memref<128x128xf32, #tpu.memory_space<vmem_shared>>
      %dma_start3A_44 = arith.constant 0 : i32
      %dma_start3A_45 = tpu.memref_slice %arg9[%add3A_34, %dma_start3A_44] : memref<10240x128xf32, #tpu.memory_space<vmem_shared>> -> memref<128x128xf32, #tpu.memory_space<vmem_shared>>
      tpu.enqueue_dma source(%dma_start3A_45 : memref<128x128xf32, #tpu.memory_space<vmem_shared>>) target(%arg8 : memref<128x128xf32, #tpu.memory_space<vmem>>) target_semaphore(%run_scoped3A : memref<!tpu.dma_semaphore, #tpu.memory_space<semaphore_mem>>)
      %dma_wait3A = arith.constant 0 : i32
      %dma_wait3A_46 = tpu.memref_slice %arg9[%add3A_34, %dma_wait3A] : memref<10240x128xf32, #tpu.memory_space<vmem_shared>> -> memref<128x128xf32, #tpu.memory_space<vmem_shared>>
      %dma_wait3A_47 = arith.constant 0 : i32
      %dma_wait3A_48 = tpu.memref_slice %arg9[%add3A_34, %dma_wait3A_47] : memref<10240x128xf32, #tpu.memory_space<vmem_shared>> -> memref<128x128xf32, #tpu.memory_space<vmem_shared>>
      tpu.wait_dma2 semaphore(%run_scoped3A : memref<!tpu.dma_semaphore, #tpu.memory_space<semaphore_mem>>) src(%dma_wait3A_48 : memref<128x128xf32, #tpu.memory_space<vmem_shared>>) dst(%arg8 : memref<128x128xf32, #tpu.memory_space<vmem>>)
      tpu.yield
    }) : () -> ()
    "tpu.region"() ({
      %run_scoped3A = tpu.sem_alloc : memref<!tpu.dma_semaphore, #tpu.memory_space<semaphore_mem>>
      %dma_start3A = arith.constant 0 : i32
      %dma_start3A_43 = arith.constant 0 : i32
      %dma_start3A_44 = tpu.memref_slice %arg5[%arg0, %dma_start3A, %dma_start3A_43] : memref<2x10240x128xf32, #tpu.memory_space<hbm>> -> memref<1x10240x128xf32, #tpu.memory_space<hbm>>
      %dma_start3A_45 = tpu.memref_squeeze %dma_start3A_44 : memref<1x10240x128xf32, #tpu.memory_space<hbm>> -> memref<10240x128xf32, #tpu.memory_space<hbm>>
      %dma_start3A_46 = arith.constant 0 : i32
      %dma_start3A_47 = tpu.memref_slice %dma_start3A_45[%add3A_34, %dma_start3A_46] : memref<10240x128xf32, #tpu.memory_space<hbm>> -> memref<128x128xf32, #tpu.memory_space<hbm>>
      %dma_start3A_48 = arith.constant 0 : i32
      %dma_start3A_49 = arith.constant 0 : i32
      %dma_start3A_50 = tpu.memref_slice %arg5[%arg0, %dma_start3A_48, %dma_start3A_49] : memref<2x10240x128xf32, #tpu.memory_space<hbm>> -> memref<1x10240x128xf32, #tpu.memory_space<hbm>>
      %dma_start3A_51 = tpu.memref_squeeze %dma_start3A_50 : memref<1x10240x128xf32, #tpu.memory_space<hbm>> -> memref<10240x128xf32, #tpu.memory_space<hbm>>
      %dma_start3A_52 = arith.constant 0 : i32
      %dma_start3A_53 = tpu.memref_slice %dma_start3A_51[%add3A_34, %dma_start3A_52] : memref<10240x128xf32, #tpu.memory_space<hbm>> -> memref<128x128xf32, #tpu.memory_space<hbm>>
      tpu.enqueue_dma source(%arg8 : memref<128x128xf32, #tpu.memory_space<vmem>>) target(%dma_start3A_53 : memref<128x128xf32, #tpu.memory_space<hbm>>) target_semaphore(%run_scoped3A : memref<!tpu.dma_semaphore, #tpu.memory_space<semaphore_mem>>)
      %dma_wait3A = arith.constant 0 : i32
      %dma_wait3A_54 = arith.constant 0 : i32
      %dma_wait3A_55 = tpu.memref_slice %arg5[%arg0, %dma_wait3A, %dma_wait3A_54] : memref<2x10240x128xf32, #tpu.memory_space<hbm>> -> memref<1x10240x128xf32, #tpu.memory_space<hbm>>
      %dma_wait3A_56 = tpu.memref_squeeze %dma_wait3A_55 : memref<1x10240x128xf32, #tpu.memory_space<hbm>> -> memref<10240x128xf32, #tpu.memory_space<hbm>>
      %dma_wait3A_57 = arith.constant 0 : i32
      %dma_wait3A_58 = tpu.memref_slice %dma_wait3A_56[%add3A_34, %dma_wait3A_57] : memref<10240x128xf32, #tpu.memory_space<hbm>> -> memref<128x128xf32, #tpu.memory_space<hbm>>
      %dma_wait3A_59 = arith.constant 0 : i32
      %dma_wait3A_60 = arith.constant 0 : i32
      %dma_wait3A_61 = tpu.memref_slice %arg5[%arg0, %dma_wait3A_59, %dma_wait3A_60] : memref<2x10240x128xf32, #tpu.memory_space<hbm>> -> memref<1x10240x128xf32, #tpu.memory_space<hbm>>
      %dma_wait3A_62 = tpu.memref_squeeze %dma_wait3A_61 : memref<1x10240x128xf32, #tpu.memory_space<hbm>> -> memref<10240x128xf32, #tpu.memory_space<hbm>>
      %dma_wait3A_63 = arith.constant 0 : i32
      %dma_wait3A_64 = tpu.memref_slice %dma_wait3A_62[%add3A_34, %dma_wait3A_63] : memref<10240x128xf32, #tpu.memory_space<hbm>> -> memref<128x128xf32, #tpu.memory_space<hbm>>
      tpu.wait_dma2 semaphore(%run_scoped3A : memref<!tpu.dma_semaphore, #tpu.memory_space<semaphore_mem>>) src(%arg8 : memref<128x128xf32, #tpu.memory_space<vmem>>) dst(%dma_wait3A_64 : memref<128x128xf32, #tpu.memory_space<hbm>>)
      tpu.yield
    }) : () -> ()
    %mul3A_35 = arith.constant 640 : i32
    %mul3A_36 = arith.muli %arg1, %mul3A_35 : i32
    %add3A_37 = arith.constant 384 : i32
    %add3A_38 = arith.addi %mul3A_36, %add3A_37 : i32
    "tpu.region"() ({
      %run_scoped3A = tpu.sem_alloc : memref<!tpu.dma_semaphore, #tpu.memory_space<semaphore_mem>>
      %dma_start3A = arith.constant 0 : i32
      %dma_start3A_43 = tpu.memref_slice %arg9[%add3A_38, %dma_start3A] : memref<10240x128xf32, #tpu.memory_space<vmem_shared>> -> memref<128x128xf32, #tpu.memory_space<vmem_shared>>
      %dma_start3A_44 = arith.constant 0 : i32
      %dma_start3A_45 = tpu.memref_slice %arg9[%add3A_38, %dma_start3A_44] : memref<10240x128xf32, #tpu.memory_space<vmem_shared>> -> memref<128x128xf32, #tpu.memory_space<vmem_shared>>
      tpu.enqueue_dma source(%dma_start3A_45 : memref<128x128xf32, #tpu.memory_space<vmem_shared>>) target(%arg8 : memref<128x128xf32, #tpu.memory_space<vmem>>) target_semaphore(%run_scoped3A : memref<!tpu.dma_semaphore, #tpu.memory_space<semaphore_mem>>)
      %dma_wait3A = arith.constant 0 : i32
      %dma_wait3A_46 = tpu.memref_slice %arg9[%add3A_38, %dma_wait3A] : memref<10240x128xf32, #tpu.memory_space<vmem_shared>> -> memref<128x128xf32, #tpu.memory_space<vmem_shared>>
      %dma_wait3A_47 = arith.constant 0 : i32
      %dma_wait3A_48 = tpu.memref_slice %arg9[%add3A_38, %dma_wait3A_47] : memref<10240x128xf32, #tpu.memory_space<vmem_shared>> -> memref<128x128xf32, #tpu.memory_space<vmem_shared>>
      tpu.wait_dma2 semaphore(%run_scoped3A : memref<!tpu.dma_semaphore, #tpu.memory_space<semaphore_mem>>) src(%dma_wait3A_48 : memref<128x128xf32, #tpu.memory_space<vmem_shared>>) dst(%arg8 : memref<128x128xf32, #tpu.memory_space<vmem>>)
      tpu.yield
    }) : () -> ()
    "tpu.region"() ({
      %run_scoped3A = tpu.sem_alloc : memref<!tpu.dma_semaphore, #tpu.memory_space<semaphore_mem>>
      %dma_start3A = arith.constant 0 : i32
      %dma_start3A_43 = arith.constant 0 : i32
      %dma_start3A_44 = tpu.memref_slice %arg5[%arg0, %dma_start3A, %dma_start3A_43] : memref<2x10240x128xf32, #tpu.memory_space<hbm>> -> memref<1x10240x128xf32, #tpu.memory_space<hbm>>
      %dma_start3A_45 = tpu.memref_squeeze %dma_start3A_44 : memref<1x10240x128xf32, #tpu.memory_space<hbm>> -> memref<10240x128xf32, #tpu.memory_space<hbm>>
      %dma_start3A_46 = arith.constant 0 : i32
      %dma_start3A_47 = tpu.memref_slice %dma_start3A_45[%add3A_38, %dma_start3A_46] : memref<10240x128xf32, #tpu.memory_space<hbm>> -> memref<128x128xf32, #tpu.memory_space<hbm>>
      %dma_start3A_48 = arith.constant 0 : i32
      %dma_start3A_49 = arith.constant 0 : i32
      %dma_start3A_50 = tpu.memref_slice %arg5[%arg0, %dma_start3A_48, %dma_start3A_49] : memref<2x10240x128xf32, #tpu.memory_space<hbm>> -> memref<1x10240x128xf32, #tpu.memory_space<hbm>>
      %dma_start3A_51 = tpu.memref_squeeze %dma_start3A_50 : memref<1x10240x128xf32, #tpu.memory_space<hbm>> -> memref<10240x128xf32, #tpu.memory_space<hbm>>
      %dma_start3A_52 = arith.constant 0 : i32
      %dma_start3A_53 = tpu.memref_slice %dma_start3A_51[%add3A_38, %dma_start3A_52] : memref<10240x128xf32, #tpu.memory_space<hbm>> -> memref<128x128xf32, #tpu.memory_space<hbm>>
      tpu.enqueue_dma source(%arg8 : memref<128x128xf32, #tpu.memory_space<vmem>>) target(%dma_start3A_53 : memref<128x128xf32, #tpu.memory_space<hbm>>) target_semaphore(%run_scoped3A : memref<!tpu.dma_semaphore, #tpu.memory_space<semaphore_mem>>)
      %dma_wait3A = arith.constant 0 : i32
      %dma_wait3A_54 = arith.constant 0 : i32
      %dma_wait3A_55 = tpu.memref_slice %arg5[%arg0, %dma_wait3A, %dma_wait3A_54] : memref<2x10240x128xf32, #tpu.memory_space<hbm>> -> memref<1x10240x128xf32, #tpu.memory_space<hbm>>
      %dma_wait3A_56 = tpu.memref_squeeze %dma_wait3A_55 : memref<1x10240x128xf32, #tpu.memory_space<hbm>> -> memref<10240x128xf32, #tpu.memory_space<hbm>>
      %dma_wait3A_57 = arith.constant 0 : i32
      %dma_wait3A_58 = tpu.memref_slice %dma_wait3A_56[%add3A_38, %dma_wait3A_57] : memref<10240x128xf32, #tpu.memory_space<hbm>> -> memref<128x128xf32, #tpu.memory_space<hbm>>
      %dma_wait3A_59 = arith.constant 0 : i32
      %dma_wait3A_60 = arith.constant 0 : i32
      %dma_wait3A_61 = tpu.memref_slice %arg5[%arg0, %dma_wait3A_59, %dma_wait3A_60] : memref<2x10240x128xf32, #tpu.memory_space<hbm>> -> memref<1x10240x128xf32, #tpu.memory_space<hbm>>
      %dma_wait3A_62 = tpu.memref_squeeze %dma_wait3A_61 : memref<1x10240x128xf32, #tpu.memory_space<hbm>> -> memref<10240x128xf32, #tpu.memory_space<hbm>>
      %dma_wait3A_63 = arith.constant 0 : i32
      %dma_wait3A_64 = tpu.memref_slice %dma_wait3A_62[%add3A_38, %dma_wait3A_63] : memref<10240x128xf32, #tpu.memory_space<hbm>> -> memref<128x128xf32, #tpu.memory_space<hbm>>
      tpu.wait_dma2 semaphore(%run_scoped3A : memref<!tpu.dma_semaphore, #tpu.memory_space<semaphore_mem>>) src(%arg8 : memref<128x128xf32, #tpu.memory_space<vmem>>) dst(%dma_wait3A_64 : memref<128x128xf32, #tpu.memory_space<hbm>>)
      tpu.yield
    }) : () -> ()
    %mul3A_39 = arith.constant 640 : i32
    %mul3A_40 = arith.muli %arg1, %mul3A_39 : i32
    %add3A_41 = arith.constant 512 : i32
    %add3A_42 = arith.addi %mul3A_40, %add3A_41 : i32
    "tpu.region"() ({
      %run_scoped3A = tpu.sem_alloc : memref<!tpu.dma_semaphore, #tpu.memory_space<semaphore_mem>>
      %dma_start3A = arith.constant 0 : i32
      %dma_start3A_43 = tpu.memref_slice %arg9[%add3A_42, %dma_start3A] : memref<10240x128xf32, #tpu.memory_space<vmem_shared>> -> memref<128x128xf32, #tpu.memory_space<vmem_shared>>
      %dma_start3A_44 = arith.constant 0 : i32
      %dma_start3A_45 = tpu.memref_slice %arg9[%add3A_42, %dma_start3A_44] : memref<10240x128xf32, #tpu.memory_space<vmem_shared>> -> memref<128x128xf32, #tpu.memory_space<vmem_shared>>
      tpu.enqueue_dma source(%dma_start3A_45 : memref<128x128xf32, #tpu.memory_space<vmem_shared>>) target(%arg8 : memref<128x128xf32, #tpu.memory_space<vmem>>) target_semaphore(%run_scoped3A : memref<!tpu.dma_semaphore, #tpu.memory_space<semaphore_mem>>)
      %dma_wait3A = arith.constant 0 : i32
      %dma_wait3A_46 = tpu.memref_slice %arg9[%add3A_42, %dma_wait3A] : memref<10240x128xf32, #tpu.memory_space<vmem_shared>> -> memref<128x128xf32, #tpu.memory_space<vmem_shared>>
      %dma_wait3A_47 = arith.constant 0 : i32
      %dma_wait3A_48 = tpu.memref_slice %arg9[%add3A_42, %dma_wait3A_47] : memref<10240x128xf32, #tpu.memory_space<vmem_shared>> -> memref<128x128xf32, #tpu.memory_space<vmem_shared>>
      tpu.wait_dma2 semaphore(%run_scoped3A : memref<!tpu.dma_semaphore, #tpu.memory_space<semaphore_mem>>) src(%dma_wait3A_48 : memref<128x128xf32, #tpu.memory_space<vmem_shared>>) dst(%arg8 : memref<128x128xf32, #tpu.memory_space<vmem>>)
      tpu.yield
    }) : () -> ()
    "tpu.region"() ({
      %run_scoped3A = tpu.sem_alloc : memref<!tpu.dma_semaphore, #tpu.memory_space<semaphore_mem>>
      %dma_start3A = arith.constant 0 : i32
      %dma_start3A_43 = arith.constant 0 : i32
      %dma_start3A_44 = tpu.memref_slice %arg5[%arg0, %dma_start3A, %dma_start3A_43] : memref<2x10240x128xf32, #tpu.memory_space<hbm>> -> memref<1x10240x128xf32, #tpu.memory_space<hbm>>
      %dma_start3A_45 = tpu.memref_squeeze %dma_start3A_44 : memref<1x10240x128xf32, #tpu.memory_space<hbm>> -> memref<10240x128xf32, #tpu.memory_space<hbm>>
      %dma_start3A_46 = arith.constant 0 : i32
      %dma_start3A_47 = tpu.memref_slice %dma_start3A_45[%add3A_42, %dma_start3A_46] : memref<10240x128xf32, #tpu.memory_space<hbm>> -> memref<128x128xf32, #tpu.memory_space<hbm>>
      %dma_start3A_48 = arith.constant 0 : i32
      %dma_start3A_49 = arith.constant 0 : i32
      %dma_start3A_50 = tpu.memref_slice %arg5[%arg0, %dma_start3A_48, %dma_start3A_49] : memref<2x10240x128xf32, #tpu.memory_space<hbm>> -> memref<1x10240x128xf32, #tpu.memory_space<hbm>>
      %dma_start3A_51 = tpu.memref_squeeze %dma_start3A_50 : memref<1x10240x128xf32, #tpu.memory_space<hbm>> -> memref<10240x128xf32, #tpu.memory_space<hbm>>
      %dma_start3A_52 = arith.constant 0 : i32
      %dma_start3A_53 = tpu.memref_slice %dma_start3A_51[%add3A_42, %dma_start3A_52] : memref<10240x128xf32, #tpu.memory_space<hbm>> -> memref<128x128xf32, #tpu.memory_space<hbm>>
      tpu.enqueue_dma source(%arg8 : memref<128x128xf32, #tpu.memory_space<vmem>>) target(%dma_start3A_53 : memref<128x128xf32, #tpu.memory_space<hbm>>) target_semaphore(%run_scoped3A : memref<!tpu.dma_semaphore, #tpu.memory_space<semaphore_mem>>)
      %dma_wait3A = arith.constant 0 : i32
      %dma_wait3A_54 = arith.constant 0 : i32
      %dma_wait3A_55 = tpu.memref_slice %arg5[%arg0, %dma_wait3A, %dma_wait3A_54] : memref<2x10240x128xf32, #tpu.memory_space<hbm>> -> memref<1x10240x128xf32, #tpu.memory_space<hbm>>
      %dma_wait3A_56 = tpu.memref_squeeze %dma_wait3A_55 : memref<1x10240x128xf32, #tpu.memory_space<hbm>> -> memref<10240x128xf32, #tpu.memory_space<hbm>>
      %dma_wait3A_57 = arith.constant 0 : i32
      %dma_wait3A_58 = tpu.memref_slice %dma_wait3A_56[%add3A_42, %dma_wait3A_57] : memref<10240x128xf32, #tpu.memory_space<hbm>> -> memref<128x128xf32, #tpu.memory_space<hbm>>
      %dma_wait3A_59 = arith.constant 0 : i32
      %dma_wait3A_60 = arith.constant 0 : i32
      %dma_wait3A_61 = tpu.memref_slice %arg5[%arg0, %dma_wait3A_59, %dma_wait3A_60] : memref<2x10240x128xf32, #tpu.memory_space<hbm>> -> memref<1x10240x128xf32, #tpu.memory_space<hbm>>
      %dma_wait3A_62 = tpu.memref_squeeze %dma_wait3A_61 : memref<1x10240x128xf32, #tpu.memory_space<hbm>> -> memref<10240x128xf32, #tpu.memory_space<hbm>>
      %dma_wait3A_63 = arith.constant 0 : i32
      %dma_wait3A_64 = tpu.memref_slice %dma_wait3A_62[%add3A_42, %dma_wait3A_63] : memref<10240x128xf32, #tpu.memory_space<hbm>> -> memref<128x128xf32, #tpu.memory_space<hbm>>
      tpu.wait_dma2 semaphore(%run_scoped3A : memref<!tpu.dma_semaphore, #tpu.memory_space<semaphore_mem>>) src(%arg8 : memref<128x128xf32, #tpu.memory_space<vmem>>) dst(%dma_wait3A_64 : memref<128x128xf32, #tpu.memory_space<hbm>>)
      tpu.yield
    }) : () -> ()
    return
  }
}

#map = affine_map<(d0, d1) -> (0, 0)>
#map1 = affine_map<(d0, d1) -> (0, 0, 0)>
module attributes {stable_mosaic.version = 14 : i64} {
  func.func @seg(%arg0: i32, %arg1: i32, %arg2: memref<10000x128xf32, #tpu.memory_space<hbm>>, %arg3: memref<32x79x128xi32, #tpu.memory_space<hbm>>, %arg4: memref<32x79x128xi32, #tpu.memory_space<hbm>>, %arg5: memref<2x10240x128xf32, #tpu.memory_space<hbm>>, %arg6: memref<79x128xi32, #tpu.memory_space<vmem>>, %arg7: memref<79x128xi32, #tpu.memory_space<vmem>>, %arg8: memref<128x128xf32, #tpu.memory_space<vmem>>, %arg9: memref<10240x128xf32, #tpu.memory_space<vmem_shared>>, %arg10: memref<!tpu.dma_semaphore, #tpu.memory_space<semaphore_mem>>) attributes {dimension_semantics = [#tpu.dimension_semantics<core_parallel>, #tpu.dimension_semantics<subcore_parallel>], iteration_bounds = array<i64: 2, 16>, scalar_prefetch = 0 : i64, scratch_operands = 5 : i64, tpu.core_type = #tpu.core_type<sc_vector_subcore>, window_params = [{transform_indices = #map}, {transform_indices = #map1}, {transform_indices = #map1}, {transform_indices = #map1}]} {
    %mul3A = arith.constant 2 : i32
    %mul3A_0 = arith.muli %arg1, %mul3A : i32
    %add3A = arith.addi %mul3A_0, %arg0 : i32
    "tpu.region"() ({
      %run_scoped3A = tpu.sem_alloc : memref<!tpu.dma_semaphore, #tpu.memory_space<semaphore_mem>>
      %dma_start3A = arith.constant 0 : i32
      %dma_start3A_43 = arith.constant 0 : i32
      %dma_start3A_44 = tpu.memref_slice %arg3[%add3A, %dma_start3A, %dma_start3A_43] : memref<32x79x128xi32, #tpu.memory_space<hbm>> -> memref<1x79x128xi32, #tpu.memory_space<hbm>>
      %dma_start3A_45 = tpu.memref_squeeze %dma_start3A_44 : memref<1x79x128xi32, #tpu.memory_space<hbm>> -> memref<79x128xi32, #tpu.memory_space<hbm>>
      %dma_start3A_46 = arith.constant 0 : i32
      %dma_start3A_47 = arith.constant 0 : i32
      %dma_start3A_48 = tpu.memref_slice %arg3[%add3A, %dma_start3A_46, %dma_start3A_47] : memref<32x79x128xi32, #tpu.memory_space<hbm>> -> memref<1x79x128xi32, #tpu.memory_space<hbm>>
      %dma_start3A_49 = tpu.memref_squeeze %dma_start3A_48 : memref<1x79x128xi32, #tpu.memory_space<hbm>> -> memref<79x128xi32, #tpu.memory_space<hbm>>
      tpu.enqueue_dma source(%dma_start3A_49 : memref<79x128xi32, #tpu.memory_space<hbm>>) target(%arg6 : memref<79x128xi32, #tpu.memory_space<vmem>>) target_semaphore(%run_scoped3A : memref<!tpu.dma_semaphore, #tpu.memory_space<semaphore_mem>>)
      %dma_wait3A = arith.constant 0 : i32
      %dma_wait3A_50 = arith.constant 0 : i32
      %dma_wait3A_51 = tpu.memref_slice %arg3[%add3A, %dma_wait3A, %dma_wait3A_50] : memref<32x79x128xi32, #tpu.memory_space<hbm>> -> memref<1x79x128xi32, #tpu.memory_space<hbm>>
      %dma_wait3A_52 = tpu.memref_squeeze %dma_wait3A_51 : memref<1x79x128xi32, #tpu.memory_space<hbm>> -> memref<79x128xi32, #tpu.memory_space<hbm>>
      %dma_wait3A_53 = arith.constant 0 : i32
      %dma_wait3A_54 = arith.constant 0 : i32
      %dma_wait3A_55 = tpu.memref_slice %arg3[%add3A, %dma_wait3A_53, %dma_wait3A_54] : memref<32x79x128xi32, #tpu.memory_space<hbm>> -> memref<1x79x128xi32, #tpu.memory_space<hbm>>
      %dma_wait3A_56 = tpu.memref_squeeze %dma_wait3A_55 : memref<1x79x128xi32, #tpu.memory_space<hbm>> -> memref<79x128xi32, #tpu.memory_space<hbm>>
      tpu.wait_dma2 semaphore(%run_scoped3A : memref<!tpu.dma_semaphore, #tpu.memory_space<semaphore_mem>>) src(%dma_wait3A_56 : memref<79x128xi32, #tpu.memory_space<hbm>>) dst(%arg6 : memref<79x128xi32, #tpu.memory_space<vmem>>)
      tpu.yield
    }) : () -> ()
    "tpu.region"() ({
      %run_scoped3A = tpu.sem_alloc : memref<!tpu.dma_semaphore, #tpu.memory_space<semaphore_mem>>
      %dma_start3A = arith.constant 0 : i32
      %dma_start3A_43 = arith.constant 0 : i32
      %dma_start3A_44 = tpu.memref_slice %arg4[%add3A, %dma_start3A, %dma_start3A_43] : memref<32x79x128xi32, #tpu.memory_space<hbm>> -> memref<1x79x128xi32, #tpu.memory_space<hbm>>
      %dma_start3A_45 = tpu.memref_squeeze %dma_start3A_44 : memref<1x79x128xi32, #tpu.memory_space<hbm>> -> memref<79x128xi32, #tpu.memory_space<hbm>>
      %dma_start3A_46 = arith.constant 0 : i32
      %dma_start3A_47 = arith.constant 0 : i32
      %dma_start3A_48 = tpu.memref_slice %arg4[%add3A, %dma_start3A_46, %dma_start3A_47] : memref<32x79x128xi32, #tpu.memory_space<hbm>> -> memref<1x79x128xi32, #tpu.memory_space<hbm>>
      %dma_start3A_49 = tpu.memref_squeeze %dma_start3A_48 : memref<1x79x128xi32, #tpu.memory_space<hbm>> -> memref<79x128xi32, #tpu.memory_space<hbm>>
      tpu.enqueue_dma source(%dma_start3A_49 : memref<79x128xi32, #tpu.memory_space<hbm>>) target(%arg7 : memref<79x128xi32, #tpu.memory_space<vmem>>) target_semaphore(%run_scoped3A : memref<!tpu.dma_semaphore, #tpu.memory_space<semaphore_mem>>)
      %dma_wait3A = arith.constant 0 : i32
      %dma_wait3A_50 = arith.constant 0 : i32
      %dma_wait3A_51 = tpu.memref_slice %arg4[%add3A, %dma_wait3A, %dma_wait3A_50] : memref<32x79x128xi32, #tpu.memory_space<hbm>> -> memref<1x79x128xi32, #tpu.memory_space<hbm>>
      %dma_wait3A_52 = tpu.memref_squeeze %dma_wait3A_51 : memref<1x79x128xi32, #tpu.memory_space<hbm>> -> memref<79x128xi32, #tpu.memory_space<hbm>>
      %dma_wait3A_53 = arith.constant 0 : i32
      %dma_wait3A_54 = arith.constant 0 : i32
      %dma_wait3A_55 = tpu.memref_slice %arg4[%add3A, %dma_wait3A_53, %dma_wait3A_54] : memref<32x79x128xi32, #tpu.memory_space<hbm>> -> memref<1x79x128xi32, #tpu.memory_space<hbm>>
      %dma_wait3A_56 = tpu.memref_squeeze %dma_wait3A_55 : memref<1x79x128xi32, #tpu.memory_space<hbm>> -> memref<79x128xi32, #tpu.memory_space<hbm>>
      tpu.wait_dma2 semaphore(%run_scoped3A : memref<!tpu.dma_semaphore, #tpu.memory_space<semaphore_mem>>) src(%dma_wait3A_56 : memref<79x128xi32, #tpu.memory_space<hbm>>) dst(%arg7 : memref<79x128xi32, #tpu.memory_space<vmem>>)
      tpu.yield
    }) : () -> ()
    %scan3A = arith.constant 0 : i32
    %scan3A_1 = arith.constant 128 : i32
    %scan3A_2 = arith.addi %scan3A, %scan3A_1 : i32
    %scan3A_3 = arith.constant 1 : i32
    scf.for %scan3A_43 = %scan3A to %scan3A_2 step %scan3A_3  : i32 {
      %mul3A_44 = arith.constant 1 : i32
      %mul3A_45 = arith.muli %scan3A_43, %mul3A_44 : i32
      %add3A_46 = arith.constant 0 : i32
      %add3A_47 = arith.addi %add3A_46, %mul3A_45 : i32
      %scan3A_48 = arith.constant 0 : i32
      %scan3A_49 = arith.constant 8 : i32
      %scan3A_50 = arith.addi %scan3A_48, %scan3A_49 : i32
      %scan3A_51 = arith.constant 1 : i32
      scf.for %scan3A_53 = %scan3A_48 to %scan3A_50 step %scan3A_51  : i32 {
        %mul3A_54 = arith.constant 16 : i32
        %mul3A_55 = arith.muli %scan3A_53, %mul3A_54 : i32
        %add3A_56 = arith.constant 0 : i32
        %add3A_57 = arith.addi %add3A_56, %mul3A_55 : i32
        %broadcast_in_dim3A = arith.constant 0.000000e+00 : f32
        %broadcast_in_dim3A_58 = vector.broadcast %broadcast_in_dim3A : f32 to vector<16xf32>
        %swap3A = arith.index_cast %add3A_47 : i32 to index
        %swap3A_59 = arith.index_cast %add3A_57 : i32 to index
        %swap3A_60 = tpu.vector_load %arg8[%swap3A, %swap3A_59] {strides = array<i32>} : memref<128x128xf32, #tpu.memory_space<vmem>>, vector<1x16xf32>,
        %swap3A_61 = vector.shape_cast %swap3A_60 : vector<1x16xf32> to vector<16xf32>
        %swap3A_62 = vector.shape_cast %broadcast_in_dim3A_58 : vector<16xf32> to vector<1x16xf32>
        tpu.vector_store %arg8[%swap3A, %swap3A_59], %swap3A_62 {strides = array<i32>} : memref<128x128xf32, #tpu.memory_space<vmem>>, vector<1x16xf32>,
      }
      %scan3A_52 = arith.constant 8 : i32
    }
    %scan3A_4 = arith.constant 128 : i32
    %mul3A_5 = arith.constant 640 : i32
    %mul3A_6 = arith.muli %arg1, %mul3A_5 : i32
    %add3A_7 = arith.constant 0 : i32
    %add3A_8 = arith.addi %mul3A_6, %add3A_7 : i32
    "tpu.region"() ({
      %run_scoped3A = tpu.sem_alloc : memref<!tpu.dma_semaphore, #tpu.memory_space<semaphore_mem>>
      %dma_start3A = arith.constant 0 : i32
      %dma_start3A_43 = tpu.memref_slice %arg9[%add3A_8, %dma_start3A] : memref<10240x128xf32, #tpu.memory_space<vmem_shared>> -> memref<128x128xf32, #tpu.memory_space<vmem_shared>>
      %dma_start3A_44 = arith.constant 0 : i32
      %dma_start3A_45 = tpu.memref_slice %arg9[%add3A_8, %dma_start3A_44] : memref<10240x128xf32, #tpu.memory_space<vmem_shared>> -> memref<128x128xf32, #tpu.memory_space<vmem_shared>>
      tpu.enqueue_dma source(%arg8 : memref<128x128xf32, #tpu.memory_space<vmem>>) target(%dma_start3A_45 : memref<128x128xf32, #tpu.memory_space<vmem_shared>>) target_semaphore(%run_scoped3A : memref<!tpu.dma_semaphore, #tpu.memory_space<semaphore_mem>>)
      %dma_wait3A = arith.constant 0 : i32
      %dma_wait3A_46 = tpu.memref_slice %arg9[%add3A_8, %dma_wait3A] : memref<10240x128xf32, #tpu.memory_space<vmem_shared>> -> memref<128x128xf32, #tpu.memory_space<vmem_shared>>
      %dma_wait3A_47 = arith.constant 0 : i32
      %dma_wait3A_48 = tpu.memref_slice %arg9[%add3A_8, %dma_wait3A_47] : memref<10240x128xf32, #tpu.memory_space<vmem_shared>> -> memref<128x128xf32, #tpu.memory_space<vmem_shared>>
      tpu.wait_dma2 semaphore(%run_scoped3A : memref<!tpu.dma_semaphore, #tpu.memory_space<semaphore_mem>>) src(%arg8 : memref<128x128xf32, #tpu.memory_space<vmem>>) dst(%dma_wait3A_48 : memref<128x128xf32, #tpu.memory_space<vmem_shared>>)
      tpu.yield
    }) : () -> ()
    %add3A_9 = arith.constant 128 : i32
    %add3A_10 = arith.addi %mul3A_6, %add3A_9 : i32
    "tpu.region"() ({
      %run_scoped3A = tpu.sem_alloc : memref<!tpu.dma_semaphore, #tpu.memory_space<semaphore_mem>>
      %dma_start3A = arith.constant 0 : i32
      %dma_start3A_43 = tpu.memref_slice %arg9[%add3A_10, %dma_start3A] : memref<10240x128xf32, #tpu.memory_space<vmem_shared>> -> memref<128x128xf32, #tpu.memory_space<vmem_shared>>
      %dma_start3A_44 = arith.constant 0 : i32
      %dma_start3A_45 = tpu.memref_slice %arg9[%add3A_10, %dma_start3A_44] : memref<10240x128xf32, #tpu.memory_space<vmem_shared>> -> memref<128x128xf32, #tpu.memory_space<vmem_shared>>
      tpu.enqueue_dma source(%arg8 : memref<128x128xf32, #tpu.memory_space<vmem>>) target(%dma_start3A_45 : memref<128x128xf32, #tpu.memory_space<vmem_shared>>) target_semaphore(%run_scoped3A : memref<!tpu.dma_semaphore, #tpu.memory_space<semaphore_mem>>)
      %dma_wait3A = arith.constant 0 : i32
      %dma_wait3A_46 = tpu.memref_slice %arg9[%add3A_10, %dma_wait3A] : memref<10240x128xf32, #tpu.memory_space<vmem_shared>> -> memref<128x128xf32, #tpu.memory_space<vmem_shared>>
      %dma_wait3A_47 = arith.constant 0 : i32
      %dma_wait3A_48 = tpu.memref_slice %arg9[%add3A_10, %dma_wait3A_47] : memref<10240x128xf32, #tpu.memory_space<vmem_shared>> -> memref<128x128xf32, #tpu.memory_space<vmem_shared>>
      tpu.wait_dma2 semaphore(%run_scoped3A : memref<!tpu.dma_semaphore, #tpu.memory_space<semaphore_mem>>) src(%arg8 : memref<128x128xf32, #tpu.memory_space<vmem>>) dst(%dma_wait3A_48 : memref<128x128xf32, #tpu.memory_space<vmem_shared>>)
      tpu.yield
    }) : () -> ()
    %add3A_11 = arith.constant 256 : i32
    %add3A_12 = arith.addi %mul3A_6, %add3A_11 : i32
    "tpu.region"() ({
      %run_scoped3A = tpu.sem_alloc : memref<!tpu.dma_semaphore, #tpu.memory_space<semaphore_mem>>
      %dma_start3A = arith.constant 0 : i32
      %dma_start3A_43 = tpu.memref_slice %arg9[%add3A_12, %dma_start3A] : memref<10240x128xf32, #tpu.memory_space<vmem_shared>> -> memref<128x128xf32, #tpu.memory_space<vmem_shared>>
      %dma_start3A_44 = arith.constant 0 : i32
      %dma_start3A_45 = tpu.memref_slice %arg9[%add3A_12, %dma_start3A_44] : memref<10240x128xf32, #tpu.memory_space<vmem_shared>> -> memref<128x128xf32, #tpu.memory_space<vmem_shared>>
      tpu.enqueue_dma source(%arg8 : memref<128x128xf32, #tpu.memory_space<vmem>>) target(%dma_start3A_45 : memref<128x128xf32, #tpu.memory_space<vmem_shared>>) target_semaphore(%run_scoped3A : memref<!tpu.dma_semaphore, #tpu.memory_space<semaphore_mem>>)
      %dma_wait3A = arith.constant 0 : i32
      %dma_wait3A_46 = tpu.memref_slice %arg9[%add3A_12, %dma_wait3A] : memref<10240x128xf32, #tpu.memory_space<vmem_shared>> -> memref<128x128xf32, #tpu.memory_space<vmem_shared>>
      %dma_wait3A_47 = arith.constant 0 : i32
      %dma_wait3A_48 = tpu.memref_slice %arg9[%add3A_12, %dma_wait3A_47] : memref<10240x128xf32, #tpu.memory_space<vmem_shared>> -> memref<128x128xf32, #tpu.memory_space<vmem_shared>>
      tpu.wait_dma2 semaphore(%run_scoped3A : memref<!tpu.dma_semaphore, #tpu.memory_space<semaphore_mem>>) src(%arg8 : memref<128x128xf32, #tpu.memory_space<vmem>>) dst(%dma_wait3A_48 : memref<128x128xf32, #tpu.memory_space<vmem_shared>>)
      tpu.yield
    }) : () -> ()
    %add3A_13 = arith.constant 384 : i32
    %add3A_14 = arith.addi %mul3A_6, %add3A_13 : i32
    "tpu.region"() ({
      %run_scoped3A = tpu.sem_alloc : memref<!tpu.dma_semaphore, #tpu.memory_space<semaphore_mem>>
      %dma_start3A = arith.constant 0 : i32
      %dma_start3A_43 = tpu.memref_slice %arg9[%add3A_14, %dma_start3A] : memref<10240x128xf32, #tpu.memory_space<vmem_shared>> -> memref<128x128xf32, #tpu.memory_space<vmem_shared>>
      %dma_start3A_44 = arith.constant 0 : i32
      %dma_start3A_45 = tpu.memref_slice %arg9[%add3A_14, %dma_start3A_44] : memref<10240x128xf32, #tpu.memory_space<vmem_shared>> -> memref<128x128xf32, #tpu.memory_space<vmem_shared>>
      tpu.enqueue_dma source(%arg8 : memref<128x128xf32, #tpu.memory_space<vmem>>) target(%dma_start3A_45 : memref<128x128xf32, #tpu.memory_space<vmem_shared>>) target_semaphore(%run_scoped3A : memref<!tpu.dma_semaphore, #tpu.memory_space<semaphore_mem>>)
      %dma_wait3A = arith.constant 0 : i32
      %dma_wait3A_46 = tpu.memref_slice %arg9[%add3A_14, %dma_wait3A] : memref<10240x128xf32, #tpu.memory_space<vmem_shared>> -> memref<128x128xf32, #tpu.memory_space<vmem_shared>>
      %dma_wait3A_47 = arith.constant 0 : i32
      %dma_wait3A_48 = tpu.memref_slice %arg9[%add3A_14, %dma_wait3A_47] : memref<10240x128xf32, #tpu.memory_space<vmem_shared>> -> memref<128x128xf32, #tpu.memory_space<vmem_shared>>
      tpu.wait_dma2 semaphore(%run_scoped3A : memref<!tpu.dma_semaphore, #tpu.memory_space<semaphore_mem>>) src(%arg8 : memref<128x128xf32, #tpu.memory_space<vmem>>) dst(%dma_wait3A_48 : memref<128x128xf32, #tpu.memory_space<vmem_shared>>)
      tpu.yield
    }) : () -> ()
    %add3A_15 = arith.constant 512 : i32
    %add3A_16 = arith.addi %mul3A_6, %add3A_15 : i32
    "tpu.region"() ({
      %run_scoped3A = tpu.sem_alloc : memref<!tpu.dma_semaphore, #tpu.memory_space<semaphore_mem>>
      %dma_start3A = arith.constant 0 : i32
      %dma_start3A_43 = tpu.memref_slice %arg9[%add3A_16, %dma_start3A] : memref<10240x128xf32, #tpu.memory_space<vmem_shared>> -> memref<128x128xf32, #tpu.memory_space<vmem_shared>>
      %dma_start3A_44 = arith.constant 0 : i32
      %dma_start3A_45 = tpu.memref_slice %arg9[%add3A_16, %dma_start3A_44] : memref<10240x128xf32, #tpu.memory_space<vmem_shared>> -> memref<128x128xf32, #tpu.memory_space<vmem_shared>>
      tpu.enqueue_dma source(%arg8 : memref<128x128xf32, #tpu.memory_space<vmem>>) target(%dma_start3A_45 : memref<128x128xf32, #tpu.memory_space<vmem_shared>>) target_semaphore(%run_scoped3A : memref<!tpu.dma_semaphore, #tpu.memory_space<semaphore_mem>>)
      %dma_wait3A = arith.constant 0 : i32
      %dma_wait3A_46 = tpu.memref_slice %arg9[%add3A_16, %dma_wait3A] : memref<10240x128xf32, #tpu.memory_space<vmem_shared>> -> memref<128x128xf32, #tpu.memory_space<vmem_shared>>
      %dma_wait3A_47 = arith.constant 0 : i32
      %dma_wait3A_48 = tpu.memref_slice %arg9[%add3A_16, %dma_wait3A_47] : memref<10240x128xf32, #tpu.memory_space<vmem_shared>> -> memref<128x128xf32, #tpu.memory_space<vmem_shared>>
      tpu.wait_dma2 semaphore(%run_scoped3A : memref<!tpu.dma_semaphore, #tpu.memory_space<semaphore_mem>>) src(%arg8 : memref<128x128xf32, #tpu.memory_space<vmem>>) dst(%dma_wait3A_48 : memref<128x128xf32, #tpu.memory_space<vmem_shared>>)
      tpu.yield
    }) : () -> ()
    %barrier3A = arith.constant 0 : index
    tpu.barrier barrier_id(%barrier3A)
    %scan3A_17 = arith.constant 0 : i32
    %scan3A_18 = arith.constant 79 : i32
    %scan3A_19 = arith.addi %scan3A_17, %scan3A_18 : i32
    %scan3A_20 = arith.constant 1 : i32
    scf.for %scan3A_43 = %scan3A_17 to %scan3A_19 step %scan3A_20  : i32 {
      %mul3A_44 = arith.constant 1 : i32
      %mul3A_45 = arith.muli %scan3A_43, %mul3A_44 : i32
      %add3A_46 = arith.constant 0 : i32
      %add3A_47 = arith.addi %add3A_46, %mul3A_45 : i32
      %dma_start3A = arith.constant 0 : i32
      %dma_start3A_48 = tpu.memref_slice %arg6[%add3A_47, %dma_start3A] : memref<79x128xi32, #tpu.memory_space<vmem>> -> memref<1x128xi32, #tpu.memory_space<vmem>>
      %dma_start3A_49 = tpu.memref_squeeze %dma_start3A_48 : memref<1x128xi32, #tpu.memory_space<vmem>> -> memref<128xi32, #tpu.memory_space<vmem>>
      %dma_start3A_50 = arith.constant 0 : i32
      %dma_start3A_51 = arith.constant 0 : i32
      %dma_start3A_52 = tpu.memref_slice %arg2[%dma_start3A_50, %dma_start3A_51] : memref<10000x128xf32, #tpu.memory_space<hbm>> -> memref<10000x128xf32, #tpu.memory_space<hbm>>
      tpu.enqueue_indirect_dma source(%dma_start3A_52 : memref<10000x128xf32, #tpu.memory_space<hbm>>) target(%arg8 : memref<128x128xf32, #tpu.memory_space<vmem>>) offsets(%dma_start3A_49 : memref<128xi32, #tpu.memory_space<vmem>>) semaphore(%arg10 : memref<!tpu.dma_semaphore, #tpu.memory_space<semaphore_mem>>)
      %dma_wait3A = arith.constant 0 : i32
      %dma_wait3A_53 = tpu.memref_slice %arg6[%add3A_47, %dma_wait3A] : memref<79x128xi32, #tpu.memory_space<vmem>> -> memref<1x128xi32, #tpu.memory_space<vmem>>
      %dma_wait3A_54 = tpu.memref_squeeze %dma_wait3A_53 : memref<1x128xi32, #tpu.memory_space<vmem>> -> memref<128xi32, #tpu.memory_space<vmem>>
      %dma_wait3A_55 = arith.constant 0 : i32
      %dma_wait3A_56 = arith.constant 0 : i32
      %dma_wait3A_57 = tpu.memref_slice %arg2[%dma_wait3A_55, %dma_wait3A_56] : memref<10000x128xf32, #tpu.memory_space<hbm>> -> memref<10000x128xf32, #tpu.memory_space<hbm>>
      tpu.wait_indirect_dma semaphore(%arg10 : memref<!tpu.dma_semaphore, #tpu.memory_space<semaphore_mem>>) src(%dma_wait3A_57 : memref<10000x128xf32, #tpu.memory_space<hbm>>) dst(%arg8 : memref<128x128xf32, #tpu.memory_space<vmem>>)
      "tpu.region"() ({
        %run_scoped3A = tpu.sem_alloc : memref<!tpu.dma_semaphore, #tpu.memory_space<semaphore_mem>>
        %dma_start3A_58 = arith.constant 0 : i32
        %dma_start3A_59 = tpu.memref_slice %arg7[%add3A_47, %dma_start3A_58] : memref<79x128xi32, #tpu.memory_space<vmem>> -> memref<1x128xi32, #tpu.memory_space<vmem>>
        %dma_start3A_60 = tpu.memref_squeeze %dma_start3A_59 : memref<1x128xi32, #tpu.memory_space<vmem>> -> memref<128xi32, #tpu.memory_space<vmem>>
        %dma_start3A_61 = arith.constant 0 : i32
        %dma_start3A_62 = arith.constant 0 : i32
        %dma_start3A_63 = tpu.memref_slice %arg9[%dma_start3A_61, %dma_start3A_62] : memref<10240x128xf32, #tpu.memory_space<vmem_shared>> -> memref<10240x128xf32, #tpu.memory_space<vmem_shared>>
        tpu.enqueue_indirect_dma source(%arg8 : memref<128x128xf32, #tpu.memory_space<vmem>>) target(%dma_start3A_63 : memref<10240x128xf32, #tpu.memory_space<vmem_shared>>) offsets(%dma_start3A_60 : memref<128xi32, #tpu.memory_space<vmem>>) semaphore(%run_scoped3A : memref<!tpu.dma_semaphore, #tpu.memory_space<semaphore_mem>>) {add = true}
        %dma_wait3A_64 = arith.constant 0 : i32
        %dma_wait3A_65 = tpu.memref_slice %arg7[%add3A_47, %dma_wait3A_64] : memref<79x128xi32, #tpu.memory_space<vmem>> -> memref<1x128xi32, #tpu.memory_space<vmem>>
        %dma_wait3A_66 = tpu.memref_squeeze %dma_wait3A_65 : memref<1x128xi32, #tpu.memory_space<vmem>> -> memref<128xi32, #tpu.memory_space<vmem>>
        %dma_wait3A_67 = arith.constant 0 : i32
        %dma_wait3A_68 = arith.constant 0 : i32
        %dma_wait3A_69 = tpu.memref_slice %arg9[%dma_wait3A_67, %dma_wait3A_68] : memref<10240x128xf32, #tpu.memory_space<vmem_shared>> -> memref<10240x128xf32, #tpu.memory_space<vmem_shared>>
        tpu.wait_indirect_dma semaphore(%run_scoped3A : memref<!tpu.dma_semaphore, #tpu.memory_space<semaphore_mem>>) src(%arg8 : memref<128x128xf32, #tpu.memory_space<vmem>>) dst(%dma_wait3A_69 : memref<10240x128xf32, #tpu.memory_space<vmem_shared>>)
        tpu.yield
      }) : () -> ()
    }
    %scan3A_21 = arith.constant 79 : i32
    %barrier3A_22 = arith.constant 0 : index
    tpu.barrier barrier_id(%barrier3A_22)
    %mul3A_23 = arith.constant 640 : i32
    %mul3A_24 = arith.muli %arg1, %mul3A_23 : i32
    %add3A_25 = arith.constant 0 : i32
    %add3A_26 = arith.addi %mul3A_24, %add3A_25 : i32
    "tpu.region"() ({
      %run_scoped3A = tpu.sem_alloc : memref<!tpu.dma_semaphore, #tpu.memory_space<semaphore_mem>>
      %dma_start3A = arith.constant 0 : i32
      %dma_start3A_43 = tpu.memref_slice %arg9[%add3A_26, %dma_start3A] : memref<10240x128xf32, #tpu.memory_space<vmem_shared>> -> memref<128x128xf32, #tpu.memory_space<vmem_shared>>
      %dma_start3A_44 = arith.constant 0 : i32
      %dma_start3A_45 = tpu.memref_slice %arg9[%add3A_26, %dma_start3A_44] : memref<10240x128xf32, #tpu.memory_space<vmem_shared>> -> memref<128x128xf32, #tpu.memory_space<vmem_shared>>
      tpu.enqueue_dma source(%dma_start3A_45 : memref<128x128xf32, #tpu.memory_space<vmem_shared>>) target(%arg8 : memref<128x128xf32, #tpu.memory_space<vmem>>) target_semaphore(%run_scoped3A : memref<!tpu.dma_semaphore, #tpu.memory_space<semaphore_mem>>)
      %dma_wait3A = arith.constant 0 : i32
      %dma_wait3A_46 = tpu.memref_slice %arg9[%add3A_26, %dma_wait3A] : memref<10240x128xf32, #tpu.memory_space<vmem_shared>> -> memref<128x128xf32, #tpu.memory_space<vmem_shared>>
      %dma_wait3A_47 = arith.constant 0 : i32
      %dma_wait3A_48 = tpu.memref_slice %arg9[%add3A_26, %dma_wait3A_47] : memref<10240x128xf32, #tpu.memory_space<vmem_shared>> -> memref<128x128xf32, #tpu.memory_space<vmem_shared>>
      tpu.wait_dma2 semaphore(%run_scoped3A : memref<!tpu.dma_semaphore, #tpu.memory_space<semaphore_mem>>) src(%dma_wait3A_48 : memref<128x128xf32, #tpu.memory_space<vmem_shared>>) dst(%arg8 : memref<128x128xf32, #tpu.memory_space<vmem>>)
      tpu.yield
    }) : () -> ()
    "tpu.region"() ({
      %run_scoped3A = tpu.sem_alloc : memref<!tpu.dma_semaphore, #tpu.memory_space<semaphore_mem>>
      %dma_start3A = arith.constant 0 : i32
      %dma_start3A_43 = arith.constant 0 : i32
      %dma_start3A_44 = tpu.memref_slice %arg5[%arg0, %dma_start3A, %dma_start3A_43] : memref<2x10240x128xf32, #tpu.memory_space<hbm>> -> memref<1x10240x128xf32, #tpu.memory_space<hbm>>
      %dma_start3A_45 = tpu.memref_squeeze %dma_start3A_44 : memref<1x10240x128xf32, #tpu.memory_space<hbm>> -> memref<10240x128xf32, #tpu.memory_space<hbm>>
      %dma_start3A_46 = arith.constant 0 : i32
      %dma_start3A_47 = tpu.memref_slice %dma_start3A_45[%add3A_26, %dma_start3A_46] : memref<10240x128xf32, #tpu.memory_space<hbm>> -> memref<128x128xf32, #tpu.memory_space<hbm>>
      %dma_start3A_48 = arith.constant 0 : i32
      %dma_start3A_49 = arith.constant 0 : i32
      %dma_start3A_50 = tpu.memref_slice %arg5[%arg0, %dma_start3A_48, %dma_start3A_49] : memref<2x10240x128xf32, #tpu.memory_space<hbm>> -> memref<1x10240x128xf32, #tpu.memory_space<hbm>>
      %dma_start3A_51 = tpu.memref_squeeze %dma_start3A_50 : memref<1x10240x128xf32, #tpu.memory_space<hbm>> -> memref<10240x128xf32, #tpu.memory_space<hbm>>
      %dma_start3A_52 = arith.constant 0 : i32
      %dma_start3A_53 = tpu.memref_slice %dma_start3A_51[%add3A_26, %dma_start3A_52] : memref<10240x128xf32, #tpu.memory_space<hbm>> -> memref<128x128xf32, #tpu.memory_space<hbm>>
      tpu.enqueue_dma source(%arg8 : memref<128x128xf32, #tpu.memory_space<vmem>>) target(%dma_start3A_53 : memref<128x128xf32, #tpu.memory_space<hbm>>) target_semaphore(%run_scoped3A : memref<!tpu.dma_semaphore, #tpu.memory_space<semaphore_mem>>)
      %dma_wait3A = arith.constant 0 : i32
      %dma_wait3A_54 = arith.constant 0 : i32
      %dma_wait3A_55 = tpu.memref_slice %arg5[%arg0, %dma_wait3A, %dma_wait3A_54] : memref<2x10240x128xf32, #tpu.memory_space<hbm>> -> memref<1x10240x128xf32, #tpu.memory_space<hbm>>
      %dma_wait3A_56 = tpu.memref_squeeze %dma_wait3A_55 : memref<1x10240x128xf32, #tpu.memory_space<hbm>> -> memref<10240x128xf32, #tpu.memory_space<hbm>>
      %dma_wait3A_57 = arith.constant 0 : i32
      %dma_wait3A_58 = tpu.memref_slice %dma_wait3A_56[%add3A_26, %dma_wait3A_57] : memref<10240x128xf32, #tpu.memory_space<hbm>> -> memref<128x128xf32, #tpu.memory_space<hbm>>
      %dma_wait3A_59 = arith.constant 0 : i32
      %dma_wait3A_60 = arith.constant 0 : i32
      %dma_wait3A_61 = tpu.memref_slice %arg5[%arg0, %dma_wait3A_59, %dma_wait3A_60] : memref<2x10240x128xf32, #tpu.memory_space<hbm>> -> memref<1x10240x128xf32, #tpu.memory_space<hbm>>
      %dma_wait3A_62 = tpu.memref_squeeze %dma_wait3A_61 : memref<1x10240x128xf32, #tpu.memory_space<hbm>> -> memref<10240x128xf32, #tpu.memory_space<hbm>>
      %dma_wait3A_63 = arith.constant 0 : i32
      %dma_wait3A_64 = tpu.memref_slice %dma_wait3A_62[%add3A_26, %dma_wait3A_63] : memref<10240x128xf32, #tpu.memory_space<hbm>> -> memref<128x128xf32, #tpu.memory_space<hbm>>
      tpu.wait_dma2 semaphore(%run_scoped3A : memref<!tpu.dma_semaphore, #tpu.memory_space<semaphore_mem>>) src(%arg8 : memref<128x128xf32, #tpu.memory_space<vmem>>) dst(%dma_wait3A_64 : memref<128x128xf32, #tpu.memory_space<hbm>>)
      tpu.yield
    }) : () -> ()
    %mul3A_27 = arith.constant 640 : i32
    %mul3A_28 = arith.muli %arg1, %mul3A_27 : i32
    %add3A_29 = arith.constant 128 : i32
    %add3A_30 = arith.addi %mul3A_28, %add3A_29 : i32
    "tpu.region"() ({
      %run_scoped3A = tpu.sem_alloc : memref<!tpu.dma_semaphore, #tpu.memory_space<semaphore_mem>>
      %dma_start3A = arith.constant 0 : i32
      %dma_start3A_43 = tpu.memref_slice %arg9[%add3A_30, %dma_start3A] : memref<10240x128xf32, #tpu.memory_space<vmem_shared>> -> memref<128x128xf32, #tpu.memory_space<vmem_shared>>
      %dma_start3A_44 = arith.constant 0 : i32
      %dma_start3A_45 = tpu.memref_slice %arg9[%add3A_30, %dma_start3A_44] : memref<10240x128xf32, #tpu.memory_space<vmem_shared>> -> memref<128x128xf32, #tpu.memory_space<vmem_shared>>
      tpu.enqueue_dma source(%dma_start3A_45 : memref<128x128xf32, #tpu.memory_space<vmem_shared>>) target(%arg8 : memref<128x128xf32, #tpu.memory_space<vmem>>) target_semaphore(%run_scoped3A : memref<!tpu.dma_semaphore, #tpu.memory_space<semaphore_mem>>)
      %dma_wait3A = arith.constant 0 : i32
      %dma_wait3A_46 = tpu.memref_slice %arg9[%add3A_30, %dma_wait3A] : memref<10240x128xf32, #tpu.memory_space<vmem_shared>> -> memref<128x128xf32, #tpu.memory_space<vmem_shared>>
      %dma_wait3A_47 = arith.constant 0 : i32
      %dma_wait3A_48 = tpu.memref_slice %arg9[%add3A_30, %dma_wait3A_47] : memref<10240x128xf32, #tpu.memory_space<vmem_shared>> -> memref<128x128xf32, #tpu.memory_space<vmem_shared>>
      tpu.wait_dma2 semaphore(%run_scoped3A : memref<!tpu.dma_semaphore, #tpu.memory_space<semaphore_mem>>) src(%dma_wait3A_48 : memref<128x128xf32, #tpu.memory_space<vmem_shared>>) dst(%arg8 : memref<128x128xf32, #tpu.memory_space<vmem>>)
      tpu.yield
    }) : () -> ()
    "tpu.region"() ({
      %run_scoped3A = tpu.sem_alloc : memref<!tpu.dma_semaphore, #tpu.memory_space<semaphore_mem>>
      %dma_start3A = arith.constant 0 : i32
      %dma_start3A_43 = arith.constant 0 : i32
      %dma_start3A_44 = tpu.memref_slice %arg5[%arg0, %dma_start3A, %dma_start3A_43] : memref<2x10240x128xf32, #tpu.memory_space<hbm>> -> memref<1x10240x128xf32, #tpu.memory_space<hbm>>
      %dma_start3A_45 = tpu.memref_squeeze %dma_start3A_44 : memref<1x10240x128xf32, #tpu.memory_space<hbm>> -> memref<10240x128xf32, #tpu.memory_space<hbm>>
      %dma_start3A_46 = arith.constant 0 : i32
      %dma_start3A_47 = tpu.memref_slice %dma_start3A_45[%add3A_30, %dma_start3A_46] : memref<10240x128xf32, #tpu.memory_space<hbm>> -> memref<128x128xf32, #tpu.memory_space<hbm>>
      %dma_start3A_48 = arith.constant 0 : i32
      %dma_start3A_49 = arith.constant 0 : i32
      %dma_start3A_50 = tpu.memref_slice %arg5[%arg0, %dma_start3A_48, %dma_start3A_49] : memref<2x10240x128xf32, #tpu.memory_space<hbm>> -> memref<1x10240x128xf32, #tpu.memory_space<hbm>>
      %dma_start3A_51 = tpu.memref_squeeze %dma_start3A_50 : memref<1x10240x128xf32, #tpu.memory_space<hbm>> -> memref<10240x128xf32, #tpu.memory_space<hbm>>
      %dma_start3A_52 = arith.constant 0 : i32
      %dma_start3A_53 = tpu.memref_slice %dma_start3A_51[%add3A_30, %dma_start3A_52] : memref<10240x128xf32, #tpu.memory_space<hbm>> -> memref<128x128xf32, #tpu.memory_space<hbm>>
      tpu.enqueue_dma source(%arg8 : memref<128x128xf32, #tpu.memory_space<vmem>>) target(%dma_start3A_53 : memref<128x128xf32, #tpu.memory_space<hbm>>) target_semaphore(%run_scoped3A : memref<!tpu.dma_semaphore, #tpu.memory_space<semaphore_mem>>)
      %dma_wait3A = arith.constant 0 : i32
      %dma_wait3A_54 = arith.constant 0 : i32
      %dma_wait3A_55 = tpu.memref_slice %arg5[%arg0, %dma_wait3A, %dma_wait3A_54] : memref<2x10240x128xf32, #tpu.memory_space<hbm>> -> memref<1x10240x128xf32, #tpu.memory_space<hbm>>
      %dma_wait3A_56 = tpu.memref_squeeze %dma_wait3A_55 : memref<1x10240x128xf32, #tpu.memory_space<hbm>> -> memref<10240x128xf32, #tpu.memory_space<hbm>>
      %dma_wait3A_57 = arith.constant 0 : i32
      %dma_wait3A_58 = tpu.memref_slice %dma_wait3A_56[%add3A_30, %dma_wait3A_57] : memref<10240x128xf32, #tpu.memory_space<hbm>> -> memref<128x128xf32, #tpu.memory_space<hbm>>
      %dma_wait3A_59 = arith.constant 0 : i32
      %dma_wait3A_60 = arith.constant 0 : i32
      %dma_wait3A_61 = tpu.memref_slice %arg5[%arg0, %dma_wait3A_59, %dma_wait3A_60] : memref<2x10240x128xf32, #tpu.memory_space<hbm>> -> memref<1x10240x128xf32, #tpu.memory_space<hbm>>
      %dma_wait3A_62 = tpu.memref_squeeze %dma_wait3A_61 : memref<1x10240x128xf32, #tpu.memory_space<hbm>> -> memref<10240x128xf32, #tpu.memory_space<hbm>>
      %dma_wait3A_63 = arith.constant 0 : i32
      %dma_wait3A_64 = tpu.memref_slice %dma_wait3A_62[%add3A_30, %dma_wait3A_63] : memref<10240x128xf32, #tpu.memory_space<hbm>> -> memref<128x128xf32, #tpu.memory_space<hbm>>
      tpu.wait_dma2 semaphore(%run_scoped3A : memref<!tpu.dma_semaphore, #tpu.memory_space<semaphore_mem>>) src(%arg8 : memref<128x128xf32, #tpu.memory_space<vmem>>) dst(%dma_wait3A_64 : memref<128x128xf32, #tpu.memory_space<hbm>>)
      tpu.yield
    }) : () -> ()
    %mul3A_31 = arith.constant 640 : i32
    %mul3A_32 = arith.muli %arg1, %mul3A_31 : i32
    %add3A_33 = arith.constant 256 : i32
    %add3A_34 = arith.addi %mul3A_32, %add3A_33 : i32
    "tpu.region"() ({
      %run_scoped3A = tpu.sem_alloc : memref<!tpu.dma_semaphore, #tpu.memory_space<semaphore_mem>>
      %dma_start3A = arith.constant 0 : i32
      %dma_start3A_43 = tpu.memref_slice %arg9[%add3A_34, %dma_start3A] : memref<10240x128xf32, #tpu.memory_space<vmem_shared>> -> memref<128x128xf32, #tpu.memory_space<vmem_shared>>
      %dma_start3A_44 = arith.constant 0 : i32
      %dma_start3A_45 = tpu.memref_slice %arg9[%add3A_34, %dma_start3A_44] : memref<10240x128xf32, #tpu.memory_space<vmem_shared>> -> memref<128x128xf32, #tpu.memory_space<vmem_shared>>
      tpu.enqueue_dma source(%dma_start3A_45 : memref<128x128xf32, #tpu.memory_space<vmem_shared>>) target(%arg8 : memref<128x128xf32, #tpu.memory_space<vmem>>) target_semaphore(%run_scoped3A : memref<!tpu.dma_semaphore, #tpu.memory_space<semaphore_mem>>)
      %dma_wait3A = arith.constant 0 : i32
      %dma_wait3A_46 = tpu.memref_slice %arg9[%add3A_34, %dma_wait3A] : memref<10240x128xf32, #tpu.memory_space<vmem_shared>> -> memref<128x128xf32, #tpu.memory_space<vmem_shared>>
      %dma_wait3A_47 = arith.constant 0 : i32
      %dma_wait3A_48 = tpu.memref_slice %arg9[%add3A_34, %dma_wait3A_47] : memref<10240x128xf32, #tpu.memory_space<vmem_shared>> -> memref<128x128xf32, #tpu.memory_space<vmem_shared>>
      tpu.wait_dma2 semaphore(%run_scoped3A : memref<!tpu.dma_semaphore, #tpu.memory_space<semaphore_mem>>) src(%dma_wait3A_48 : memref<128x128xf32, #tpu.memory_space<vmem_shared>>) dst(%arg8 : memref<128x128xf32, #tpu.memory_space<vmem>>)
      tpu.yield
    }) : () -> ()
    "tpu.region"() ({
      %run_scoped3A = tpu.sem_alloc : memref<!tpu.dma_semaphore, #tpu.memory_space<semaphore_mem>>
      %dma_start3A = arith.constant 0 : i32
      %dma_start3A_43 = arith.constant 0 : i32
      %dma_start3A_44 = tpu.memref_slice %arg5[%arg0, %dma_start3A, %dma_start3A_43] : memref<2x10240x128xf32, #tpu.memory_space<hbm>> -> memref<1x10240x128xf32, #tpu.memory_space<hbm>>
      %dma_start3A_45 = tpu.memref_squeeze %dma_start3A_44 : memref<1x10240x128xf32, #tpu.memory_space<hbm>> -> memref<10240x128xf32, #tpu.memory_space<hbm>>
      %dma_start3A_46 = arith.constant 0 : i32
      %dma_start3A_47 = tpu.memref_slice %dma_start3A_45[%add3A_34, %dma_start3A_46] : memref<10240x128xf32, #tpu.memory_space<hbm>> -> memref<128x128xf32, #tpu.memory_space<hbm>>
      %dma_start3A_48 = arith.constant 0 : i32
      %dma_start3A_49 = arith.constant 0 : i32
      %dma_start3A_50 = tpu.memref_slice %arg5[%arg0, %dma_start3A_48, %dma_start3A_49] : memref<2x10240x128xf32, #tpu.memory_space<hbm>> -> memref<1x10240x128xf32, #tpu.memory_space<hbm>>
      %dma_start3A_51 = tpu.memref_squeeze %dma_start3A_50 : memref<1x10240x128xf32, #tpu.memory_space<hbm>> -> memref<10240x128xf32, #tpu.memory_space<hbm>>
      %dma_start3A_52 = arith.constant 0 : i32
      %dma_start3A_53 = tpu.memref_slice %dma_start3A_51[%add3A_34, %dma_start3A_52] : memref<10240x128xf32, #tpu.memory_space<hbm>> -> memref<128x128xf32, #tpu.memory_space<hbm>>
      tpu.enqueue_dma source(%arg8 : memref<128x128xf32, #tpu.memory_space<vmem>>) target(%dma_start3A_53 : memref<128x128xf32, #tpu.memory_space<hbm>>) target_semaphore(%run_scoped3A : memref<!tpu.dma_semaphore, #tpu.memory_space<semaphore_mem>>)
      %dma_wait3A = arith.constant 0 : i32
      %dma_wait3A_54 = arith.constant 0 : i32
      %dma_wait3A_55 = tpu.memref_slice %arg5[%arg0, %dma_wait3A, %dma_wait3A_54] : memref<2x10240x128xf32, #tpu.memory_space<hbm>> -> memref<1x10240x128xf32, #tpu.memory_space<hbm>>
      %dma_wait3A_56 = tpu.memref_squeeze %dma_wait3A_55 : memref<1x10240x128xf32, #tpu.memory_space<hbm>> -> memref<10240x128xf32, #tpu.memory_space<hbm>>
      %dma_wait3A_57 = arith.constant 0 : i32
      %dma_wait3A_58 = tpu.memref_slice %dma_wait3A_56[%add3A_34, %dma_wait3A_57] : memref<10240x128xf32, #tpu.memory_space<hbm>> -> memref<128x128xf32, #tpu.memory_space<hbm>>
      %dma_wait3A_59 = arith.constant 0 : i32
      %dma_wait3A_60 = arith.constant 0 : i32
      %dma_wait3A_61 = tpu.memref_slice %arg5[%arg0, %dma_wait3A_59, %dma_wait3A_60] : memref<2x10240x128xf32, #tpu.memory_space<hbm>> -> memref<1x10240x128xf32, #tpu.memory_space<hbm>>
      %dma_wait3A_62 = tpu.memref_squeeze %dma_wait3A_61 : memref<1x10240x128xf32, #tpu.memory_space<hbm>> -> memref<10240x128xf32, #tpu.memory_space<hbm>>
      %dma_wait3A_63 = arith.constant 0 : i32
      %dma_wait3A_64 = tpu.memref_slice %dma_wait3A_62[%add3A_34, %dma_wait3A_63] : memref<10240x128xf32, #tpu.memory_space<hbm>> -> memref<128x128xf32, #tpu.memory_space<hbm>>
      tpu.wait_dma2 semaphore(%run_scoped3A : memref<!tpu.dma_semaphore, #tpu.memory_space<semaphore_mem>>) src(%arg8 : memref<128x128xf32, #tpu.memory_space<vmem>>) dst(%dma_wait3A_64 : memref<128x128xf32, #tpu.memory_space<hbm>>)
      tpu.yield
    }) : () -> ()
    %mul3A_35 = arith.constant 640 : i32
    %mul3A_36 = arith.muli %arg1, %mul3A_35 : i32
    %add3A_37 = arith.constant 384 : i32
    %add3A_38 = arith.addi %mul3A_36, %add3A_37 : i32
    "tpu.region"() ({
      %run_scoped3A = tpu.sem_alloc : memref<!tpu.dma_semaphore, #tpu.memory_space<semaphore_mem>>
      %dma_start3A = arith.constant 0 : i32
      %dma_start3A_43 = tpu.memref_slice %arg9[%add3A_38, %dma_start3A] : memref<10240x128xf32, #tpu.memory_space<vmem_shared>> -> memref<128x128xf32, #tpu.memory_space<vmem_shared>>
      %dma_start3A_44 = arith.constant 0 : i32
      %dma_start3A_45 = tpu.memref_slice %arg9[%add3A_38, %dma_start3A_44] : memref<10240x128xf32, #tpu.memory_space<vmem_shared>> -> memref<128x128xf32, #tpu.memory_space<vmem_shared>>
      tpu.enqueue_dma source(%dma_start3A_45 : memref<128x128xf32, #tpu.memory_space<vmem_shared>>) target(%arg8 : memref<128x128xf32, #tpu.memory_space<vmem>>) target_semaphore(%run_scoped3A : memref<!tpu.dma_semaphore, #tpu.memory_space<semaphore_mem>>)
      %dma_wait3A = arith.constant 0 : i32
      %dma_wait3A_46 = tpu.memref_slice %arg9[%add3A_38, %dma_wait3A] : memref<10240x128xf32, #tpu.memory_space<vmem_shared>> -> memref<128x128xf32, #tpu.memory_space<vmem_shared>>
      %dma_wait3A_47 = arith.constant 0 : i32
      %dma_wait3A_48 = tpu.memref_slice %arg9[%add3A_38, %dma_wait3A_47] : memref<10240x128xf32, #tpu.memory_space<vmem_shared>> -> memref<128x128xf32, #tpu.memory_space<vmem_shared>>
      tpu.wait_dma2 semaphore(%run_scoped3A : memref<!tpu.dma_semaphore, #tpu.memory_space<semaphore_mem>>) src(%dma_wait3A_48 : memref<128x128xf32, #tpu.memory_space<vmem_shared>>) dst(%arg8 : memref<128x128xf32, #tpu.memory_space<vmem>>)
      tpu.yield
    }) : () -> ()
    "tpu.region"() ({
      %run_scoped3A = tpu.sem_alloc : memref<!tpu.dma_semaphore, #tpu.memory_space<semaphore_mem>>
      %dma_start3A = arith.constant 0 : i32
      %dma_start3A_43 = arith.constant 0 : i32
      %dma_start3A_44 = tpu.memref_slice %arg5[%arg0, %dma_start3A, %dma_start3A_43] : memref<2x10240x128xf32, #tpu.memory_space<hbm>> -> memref<1x10240x128xf32, #tpu.memory_space<hbm>>
      %dma_start3A_45 = tpu.memref_squeeze %dma_start3A_44 : memref<1x10240x128xf32, #tpu.memory_space<hbm>> -> memref<10240x128xf32, #tpu.memory_space<hbm>>
      %dma_start3A_46 = arith.constant 0 : i32
      %dma_start3A_47 = tpu.memref_slice %dma_start3A_45[%add3A_38, %dma_start3A_46] : memref<10240x128xf32, #tpu.memory_space<hbm>> -> memref<128x128xf32, #tpu.memory_space<hbm>>
      %dma_start3A_48 = arith.constant 0 : i32
      %dma_start3A_49 = arith.constant 0 : i32
      %dma_start3A_50 = tpu.memref_slice %arg5[%arg0, %dma_start3A_48, %dma_start3A_49] : memref<2x10240x128xf32, #tpu.memory_space<hbm>> -> memref<1x10240x128xf32, #tpu.memory_space<hbm>>
      %dma_start3A_51 = tpu.memref_squeeze %dma_start3A_50 : memref<1x10240x128xf32, #tpu.memory_space<hbm>> -> memref<10240x128xf32, #tpu.memory_space<hbm>>
      %dma_start3A_52 = arith.constant 0 : i32
      %dma_start3A_53 = tpu.memref_slice %dma_start3A_51[%add3A_38, %dma_start3A_52] : memref<10240x128xf32, #tpu.memory_space<hbm>> -> memref<128x128xf32, #tpu.memory_space<hbm>>
      tpu.enqueue_dma source(%arg8 : memref<128x128xf32, #tpu.memory_space<vmem>>) target(%dma_start3A_53 : memref<128x128xf32, #tpu.memory_space<hbm>>) target_semaphore(%run_scoped3A : memref<!tpu.dma_semaphore, #tpu.memory_space<semaphore_mem>>)
      %dma_wait3A = arith.constant 0 : i32
      %dma_wait3A_54 = arith.constant 0 : i32
      %dma_wait3A_55 = tpu.memref_slice %arg5[%arg0, %dma_wait3A, %dma_wait3A_54] : memref<2x10240x128xf32, #tpu.memory_space<hbm>> -> memref<1x10240x128xf32, #tpu.memory_space<hbm>>
      %dma_wait3A_56 = tpu.memref_squeeze %dma_wait3A_55 : memref<1x10240x128xf32, #tpu.memory_space<hbm>> -> memref<10240x128xf32, #tpu.memory_space<hbm>>
      %dma_wait3A_57 = arith.constant 0 : i32
      %dma_wait3A_58 = tpu.memref_slice %dma_wait3A_56[%add3A_38, %dma_wait3A_57] : memref<10240x128xf32, #tpu.memory_space<hbm>> -> memref<128x128xf32, #tpu.memory_space<hbm>>
      %dma_wait3A_59 = arith.constant 0 : i32
      %dma_wait3A_60 = arith.constant 0 : i32
      %dma_wait3A_61 = tpu.memref_slice %arg5[%arg0, %dma_wait3A_59, %dma_wait3A_60] : memref<2x10240x128xf32, #tpu.memory_space<hbm>> -> memref<1x10240x128xf32, #tpu.memory_space<hbm>>
      %dma_wait3A_62 = tpu.memref_squeeze %dma_wait3A_61 : memref<1x10240x128xf32, #tpu.memory_space<hbm>> -> memref<10240x128xf32, #tpu.memory_space<hbm>>
      %dma_wait3A_63 = arith.constant 0 : i32
      %dma_wait3A_64 = tpu.memref_slice %dma_wait3A_62[%add3A_38, %dma_wait3A_63] : memref<10240x128xf32, #tpu.memory_space<hbm>> -> memref<128x128xf32, #tpu.memory_space<hbm>>
      tpu.wait_dma2 semaphore(%run_scoped3A : memref<!tpu.dma_semaphore, #tpu.memory_space<semaphore_mem>>) src(%arg8 : memref<128x128xf32, #tpu.memory_space<vmem>>) dst(%dma_wait3A_64 : memref<128x128xf32, #tpu.memory_space<hbm>>)
      tpu.yield
    }) : () -> ()
    %mul3A_39 = arith.constant 640 : i32
    %mul3A_40 = arith.muli %arg1, %mul3A_39 : i32
    %add3A_41 = arith.constant 512 : i32
    %add3A_42 = arith.addi %mul3A_40, %add3A_41 : i32
    "tpu.region"() ({
      %run_scoped3A = tpu.sem_alloc : memref<!tpu.dma_semaphore, #tpu.memory_space<semaphore_mem>>
      %dma_start3A = arith.constant 0 : i32
      %dma_start3A_43 = tpu.memref_slice %arg9[%add3A_42, %dma_start3A] : memref<10240x128xf32, #tpu.memory_space<vmem_shared>> -> memref<128x128xf32, #tpu.memory_space<vmem_shared>>
      %dma_start3A_44 = arith.constant 0 : i32
      %dma_start3A_45 = tpu.memref_slice %arg9[%add3A_42, %dma_start3A_44] : memref<10240x128xf32, #tpu.memory_space<vmem_shared>> -> memref<128x128xf32, #tpu.memory_space<vmem_shared>>
      tpu.enqueue_dma source(%dma_start3A_45 : memref<128x128xf32, #tpu.memory_space<vmem_shared>>) target(%arg8 : memref<128x128xf32, #tpu.memory_space<vmem>>) target_semaphore(%run_scoped3A : memref<!tpu.dma_semaphore, #tpu.memory_space<semaphore_mem>>)
      %dma_wait3A = arith.constant 0 : i32
      %dma_wait3A_46 = tpu.memref_slice %arg9[%add3A_42, %dma_wait3A] : memref<10240x128xf32, #tpu.memory_space<vmem_shared>> -> memref<128x128xf32, #tpu.memory_space<vmem_shared>>
      %dma_wait3A_47 = arith.constant 0 : i32
      %dma_wait3A_48 = tpu.memref_slice %arg9[%add3A_42, %dma_wait3A_47] : memref<10240x128xf32, #tpu.memory_space<vmem_shared>> -> memref<128x128xf32, #tpu.memory_space<vmem_shared>>
      tpu.wait_dma2 semaphore(%run_scoped3A : memref<!tpu.dma_semaphore, #tpu.memory_space<semaphore_mem>>) src(%dma_wait3A_48 : memref<128x128xf32, #tpu.memory_space<vmem_shared>>) dst(%arg8 : memref<128x128xf32, #tpu.memory_space<vmem>>)
      tpu.yield
    }) : () -> ()
    "tpu.region"() ({
      %run_scoped3A = tpu.sem_alloc : memref<!tpu.dma_semaphore, #tpu.memory_space<semaphore_mem>>
      %dma_start3A = arith.constant 0 : i32
      %dma_start3A_43 = arith.constant 0 : i32
      %dma_start3A_44 = tpu.memref_slice %arg5[%arg0, %dma_start3A, %dma_start3A_43] : memref<2x10240x128xf32, #tpu.memory_space<hbm>> -> memref<1x10240x128xf32, #tpu.memory_space<hbm>>
      %dma_start3A_45 = tpu.memref_squeeze %dma_start3A_44 : memref<1x10240x128xf32, #tpu.memory_space<hbm>> -> memref<10240x128xf32, #tpu.memory_space<hbm>>
      %dma_start3A_46 = arith.constant 0 : i32
      %dma_start3A_47 = tpu.memref_slice %dma_start3A_45[%add3A_42, %dma_start3A_46] : memref<10240x128xf32, #tpu.memory_space<hbm>> -> memref<128x128xf32, #tpu.memory_space<hbm>>
      %dma_start3A_48 = arith.constant 0 : i32
      %dma_start3A_49 = arith.constant 0 : i32
      %dma_start3A_50 = tpu.memref_slice %arg5[%arg0, %dma_start3A_48, %dma_start3A_49] : memref<2x10240x128xf32, #tpu.memory_space<hbm>> -> memref<1x10240x128xf32, #tpu.memory_space<hbm>>
      %dma_start3A_51 = tpu.memref_squeeze %dma_start3A_50 : memref<1x10240x128xf32, #tpu.memory_space<hbm>> -> memref<10240x128xf32, #tpu.memory_space<hbm>>
      %dma_start3A_52 = arith.constant 0 : i32
      %dma_start3A_53 = tpu.memref_slice %dma_start3A_51[%add3A_42, %dma_start3A_52] : memref<10240x128xf32, #tpu.memory_space<hbm>> -> memref<128x128xf32, #tpu.memory_space<hbm>>
      tpu.enqueue_dma source(%arg8 : memref<128x128xf32, #tpu.memory_space<vmem>>) target(%dma_start3A_53 : memref<128x128xf32, #tpu.memory_space<hbm>>) target_semaphore(%run_scoped3A : memref<!tpu.dma_semaphore, #tpu.memory_space<semaphore_mem>>)
      %dma_wait3A = arith.constant 0 : i32
      %dma_wait3A_54 = arith.constant 0 : i32
      %dma_wait3A_55 = tpu.memref_slice %arg5[%arg0, %dma_wait3A, %dma_wait3A_54] : memref<2x10240x128xf32, #tpu.memory_space<hbm>> -> memref<1x10240x128xf32, #tpu.memory_space<hbm>>
      %dma_wait3A_56 = tpu.memref_squeeze %dma_wait3A_55 : memref<1x10240x128xf32, #tpu.memory_space<hbm>> -> memref<10240x128xf32, #tpu.memory_space<hbm>>
      %dma_wait3A_57 = arith.constant 0 : i32
      %dma_wait3A_58 = tpu.memref_slice %dma_wait3A_56[%add3A_42, %dma_wait3A_57] : memref<10240x128xf32, #tpu.memory_space<hbm>> -> memref<128x128xf32, #tpu.memory_space<hbm>>
      %dma_wait3A_59 = arith.constant 0 : i32
      %dma_wait3A_60 = arith.constant 0 : i32
      %dma_wait3A_61 = tpu.memref_slice %arg5[%arg0, %dma_wait3A_59, %dma_wait3A_60] : memref<2x10240x128xf32, #tpu.memory_space<hbm>> -> memref<1x10240x128xf32, #tpu.memory_space<hbm>>
      %dma_wait3A_62 = tpu.memref_squeeze %dma_wait3A_61 : memref<1x10240x128xf32, #tpu.memory_space<hbm>> -> memref<10240x128xf32, #tpu.memory_space<hbm>>
      %dma_wait3A_63 = arith.constant 0 : i32
      %dma_wait3A_64 = tpu.memref_slice %dma_wait3A_62[%add3A_42, %dma_wait3A_63] : memref<10240x128xf32, #tpu.memory_space<hbm>> -> memref<128x128xf32, #tpu.memory_space<hbm>>
      tpu.wait_dma2 semaphore(%run_scoped3A : memref<!tpu.dma_semaphore, #tpu.memory_space<semaphore_mem>>) src(%arg8 : memref<128x128xf32, #tpu.memory_space<vmem>>) dst(%dma_wait3A_64 : memref<128x128xf32, #tpu.memory_space<hbm>>)
      tpu.yield
    }) : () -> ()
    return
  }
}

#map = affine_map<(d0, d1) -> (0, 0)>
#map1 = affine_map<(d0, d1) -> (0, 0, 0)>
module attributes {stable_mosaic.version = 14 : i64} {
  func.func @seg(%arg0: i32, %arg1: i32, %arg2: memref<10240x128xf32, #tpu.memory_space<hbm>>, %arg3: memref<32x79x128xi32, #tpu.memory_space<hbm>>, %arg4: memref<32x79x128xi32, #tpu.memory_space<hbm>>, %arg5: memref<2x10240x128xf32, #tpu.memory_space<hbm>>, %arg6: memref<79x128xi32, #tpu.memory_space<vmem>>, %arg7: memref<79x128xi32, #tpu.memory_space<vmem>>, %arg8: memref<128x128xf32, #tpu.memory_space<vmem>>, %arg9: memref<10240x128xf32, #tpu.memory_space<vmem_shared>>, %arg10: memref<!tpu.dma_semaphore, #tpu.memory_space<semaphore_mem>>) attributes {dimension_semantics = [#tpu.dimension_semantics<core_parallel>, #tpu.dimension_semantics<subcore_parallel>], iteration_bounds = array<i64: 2, 16>, scalar_prefetch = 0 : i64, scratch_operands = 5 : i64, tpu.core_type = #tpu.core_type<sc_vector_subcore>, window_params = [{transform_indices = #map}, {transform_indices = #map1}, {transform_indices = #map1}, {transform_indices = #map1}]} {
    %mul3A = arith.constant 2 : i32
    %mul3A_0 = arith.muli %arg1, %mul3A : i32
    %add3A = arith.addi %mul3A_0, %arg0 : i32
    "tpu.region"() ({
      %run_scoped3A = tpu.sem_alloc : memref<!tpu.dma_semaphore, #tpu.memory_space<semaphore_mem>>
      %dma_start3A = arith.constant 0 : i32
      %dma_start3A_43 = arith.constant 0 : i32
      %dma_start3A_44 = tpu.memref_slice %arg3[%add3A, %dma_start3A, %dma_start3A_43] : memref<32x79x128xi32, #tpu.memory_space<hbm>> -> memref<1x79x128xi32, #tpu.memory_space<hbm>>
      %dma_start3A_45 = tpu.memref_squeeze %dma_start3A_44 : memref<1x79x128xi32, #tpu.memory_space<hbm>> -> memref<79x128xi32, #tpu.memory_space<hbm>>
      %dma_start3A_46 = arith.constant 0 : i32
      %dma_start3A_47 = arith.constant 0 : i32
      %dma_start3A_48 = tpu.memref_slice %arg3[%add3A, %dma_start3A_46, %dma_start3A_47] : memref<32x79x128xi32, #tpu.memory_space<hbm>> -> memref<1x79x128xi32, #tpu.memory_space<hbm>>
      %dma_start3A_49 = tpu.memref_squeeze %dma_start3A_48 : memref<1x79x128xi32, #tpu.memory_space<hbm>> -> memref<79x128xi32, #tpu.memory_space<hbm>>
      tpu.enqueue_dma source(%dma_start3A_49 : memref<79x128xi32, #tpu.memory_space<hbm>>) target(%arg6 : memref<79x128xi32, #tpu.memory_space<vmem>>) target_semaphore(%run_scoped3A : memref<!tpu.dma_semaphore, #tpu.memory_space<semaphore_mem>>)
      %dma_wait3A = arith.constant 0 : i32
      %dma_wait3A_50 = arith.constant 0 : i32
      %dma_wait3A_51 = tpu.memref_slice %arg3[%add3A, %dma_wait3A, %dma_wait3A_50] : memref<32x79x128xi32, #tpu.memory_space<hbm>> -> memref<1x79x128xi32, #tpu.memory_space<hbm>>
      %dma_wait3A_52 = tpu.memref_squeeze %dma_wait3A_51 : memref<1x79x128xi32, #tpu.memory_space<hbm>> -> memref<79x128xi32, #tpu.memory_space<hbm>>
      %dma_wait3A_53 = arith.constant 0 : i32
      %dma_wait3A_54 = arith.constant 0 : i32
      %dma_wait3A_55 = tpu.memref_slice %arg3[%add3A, %dma_wait3A_53, %dma_wait3A_54] : memref<32x79x128xi32, #tpu.memory_space<hbm>> -> memref<1x79x128xi32, #tpu.memory_space<hbm>>
      %dma_wait3A_56 = tpu.memref_squeeze %dma_wait3A_55 : memref<1x79x128xi32, #tpu.memory_space<hbm>> -> memref<79x128xi32, #tpu.memory_space<hbm>>
      tpu.wait_dma2 semaphore(%run_scoped3A : memref<!tpu.dma_semaphore, #tpu.memory_space<semaphore_mem>>) src(%dma_wait3A_56 : memref<79x128xi32, #tpu.memory_space<hbm>>) dst(%arg6 : memref<79x128xi32, #tpu.memory_space<vmem>>)
      tpu.yield
    }) : () -> ()
    "tpu.region"() ({
      %run_scoped3A = tpu.sem_alloc : memref<!tpu.dma_semaphore, #tpu.memory_space<semaphore_mem>>
      %dma_start3A = arith.constant 0 : i32
      %dma_start3A_43 = arith.constant 0 : i32
      %dma_start3A_44 = tpu.memref_slice %arg4[%add3A, %dma_start3A, %dma_start3A_43] : memref<32x79x128xi32, #tpu.memory_space<hbm>> -> memref<1x79x128xi32, #tpu.memory_space<hbm>>
      %dma_start3A_45 = tpu.memref_squeeze %dma_start3A_44 : memref<1x79x128xi32, #tpu.memory_space<hbm>> -> memref<79x128xi32, #tpu.memory_space<hbm>>
      %dma_start3A_46 = arith.constant 0 : i32
      %dma_start3A_47 = arith.constant 0 : i32
      %dma_start3A_48 = tpu.memref_slice %arg4[%add3A, %dma_start3A_46, %dma_start3A_47] : memref<32x79x128xi32, #tpu.memory_space<hbm>> -> memref<1x79x128xi32, #tpu.memory_space<hbm>>
      %dma_start3A_49 = tpu.memref_squeeze %dma_start3A_48 : memref<1x79x128xi32, #tpu.memory_space<hbm>> -> memref<79x128xi32, #tpu.memory_space<hbm>>
      tpu.enqueue_dma source(%dma_start3A_49 : memref<79x128xi32, #tpu.memory_space<hbm>>) target(%arg7 : memref<79x128xi32, #tpu.memory_space<vmem>>) target_semaphore(%run_scoped3A : memref<!tpu.dma_semaphore, #tpu.memory_space<semaphore_mem>>)
      %dma_wait3A = arith.constant 0 : i32
      %dma_wait3A_50 = arith.constant 0 : i32
      %dma_wait3A_51 = tpu.memref_slice %arg4[%add3A, %dma_wait3A, %dma_wait3A_50] : memref<32x79x128xi32, #tpu.memory_space<hbm>> -> memref<1x79x128xi32, #tpu.memory_space<hbm>>
      %dma_wait3A_52 = tpu.memref_squeeze %dma_wait3A_51 : memref<1x79x128xi32, #tpu.memory_space<hbm>> -> memref<79x128xi32, #tpu.memory_space<hbm>>
      %dma_wait3A_53 = arith.constant 0 : i32
      %dma_wait3A_54 = arith.constant 0 : i32
      %dma_wait3A_55 = tpu.memref_slice %arg4[%add3A, %dma_wait3A_53, %dma_wait3A_54] : memref<32x79x128xi32, #tpu.memory_space<hbm>> -> memref<1x79x128xi32, #tpu.memory_space<hbm>>
      %dma_wait3A_56 = tpu.memref_squeeze %dma_wait3A_55 : memref<1x79x128xi32, #tpu.memory_space<hbm>> -> memref<79x128xi32, #tpu.memory_space<hbm>>
      tpu.wait_dma2 semaphore(%run_scoped3A : memref<!tpu.dma_semaphore, #tpu.memory_space<semaphore_mem>>) src(%dma_wait3A_56 : memref<79x128xi32, #tpu.memory_space<hbm>>) dst(%arg7 : memref<79x128xi32, #tpu.memory_space<vmem>>)
      tpu.yield
    }) : () -> ()
    %scan3A = arith.constant 0 : i32
    %scan3A_1 = arith.constant 128 : i32
    %scan3A_2 = arith.addi %scan3A, %scan3A_1 : i32
    %scan3A_3 = arith.constant 1 : i32
    scf.for %scan3A_43 = %scan3A to %scan3A_2 step %scan3A_3  : i32 {
      %mul3A_44 = arith.constant 1 : i32
      %mul3A_45 = arith.muli %scan3A_43, %mul3A_44 : i32
      %add3A_46 = arith.constant 0 : i32
      %add3A_47 = arith.addi %add3A_46, %mul3A_45 : i32
      %scan3A_48 = arith.constant 0 : i32
      %scan3A_49 = arith.constant 8 : i32
      %scan3A_50 = arith.addi %scan3A_48, %scan3A_49 : i32
      %scan3A_51 = arith.constant 1 : i32
      scf.for %scan3A_53 = %scan3A_48 to %scan3A_50 step %scan3A_51  : i32 {
        %mul3A_54 = arith.constant 16 : i32
        %mul3A_55 = arith.muli %scan3A_53, %mul3A_54 : i32
        %add3A_56 = arith.constant 0 : i32
        %add3A_57 = arith.addi %add3A_56, %mul3A_55 : i32
        %broadcast_in_dim3A = arith.constant 0.000000e+00 : f32
        %broadcast_in_dim3A_58 = vector.broadcast %broadcast_in_dim3A : f32 to vector<16xf32>
        %swap3A = arith.index_cast %add3A_47 : i32 to index
        %swap3A_59 = arith.index_cast %add3A_57 : i32 to index
        %swap3A_60 = tpu.vector_load %arg8[%swap3A, %swap3A_59] {strides = array<i32>} : memref<128x128xf32, #tpu.memory_space<vmem>>, vector<1x16xf32>,
        %swap3A_61 = vector.shape_cast %swap3A_60 : vector<1x16xf32> to vector<16xf32>
        %swap3A_62 = vector.shape_cast %broadcast_in_dim3A_58 : vector<16xf32> to vector<1x16xf32>
        tpu.vector_store %arg8[%swap3A, %swap3A_59], %swap3A_62 {strides = array<i32>} : memref<128x128xf32, #tpu.memory_space<vmem>>, vector<1x16xf32>,
      }
      %scan3A_52 = arith.constant 8 : i32
    }
    %scan3A_4 = arith.constant 128 : i32
    %mul3A_5 = arith.constant 640 : i32
    %mul3A_6 = arith.muli %arg1, %mul3A_5 : i32
    %add3A_7 = arith.constant 0 : i32
    %add3A_8 = arith.addi %mul3A_6, %add3A_7 : i32
    "tpu.region"() ({
      %run_scoped3A = tpu.sem_alloc : memref<!tpu.dma_semaphore, #tpu.memory_space<semaphore_mem>>
      %dma_start3A = arith.constant 0 : i32
      %dma_start3A_43 = tpu.memref_slice %arg9[%add3A_8, %dma_start3A] : memref<10240x128xf32, #tpu.memory_space<vmem_shared>> -> memref<128x128xf32, #tpu.memory_space<vmem_shared>>
      %dma_start3A_44 = arith.constant 0 : i32
      %dma_start3A_45 = tpu.memref_slice %arg9[%add3A_8, %dma_start3A_44] : memref<10240x128xf32, #tpu.memory_space<vmem_shared>> -> memref<128x128xf32, #tpu.memory_space<vmem_shared>>
      tpu.enqueue_dma source(%arg8 : memref<128x128xf32, #tpu.memory_space<vmem>>) target(%dma_start3A_45 : memref<128x128xf32, #tpu.memory_space<vmem_shared>>) target_semaphore(%run_scoped3A : memref<!tpu.dma_semaphore, #tpu.memory_space<semaphore_mem>>)
      %dma_wait3A = arith.constant 0 : i32
      %dma_wait3A_46 = tpu.memref_slice %arg9[%add3A_8, %dma_wait3A] : memref<10240x128xf32, #tpu.memory_space<vmem_shared>> -> memref<128x128xf32, #tpu.memory_space<vmem_shared>>
      %dma_wait3A_47 = arith.constant 0 : i32
      %dma_wait3A_48 = tpu.memref_slice %arg9[%add3A_8, %dma_wait3A_47] : memref<10240x128xf32, #tpu.memory_space<vmem_shared>> -> memref<128x128xf32, #tpu.memory_space<vmem_shared>>
      tpu.wait_dma2 semaphore(%run_scoped3A : memref<!tpu.dma_semaphore, #tpu.memory_space<semaphore_mem>>) src(%arg8 : memref<128x128xf32, #tpu.memory_space<vmem>>) dst(%dma_wait3A_48 : memref<128x128xf32, #tpu.memory_space<vmem_shared>>)
      tpu.yield
    }) : () -> ()
    %add3A_9 = arith.constant 128 : i32
    %add3A_10 = arith.addi %mul3A_6, %add3A_9 : i32
    "tpu.region"() ({
      %run_scoped3A = tpu.sem_alloc : memref<!tpu.dma_semaphore, #tpu.memory_space<semaphore_mem>>
      %dma_start3A = arith.constant 0 : i32
      %dma_start3A_43 = tpu.memref_slice %arg9[%add3A_10, %dma_start3A] : memref<10240x128xf32, #tpu.memory_space<vmem_shared>> -> memref<128x128xf32, #tpu.memory_space<vmem_shared>>
      %dma_start3A_44 = arith.constant 0 : i32
      %dma_start3A_45 = tpu.memref_slice %arg9[%add3A_10, %dma_start3A_44] : memref<10240x128xf32, #tpu.memory_space<vmem_shared>> -> memref<128x128xf32, #tpu.memory_space<vmem_shared>>
      tpu.enqueue_dma source(%arg8 : memref<128x128xf32, #tpu.memory_space<vmem>>) target(%dma_start3A_45 : memref<128x128xf32, #tpu.memory_space<vmem_shared>>) target_semaphore(%run_scoped3A : memref<!tpu.dma_semaphore, #tpu.memory_space<semaphore_mem>>)
      %dma_wait3A = arith.constant 0 : i32
      %dma_wait3A_46 = tpu.memref_slice %arg9[%add3A_10, %dma_wait3A] : memref<10240x128xf32, #tpu.memory_space<vmem_shared>> -> memref<128x128xf32, #tpu.memory_space<vmem_shared>>
      %dma_wait3A_47 = arith.constant 0 : i32
      %dma_wait3A_48 = tpu.memref_slice %arg9[%add3A_10, %dma_wait3A_47] : memref<10240x128xf32, #tpu.memory_space<vmem_shared>> -> memref<128x128xf32, #tpu.memory_space<vmem_shared>>
      tpu.wait_dma2 semaphore(%run_scoped3A : memref<!tpu.dma_semaphore, #tpu.memory_space<semaphore_mem>>) src(%arg8 : memref<128x128xf32, #tpu.memory_space<vmem>>) dst(%dma_wait3A_48 : memref<128x128xf32, #tpu.memory_space<vmem_shared>>)
      tpu.yield
    }) : () -> ()
    %add3A_11 = arith.constant 256 : i32
    %add3A_12 = arith.addi %mul3A_6, %add3A_11 : i32
    "tpu.region"() ({
      %run_scoped3A = tpu.sem_alloc : memref<!tpu.dma_semaphore, #tpu.memory_space<semaphore_mem>>
      %dma_start3A = arith.constant 0 : i32
      %dma_start3A_43 = tpu.memref_slice %arg9[%add3A_12, %dma_start3A] : memref<10240x128xf32, #tpu.memory_space<vmem_shared>> -> memref<128x128xf32, #tpu.memory_space<vmem_shared>>
      %dma_start3A_44 = arith.constant 0 : i32
      %dma_start3A_45 = tpu.memref_slice %arg9[%add3A_12, %dma_start3A_44] : memref<10240x128xf32, #tpu.memory_space<vmem_shared>> -> memref<128x128xf32, #tpu.memory_space<vmem_shared>>
      tpu.enqueue_dma source(%arg8 : memref<128x128xf32, #tpu.memory_space<vmem>>) target(%dma_start3A_45 : memref<128x128xf32, #tpu.memory_space<vmem_shared>>) target_semaphore(%run_scoped3A : memref<!tpu.dma_semaphore, #tpu.memory_space<semaphore_mem>>)
      %dma_wait3A = arith.constant 0 : i32
      %dma_wait3A_46 = tpu.memref_slice %arg9[%add3A_12, %dma_wait3A] : memref<10240x128xf32, #tpu.memory_space<vmem_shared>> -> memref<128x128xf32, #tpu.memory_space<vmem_shared>>
      %dma_wait3A_47 = arith.constant 0 : i32
      %dma_wait3A_48 = tpu.memref_slice %arg9[%add3A_12, %dma_wait3A_47] : memref<10240x128xf32, #tpu.memory_space<vmem_shared>> -> memref<128x128xf32, #tpu.memory_space<vmem_shared>>
      tpu.wait_dma2 semaphore(%run_scoped3A : memref<!tpu.dma_semaphore, #tpu.memory_space<semaphore_mem>>) src(%arg8 : memref<128x128xf32, #tpu.memory_space<vmem>>) dst(%dma_wait3A_48 : memref<128x128xf32, #tpu.memory_space<vmem_shared>>)
      tpu.yield
    }) : () -> ()
    %add3A_13 = arith.constant 384 : i32
    %add3A_14 = arith.addi %mul3A_6, %add3A_13 : i32
    "tpu.region"() ({
      %run_scoped3A = tpu.sem_alloc : memref<!tpu.dma_semaphore, #tpu.memory_space<semaphore_mem>>
      %dma_start3A = arith.constant 0 : i32
      %dma_start3A_43 = tpu.memref_slice %arg9[%add3A_14, %dma_start3A] : memref<10240x128xf32, #tpu.memory_space<vmem_shared>> -> memref<128x128xf32, #tpu.memory_space<vmem_shared>>
      %dma_start3A_44 = arith.constant 0 : i32
      %dma_start3A_45 = tpu.memref_slice %arg9[%add3A_14, %dma_start3A_44] : memref<10240x128xf32, #tpu.memory_space<vmem_shared>> -> memref<128x128xf32, #tpu.memory_space<vmem_shared>>
      tpu.enqueue_dma source(%arg8 : memref<128x128xf32, #tpu.memory_space<vmem>>) target(%dma_start3A_45 : memref<128x128xf32, #tpu.memory_space<vmem_shared>>) target_semaphore(%run_scoped3A : memref<!tpu.dma_semaphore, #tpu.memory_space<semaphore_mem>>)
      %dma_wait3A = arith.constant 0 : i32
      %dma_wait3A_46 = tpu.memref_slice %arg9[%add3A_14, %dma_wait3A] : memref<10240x128xf32, #tpu.memory_space<vmem_shared>> -> memref<128x128xf32, #tpu.memory_space<vmem_shared>>
      %dma_wait3A_47 = arith.constant 0 : i32
      %dma_wait3A_48 = tpu.memref_slice %arg9[%add3A_14, %dma_wait3A_47] : memref<10240x128xf32, #tpu.memory_space<vmem_shared>> -> memref<128x128xf32, #tpu.memory_space<vmem_shared>>
      tpu.wait_dma2 semaphore(%run_scoped3A : memref<!tpu.dma_semaphore, #tpu.memory_space<semaphore_mem>>) src(%arg8 : memref<128x128xf32, #tpu.memory_space<vmem>>) dst(%dma_wait3A_48 : memref<128x128xf32, #tpu.memory_space<vmem_shared>>)
      tpu.yield
    }) : () -> ()
    %add3A_15 = arith.constant 512 : i32
    %add3A_16 = arith.addi %mul3A_6, %add3A_15 : i32
    "tpu.region"() ({
      %run_scoped3A = tpu.sem_alloc : memref<!tpu.dma_semaphore, #tpu.memory_space<semaphore_mem>>
      %dma_start3A = arith.constant 0 : i32
      %dma_start3A_43 = tpu.memref_slice %arg9[%add3A_16, %dma_start3A] : memref<10240x128xf32, #tpu.memory_space<vmem_shared>> -> memref<128x128xf32, #tpu.memory_space<vmem_shared>>
      %dma_start3A_44 = arith.constant 0 : i32
      %dma_start3A_45 = tpu.memref_slice %arg9[%add3A_16, %dma_start3A_44] : memref<10240x128xf32, #tpu.memory_space<vmem_shared>> -> memref<128x128xf32, #tpu.memory_space<vmem_shared>>
      tpu.enqueue_dma source(%arg8 : memref<128x128xf32, #tpu.memory_space<vmem>>) target(%dma_start3A_45 : memref<128x128xf32, #tpu.memory_space<vmem_shared>>) target_semaphore(%run_scoped3A : memref<!tpu.dma_semaphore, #tpu.memory_space<semaphore_mem>>)
      %dma_wait3A = arith.constant 0 : i32
      %dma_wait3A_46 = tpu.memref_slice %arg9[%add3A_16, %dma_wait3A] : memref<10240x128xf32, #tpu.memory_space<vmem_shared>> -> memref<128x128xf32, #tpu.memory_space<vmem_shared>>
      %dma_wait3A_47 = arith.constant 0 : i32
      %dma_wait3A_48 = tpu.memref_slice %arg9[%add3A_16, %dma_wait3A_47] : memref<10240x128xf32, #tpu.memory_space<vmem_shared>> -> memref<128x128xf32, #tpu.memory_space<vmem_shared>>
      tpu.wait_dma2 semaphore(%run_scoped3A : memref<!tpu.dma_semaphore, #tpu.memory_space<semaphore_mem>>) src(%arg8 : memref<128x128xf32, #tpu.memory_space<vmem>>) dst(%dma_wait3A_48 : memref<128x128xf32, #tpu.memory_space<vmem_shared>>)
      tpu.yield
    }) : () -> ()
    %barrier3A = arith.constant 0 : index
    tpu.barrier barrier_id(%barrier3A)
    %scan3A_17 = arith.constant 0 : i32
    %scan3A_18 = arith.constant 79 : i32
    %scan3A_19 = arith.addi %scan3A_17, %scan3A_18 : i32
    %scan3A_20 = arith.constant 1 : i32
    scf.for %scan3A_43 = %scan3A_17 to %scan3A_19 step %scan3A_20  : i32 {
      %mul3A_44 = arith.constant 1 : i32
      %mul3A_45 = arith.muli %scan3A_43, %mul3A_44 : i32
      %add3A_46 = arith.constant 0 : i32
      %add3A_47 = arith.addi %add3A_46, %mul3A_45 : i32
      %dma_start3A = arith.constant 0 : i32
      %dma_start3A_48 = tpu.memref_slice %arg6[%add3A_47, %dma_start3A] : memref<79x128xi32, #tpu.memory_space<vmem>> -> memref<1x128xi32, #tpu.memory_space<vmem>>
      %dma_start3A_49 = tpu.memref_squeeze %dma_start3A_48 : memref<1x128xi32, #tpu.memory_space<vmem>> -> memref<128xi32, #tpu.memory_space<vmem>>
      %dma_start3A_50 = arith.constant 0 : i32
      %dma_start3A_51 = arith.constant 0 : i32
      %dma_start3A_52 = tpu.memref_slice %arg2[%dma_start3A_50, %dma_start3A_51] : memref<10240x128xf32, #tpu.memory_space<hbm>> -> memref<10240x128xf32, #tpu.memory_space<hbm>>
      tpu.enqueue_indirect_dma source(%dma_start3A_52 : memref<10240x128xf32, #tpu.memory_space<hbm>>) target(%arg8 : memref<128x128xf32, #tpu.memory_space<vmem>>) offsets(%dma_start3A_49 : memref<128xi32, #tpu.memory_space<vmem>>) semaphore(%arg10 : memref<!tpu.dma_semaphore, #tpu.memory_space<semaphore_mem>>)
      %dma_wait3A = arith.constant 0 : i32
      %dma_wait3A_53 = tpu.memref_slice %arg6[%add3A_47, %dma_wait3A] : memref<79x128xi32, #tpu.memory_space<vmem>> -> memref<1x128xi32, #tpu.memory_space<vmem>>
      %dma_wait3A_54 = tpu.memref_squeeze %dma_wait3A_53 : memref<1x128xi32, #tpu.memory_space<vmem>> -> memref<128xi32, #tpu.memory_space<vmem>>
      %dma_wait3A_55 = arith.constant 0 : i32
      %dma_wait3A_56 = arith.constant 0 : i32
      %dma_wait3A_57 = tpu.memref_slice %arg2[%dma_wait3A_55, %dma_wait3A_56] : memref<10240x128xf32, #tpu.memory_space<hbm>> -> memref<10240x128xf32, #tpu.memory_space<hbm>>
      tpu.wait_indirect_dma semaphore(%arg10 : memref<!tpu.dma_semaphore, #tpu.memory_space<semaphore_mem>>) src(%dma_wait3A_57 : memref<10240x128xf32, #tpu.memory_space<hbm>>) dst(%arg8 : memref<128x128xf32, #tpu.memory_space<vmem>>)
      "tpu.region"() ({
        %run_scoped3A = tpu.sem_alloc : memref<!tpu.dma_semaphore, #tpu.memory_space<semaphore_mem>>
        %dma_start3A_58 = arith.constant 0 : i32
        %dma_start3A_59 = tpu.memref_slice %arg7[%add3A_47, %dma_start3A_58] : memref<79x128xi32, #tpu.memory_space<vmem>> -> memref<1x128xi32, #tpu.memory_space<vmem>>
        %dma_start3A_60 = tpu.memref_squeeze %dma_start3A_59 : memref<1x128xi32, #tpu.memory_space<vmem>> -> memref<128xi32, #tpu.memory_space<vmem>>
        %dma_start3A_61 = arith.constant 0 : i32
        %dma_start3A_62 = arith.constant 0 : i32
        %dma_start3A_63 = tpu.memref_slice %arg9[%dma_start3A_61, %dma_start3A_62] : memref<10240x128xf32, #tpu.memory_space<vmem_shared>> -> memref<10240x128xf32, #tpu.memory_space<vmem_shared>>
        tpu.enqueue_indirect_dma source(%arg8 : memref<128x128xf32, #tpu.memory_space<vmem>>) target(%dma_start3A_63 : memref<10240x128xf32, #tpu.memory_space<vmem_shared>>) offsets(%dma_start3A_60 : memref<128xi32, #tpu.memory_space<vmem>>) semaphore(%run_scoped3A : memref<!tpu.dma_semaphore, #tpu.memory_space<semaphore_mem>>) {add = true}
        %dma_wait3A_64 = arith.constant 0 : i32
        %dma_wait3A_65 = tpu.memref_slice %arg7[%add3A_47, %dma_wait3A_64] : memref<79x128xi32, #tpu.memory_space<vmem>> -> memref<1x128xi32, #tpu.memory_space<vmem>>
        %dma_wait3A_66 = tpu.memref_squeeze %dma_wait3A_65 : memref<1x128xi32, #tpu.memory_space<vmem>> -> memref<128xi32, #tpu.memory_space<vmem>>
        %dma_wait3A_67 = arith.constant 0 : i32
        %dma_wait3A_68 = arith.constant 0 : i32
        %dma_wait3A_69 = tpu.memref_slice %arg9[%dma_wait3A_67, %dma_wait3A_68] : memref<10240x128xf32, #tpu.memory_space<vmem_shared>> -> memref<10240x128xf32, #tpu.memory_space<vmem_shared>>
        tpu.wait_indirect_dma semaphore(%run_scoped3A : memref<!tpu.dma_semaphore, #tpu.memory_space<semaphore_mem>>) src(%arg8 : memref<128x128xf32, #tpu.memory_space<vmem>>) dst(%dma_wait3A_69 : memref<10240x128xf32, #tpu.memory_space<vmem_shared>>)
        tpu.yield
      }) : () -> ()
    }
    %scan3A_21 = arith.constant 79 : i32
    %barrier3A_22 = arith.constant 0 : index
    tpu.barrier barrier_id(%barrier3A_22)
    %mul3A_23 = arith.constant 640 : i32
    %mul3A_24 = arith.muli %arg1, %mul3A_23 : i32
    %add3A_25 = arith.constant 0 : i32
    %add3A_26 = arith.addi %mul3A_24, %add3A_25 : i32
    "tpu.region"() ({
      %run_scoped3A = tpu.sem_alloc : memref<!tpu.dma_semaphore, #tpu.memory_space<semaphore_mem>>
      %dma_start3A = arith.constant 0 : i32
      %dma_start3A_43 = tpu.memref_slice %arg9[%add3A_26, %dma_start3A] : memref<10240x128xf32, #tpu.memory_space<vmem_shared>> -> memref<128x128xf32, #tpu.memory_space<vmem_shared>>
      %dma_start3A_44 = arith.constant 0 : i32
      %dma_start3A_45 = tpu.memref_slice %arg9[%add3A_26, %dma_start3A_44] : memref<10240x128xf32, #tpu.memory_space<vmem_shared>> -> memref<128x128xf32, #tpu.memory_space<vmem_shared>>
      tpu.enqueue_dma source(%dma_start3A_45 : memref<128x128xf32, #tpu.memory_space<vmem_shared>>) target(%arg8 : memref<128x128xf32, #tpu.memory_space<vmem>>) target_semaphore(%run_scoped3A : memref<!tpu.dma_semaphore, #tpu.memory_space<semaphore_mem>>)
      %dma_wait3A = arith.constant 0 : i32
      %dma_wait3A_46 = tpu.memref_slice %arg9[%add3A_26, %dma_wait3A] : memref<10240x128xf32, #tpu.memory_space<vmem_shared>> -> memref<128x128xf32, #tpu.memory_space<vmem_shared>>
      %dma_wait3A_47 = arith.constant 0 : i32
      %dma_wait3A_48 = tpu.memref_slice %arg9[%add3A_26, %dma_wait3A_47] : memref<10240x128xf32, #tpu.memory_space<vmem_shared>> -> memref<128x128xf32, #tpu.memory_space<vmem_shared>>
      tpu.wait_dma2 semaphore(%run_scoped3A : memref<!tpu.dma_semaphore, #tpu.memory_space<semaphore_mem>>) src(%dma_wait3A_48 : memref<128x128xf32, #tpu.memory_space<vmem_shared>>) dst(%arg8 : memref<128x128xf32, #tpu.memory_space<vmem>>)
      tpu.yield
    }) : () -> ()
    "tpu.region"() ({
      %run_scoped3A = tpu.sem_alloc : memref<!tpu.dma_semaphore, #tpu.memory_space<semaphore_mem>>
      %dma_start3A = arith.constant 0 : i32
      %dma_start3A_43 = arith.constant 0 : i32
      %dma_start3A_44 = tpu.memref_slice %arg5[%arg0, %dma_start3A, %dma_start3A_43] : memref<2x10240x128xf32, #tpu.memory_space<hbm>> -> memref<1x10240x128xf32, #tpu.memory_space<hbm>>
      %dma_start3A_45 = tpu.memref_squeeze %dma_start3A_44 : memref<1x10240x128xf32, #tpu.memory_space<hbm>> -> memref<10240x128xf32, #tpu.memory_space<hbm>>
      %dma_start3A_46 = arith.constant 0 : i32
      %dma_start3A_47 = tpu.memref_slice %dma_start3A_45[%add3A_26, %dma_start3A_46] : memref<10240x128xf32, #tpu.memory_space<hbm>> -> memref<128x128xf32, #tpu.memory_space<hbm>>
      %dma_start3A_48 = arith.constant 0 : i32
      %dma_start3A_49 = arith.constant 0 : i32
      %dma_start3A_50 = tpu.memref_slice %arg5[%arg0, %dma_start3A_48, %dma_start3A_49] : memref<2x10240x128xf32, #tpu.memory_space<hbm>> -> memref<1x10240x128xf32, #tpu.memory_space<hbm>>
      %dma_start3A_51 = tpu.memref_squeeze %dma_start3A_50 : memref<1x10240x128xf32, #tpu.memory_space<hbm>> -> memref<10240x128xf32, #tpu.memory_space<hbm>>
      %dma_start3A_52 = arith.constant 0 : i32
      %dma_start3A_53 = tpu.memref_slice %dma_start3A_51[%add3A_26, %dma_start3A_52] : memref<10240x128xf32, #tpu.memory_space<hbm>> -> memref<128x128xf32, #tpu.memory_space<hbm>>
      tpu.enqueue_dma source(%arg8 : memref<128x128xf32, #tpu.memory_space<vmem>>) target(%dma_start3A_53 : memref<128x128xf32, #tpu.memory_space<hbm>>) target_semaphore(%run_scoped3A : memref<!tpu.dma_semaphore, #tpu.memory_space<semaphore_mem>>)
      %dma_wait3A = arith.constant 0 : i32
      %dma_wait3A_54 = arith.constant 0 : i32
      %dma_wait3A_55 = tpu.memref_slice %arg5[%arg0, %dma_wait3A, %dma_wait3A_54] : memref<2x10240x128xf32, #tpu.memory_space<hbm>> -> memref<1x10240x128xf32, #tpu.memory_space<hbm>>
      %dma_wait3A_56 = tpu.memref_squeeze %dma_wait3A_55 : memref<1x10240x128xf32, #tpu.memory_space<hbm>> -> memref<10240x128xf32, #tpu.memory_space<hbm>>
      %dma_wait3A_57 = arith.constant 0 : i32
      %dma_wait3A_58 = tpu.memref_slice %dma_wait3A_56[%add3A_26, %dma_wait3A_57] : memref<10240x128xf32, #tpu.memory_space<hbm>> -> memref<128x128xf32, #tpu.memory_space<hbm>>
      %dma_wait3A_59 = arith.constant 0 : i32
      %dma_wait3A_60 = arith.constant 0 : i32
      %dma_wait3A_61 = tpu.memref_slice %arg5[%arg0, %dma_wait3A_59, %dma_wait3A_60] : memref<2x10240x128xf32, #tpu.memory_space<hbm>> -> memref<1x10240x128xf32, #tpu.memory_space<hbm>>
      %dma_wait3A_62 = tpu.memref_squeeze %dma_wait3A_61 : memref<1x10240x128xf32, #tpu.memory_space<hbm>> -> memref<10240x128xf32, #tpu.memory_space<hbm>>
      %dma_wait3A_63 = arith.constant 0 : i32
      %dma_wait3A_64 = tpu.memref_slice %dma_wait3A_62[%add3A_26, %dma_wait3A_63] : memref<10240x128xf32, #tpu.memory_space<hbm>> -> memref<128x128xf32, #tpu.memory_space<hbm>>
      tpu.wait_dma2 semaphore(%run_scoped3A : memref<!tpu.dma_semaphore, #tpu.memory_space<semaphore_mem>>) src(%arg8 : memref<128x128xf32, #tpu.memory_space<vmem>>) dst(%dma_wait3A_64 : memref<128x128xf32, #tpu.memory_space<hbm>>)
      tpu.yield
    }) : () -> ()
    %mul3A_27 = arith.constant 640 : i32
    %mul3A_28 = arith.muli %arg1, %mul3A_27 : i32
    %add3A_29 = arith.constant 128 : i32
    %add3A_30 = arith.addi %mul3A_28, %add3A_29 : i32
    "tpu.region"() ({
      %run_scoped3A = tpu.sem_alloc : memref<!tpu.dma_semaphore, #tpu.memory_space<semaphore_mem>>
      %dma_start3A = arith.constant 0 : i32
      %dma_start3A_43 = tpu.memref_slice %arg9[%add3A_30, %dma_start3A] : memref<10240x128xf32, #tpu.memory_space<vmem_shared>> -> memref<128x128xf32, #tpu.memory_space<vmem_shared>>
      %dma_start3A_44 = arith.constant 0 : i32
      %dma_start3A_45 = tpu.memref_slice %arg9[%add3A_30, %dma_start3A_44] : memref<10240x128xf32, #tpu.memory_space<vmem_shared>> -> memref<128x128xf32, #tpu.memory_space<vmem_shared>>
      tpu.enqueue_dma source(%dma_start3A_45 : memref<128x128xf32, #tpu.memory_space<vmem_shared>>) target(%arg8 : memref<128x128xf32, #tpu.memory_space<vmem>>) target_semaphore(%run_scoped3A : memref<!tpu.dma_semaphore, #tpu.memory_space<semaphore_mem>>)
      %dma_wait3A = arith.constant 0 : i32
      %dma_wait3A_46 = tpu.memref_slice %arg9[%add3A_30, %dma_wait3A] : memref<10240x128xf32, #tpu.memory_space<vmem_shared>> -> memref<128x128xf32, #tpu.memory_space<vmem_shared>>
      %dma_wait3A_47 = arith.constant 0 : i32
      %dma_wait3A_48 = tpu.memref_slice %arg9[%add3A_30, %dma_wait3A_47] : memref<10240x128xf32, #tpu.memory_space<vmem_shared>> -> memref<128x128xf32, #tpu.memory_space<vmem_shared>>
      tpu.wait_dma2 semaphore(%run_scoped3A : memref<!tpu.dma_semaphore, #tpu.memory_space<semaphore_mem>>) src(%dma_wait3A_48 : memref<128x128xf32, #tpu.memory_space<vmem_shared>>) dst(%arg8 : memref<128x128xf32, #tpu.memory_space<vmem>>)
      tpu.yield
    }) : () -> ()
    "tpu.region"() ({
      %run_scoped3A = tpu.sem_alloc : memref<!tpu.dma_semaphore, #tpu.memory_space<semaphore_mem>>
      %dma_start3A = arith.constant 0 : i32
      %dma_start3A_43 = arith.constant 0 : i32
      %dma_start3A_44 = tpu.memref_slice %arg5[%arg0, %dma_start3A, %dma_start3A_43] : memref<2x10240x128xf32, #tpu.memory_space<hbm>> -> memref<1x10240x128xf32, #tpu.memory_space<hbm>>
      %dma_start3A_45 = tpu.memref_squeeze %dma_start3A_44 : memref<1x10240x128xf32, #tpu.memory_space<hbm>> -> memref<10240x128xf32, #tpu.memory_space<hbm>>
      %dma_start3A_46 = arith.constant 0 : i32
      %dma_start3A_47 = tpu.memref_slice %dma_start3A_45[%add3A_30, %dma_start3A_46] : memref<10240x128xf32, #tpu.memory_space<hbm>> -> memref<128x128xf32, #tpu.memory_space<hbm>>
      %dma_start3A_48 = arith.constant 0 : i32
      %dma_start3A_49 = arith.constant 0 : i32
      %dma_start3A_50 = tpu.memref_slice %arg5[%arg0, %dma_start3A_48, %dma_start3A_49] : memref<2x10240x128xf32, #tpu.memory_space<hbm>> -> memref<1x10240x128xf32, #tpu.memory_space<hbm>>
      %dma_start3A_51 = tpu.memref_squeeze %dma_start3A_50 : memref<1x10240x128xf32, #tpu.memory_space<hbm>> -> memref<10240x128xf32, #tpu.memory_space<hbm>>
      %dma_start3A_52 = arith.constant 0 : i32
      %dma_start3A_53 = tpu.memref_slice %dma_start3A_51[%add3A_30, %dma_start3A_52] : memref<10240x128xf32, #tpu.memory_space<hbm>> -> memref<128x128xf32, #tpu.memory_space<hbm>>
      tpu.enqueue_dma source(%arg8 : memref<128x128xf32, #tpu.memory_space<vmem>>) target(%dma_start3A_53 : memref<128x128xf32, #tpu.memory_space<hbm>>) target_semaphore(%run_scoped3A : memref<!tpu.dma_semaphore, #tpu.memory_space<semaphore_mem>>)
      %dma_wait3A = arith.constant 0 : i32
      %dma_wait3A_54 = arith.constant 0 : i32
      %dma_wait3A_55 = tpu.memref_slice %arg5[%arg0, %dma_wait3A, %dma_wait3A_54] : memref<2x10240x128xf32, #tpu.memory_space<hbm>> -> memref<1x10240x128xf32, #tpu.memory_space<hbm>>
      %dma_wait3A_56 = tpu.memref_squeeze %dma_wait3A_55 : memref<1x10240x128xf32, #tpu.memory_space<hbm>> -> memref<10240x128xf32, #tpu.memory_space<hbm>>
      %dma_wait3A_57 = arith.constant 0 : i32
      %dma_wait3A_58 = tpu.memref_slice %dma_wait3A_56[%add3A_30, %dma_wait3A_57] : memref<10240x128xf32, #tpu.memory_space<hbm>> -> memref<128x128xf32, #tpu.memory_space<hbm>>
      %dma_wait3A_59 = arith.constant 0 : i32
      %dma_wait3A_60 = arith.constant 0 : i32
      %dma_wait3A_61 = tpu.memref_slice %arg5[%arg0, %dma_wait3A_59, %dma_wait3A_60] : memref<2x10240x128xf32, #tpu.memory_space<hbm>> -> memref<1x10240x128xf32, #tpu.memory_space<hbm>>
      %dma_wait3A_62 = tpu.memref_squeeze %dma_wait3A_61 : memref<1x10240x128xf32, #tpu.memory_space<hbm>> -> memref<10240x128xf32, #tpu.memory_space<hbm>>
      %dma_wait3A_63 = arith.constant 0 : i32
      %dma_wait3A_64 = tpu.memref_slice %dma_wait3A_62[%add3A_30, %dma_wait3A_63] : memref<10240x128xf32, #tpu.memory_space<hbm>> -> memref<128x128xf32, #tpu.memory_space<hbm>>
      tpu.wait_dma2 semaphore(%run_scoped3A : memref<!tpu.dma_semaphore, #tpu.memory_space<semaphore_mem>>) src(%arg8 : memref<128x128xf32, #tpu.memory_space<vmem>>) dst(%dma_wait3A_64 : memref<128x128xf32, #tpu.memory_space<hbm>>)
      tpu.yield
    }) : () -> ()
    %mul3A_31 = arith.constant 640 : i32
    %mul3A_32 = arith.muli %arg1, %mul3A_31 : i32
    %add3A_33 = arith.constant 256 : i32
    %add3A_34 = arith.addi %mul3A_32, %add3A_33 : i32
    "tpu.region"() ({
      %run_scoped3A = tpu.sem_alloc : memref<!tpu.dma_semaphore, #tpu.memory_space<semaphore_mem>>
      %dma_start3A = arith.constant 0 : i32
      %dma_start3A_43 = tpu.memref_slice %arg9[%add3A_34, %dma_start3A] : memref<10240x128xf32, #tpu.memory_space<vmem_shared>> -> memref<128x128xf32, #tpu.memory_space<vmem_shared>>
      %dma_start3A_44 = arith.constant 0 : i32
      %dma_start3A_45 = tpu.memref_slice %arg9[%add3A_34, %dma_start3A_44] : memref<10240x128xf32, #tpu.memory_space<vmem_shared>> -> memref<128x128xf32, #tpu.memory_space<vmem_shared>>
      tpu.enqueue_dma source(%dma_start3A_45 : memref<128x128xf32, #tpu.memory_space<vmem_shared>>) target(%arg8 : memref<128x128xf32, #tpu.memory_space<vmem>>) target_semaphore(%run_scoped3A : memref<!tpu.dma_semaphore, #tpu.memory_space<semaphore_mem>>)
      %dma_wait3A = arith.constant 0 : i32
      %dma_wait3A_46 = tpu.memref_slice %arg9[%add3A_34, %dma_wait3A] : memref<10240x128xf32, #tpu.memory_space<vmem_shared>> -> memref<128x128xf32, #tpu.memory_space<vmem_shared>>
      %dma_wait3A_47 = arith.constant 0 : i32
      %dma_wait3A_48 = tpu.memref_slice %arg9[%add3A_34, %dma_wait3A_47] : memref<10240x128xf32, #tpu.memory_space<vmem_shared>> -> memref<128x128xf32, #tpu.memory_space<vmem_shared>>
      tpu.wait_dma2 semaphore(%run_scoped3A : memref<!tpu.dma_semaphore, #tpu.memory_space<semaphore_mem>>) src(%dma_wait3A_48 : memref<128x128xf32, #tpu.memory_space<vmem_shared>>) dst(%arg8 : memref<128x128xf32, #tpu.memory_space<vmem>>)
      tpu.yield
    }) : () -> ()
    "tpu.region"() ({
      %run_scoped3A = tpu.sem_alloc : memref<!tpu.dma_semaphore, #tpu.memory_space<semaphore_mem>>
      %dma_start3A = arith.constant 0 : i32
      %dma_start3A_43 = arith.constant 0 : i32
      %dma_start3A_44 = tpu.memref_slice %arg5[%arg0, %dma_start3A, %dma_start3A_43] : memref<2x10240x128xf32, #tpu.memory_space<hbm>> -> memref<1x10240x128xf32, #tpu.memory_space<hbm>>
      %dma_start3A_45 = tpu.memref_squeeze %dma_start3A_44 : memref<1x10240x128xf32, #tpu.memory_space<hbm>> -> memref<10240x128xf32, #tpu.memory_space<hbm>>
      %dma_start3A_46 = arith.constant 0 : i32
      %dma_start3A_47 = tpu.memref_slice %dma_start3A_45[%add3A_34, %dma_start3A_46] : memref<10240x128xf32, #tpu.memory_space<hbm>> -> memref<128x128xf32, #tpu.memory_space<hbm>>
      %dma_start3A_48 = arith.constant 0 : i32
      %dma_start3A_49 = arith.constant 0 : i32
      %dma_start3A_50 = tpu.memref_slice %arg5[%arg0, %dma_start3A_48, %dma_start3A_49] : memref<2x10240x128xf32, #tpu.memory_space<hbm>> -> memref<1x10240x128xf32, #tpu.memory_space<hbm>>
      %dma_start3A_51 = tpu.memref_squeeze %dma_start3A_50 : memref<1x10240x128xf32, #tpu.memory_space<hbm>> -> memref<10240x128xf32, #tpu.memory_space<hbm>>
      %dma_start3A_52 = arith.constant 0 : i32
      %dma_start3A_53 = tpu.memref_slice %dma_start3A_51[%add3A_34, %dma_start3A_52] : memref<10240x128xf32, #tpu.memory_space<hbm>> -> memref<128x128xf32, #tpu.memory_space<hbm>>
      tpu.enqueue_dma source(%arg8 : memref<128x128xf32, #tpu.memory_space<vmem>>) target(%dma_start3A_53 : memref<128x128xf32, #tpu.memory_space<hbm>>) target_semaphore(%run_scoped3A : memref<!tpu.dma_semaphore, #tpu.memory_space<semaphore_mem>>)
      %dma_wait3A = arith.constant 0 : i32
      %dma_wait3A_54 = arith.constant 0 : i32
      %dma_wait3A_55 = tpu.memref_slice %arg5[%arg0, %dma_wait3A, %dma_wait3A_54] : memref<2x10240x128xf32, #tpu.memory_space<hbm>> -> memref<1x10240x128xf32, #tpu.memory_space<hbm>>
      %dma_wait3A_56 = tpu.memref_squeeze %dma_wait3A_55 : memref<1x10240x128xf32, #tpu.memory_space<hbm>> -> memref<10240x128xf32, #tpu.memory_space<hbm>>
      %dma_wait3A_57 = arith.constant 0 : i32
      %dma_wait3A_58 = tpu.memref_slice %dma_wait3A_56[%add3A_34, %dma_wait3A_57] : memref<10240x128xf32, #tpu.memory_space<hbm>> -> memref<128x128xf32, #tpu.memory_space<hbm>>
      %dma_wait3A_59 = arith.constant 0 : i32
      %dma_wait3A_60 = arith.constant 0 : i32
      %dma_wait3A_61 = tpu.memref_slice %arg5[%arg0, %dma_wait3A_59, %dma_wait3A_60] : memref<2x10240x128xf32, #tpu.memory_space<hbm>> -> memref<1x10240x128xf32, #tpu.memory_space<hbm>>
      %dma_wait3A_62 = tpu.memref_squeeze %dma_wait3A_61 : memref<1x10240x128xf32, #tpu.memory_space<hbm>> -> memref<10240x128xf32, #tpu.memory_space<hbm>>
      %dma_wait3A_63 = arith.constant 0 : i32
      %dma_wait3A_64 = tpu.memref_slice %dma_wait3A_62[%add3A_34, %dma_wait3A_63] : memref<10240x128xf32, #tpu.memory_space<hbm>> -> memref<128x128xf32, #tpu.memory_space<hbm>>
      tpu.wait_dma2 semaphore(%run_scoped3A : memref<!tpu.dma_semaphore, #tpu.memory_space<semaphore_mem>>) src(%arg8 : memref<128x128xf32, #tpu.memory_space<vmem>>) dst(%dma_wait3A_64 : memref<128x128xf32, #tpu.memory_space<hbm>>)
      tpu.yield
    }) : () -> ()
    %mul3A_35 = arith.constant 640 : i32
    %mul3A_36 = arith.muli %arg1, %mul3A_35 : i32
    %add3A_37 = arith.constant 384 : i32
    %add3A_38 = arith.addi %mul3A_36, %add3A_37 : i32
    "tpu.region"() ({
      %run_scoped3A = tpu.sem_alloc : memref<!tpu.dma_semaphore, #tpu.memory_space<semaphore_mem>>
      %dma_start3A = arith.constant 0 : i32
      %dma_start3A_43 = tpu.memref_slice %arg9[%add3A_38, %dma_start3A] : memref<10240x128xf32, #tpu.memory_space<vmem_shared>> -> memref<128x128xf32, #tpu.memory_space<vmem_shared>>
      %dma_start3A_44 = arith.constant 0 : i32
      %dma_start3A_45 = tpu.memref_slice %arg9[%add3A_38, %dma_start3A_44] : memref<10240x128xf32, #tpu.memory_space<vmem_shared>> -> memref<128x128xf32, #tpu.memory_space<vmem_shared>>
      tpu.enqueue_dma source(%dma_start3A_45 : memref<128x128xf32, #tpu.memory_space<vmem_shared>>) target(%arg8 : memref<128x128xf32, #tpu.memory_space<vmem>>) target_semaphore(%run_scoped3A : memref<!tpu.dma_semaphore, #tpu.memory_space<semaphore_mem>>)
      %dma_wait3A = arith.constant 0 : i32
      %dma_wait3A_46 = tpu.memref_slice %arg9[%add3A_38, %dma_wait3A] : memref<10240x128xf32, #tpu.memory_space<vmem_shared>> -> memref<128x128xf32, #tpu.memory_space<vmem_shared>>
      %dma_wait3A_47 = arith.constant 0 : i32
      %dma_wait3A_48 = tpu.memref_slice %arg9[%add3A_38, %dma_wait3A_47] : memref<10240x128xf32, #tpu.memory_space<vmem_shared>> -> memref<128x128xf32, #tpu.memory_space<vmem_shared>>
      tpu.wait_dma2 semaphore(%run_scoped3A : memref<!tpu.dma_semaphore, #tpu.memory_space<semaphore_mem>>) src(%dma_wait3A_48 : memref<128x128xf32, #tpu.memory_space<vmem_shared>>) dst(%arg8 : memref<128x128xf32, #tpu.memory_space<vmem>>)
      tpu.yield
    }) : () -> ()
    "tpu.region"() ({
      %run_scoped3A = tpu.sem_alloc : memref<!tpu.dma_semaphore, #tpu.memory_space<semaphore_mem>>
      %dma_start3A = arith.constant 0 : i32
      %dma_start3A_43 = arith.constant 0 : i32
      %dma_start3A_44 = tpu.memref_slice %arg5[%arg0, %dma_start3A, %dma_start3A_43] : memref<2x10240x128xf32, #tpu.memory_space<hbm>> -> memref<1x10240x128xf32, #tpu.memory_space<hbm>>
      %dma_start3A_45 = tpu.memref_squeeze %dma_start3A_44 : memref<1x10240x128xf32, #tpu.memory_space<hbm>> -> memref<10240x128xf32, #tpu.memory_space<hbm>>
      %dma_start3A_46 = arith.constant 0 : i32
      %dma_start3A_47 = tpu.memref_slice %dma_start3A_45[%add3A_38, %dma_start3A_46] : memref<10240x128xf32, #tpu.memory_space<hbm>> -> memref<128x128xf32, #tpu.memory_space<hbm>>
      %dma_start3A_48 = arith.constant 0 : i32
      %dma_start3A_49 = arith.constant 0 : i32
      %dma_start3A_50 = tpu.memref_slice %arg5[%arg0, %dma_start3A_48, %dma_start3A_49] : memref<2x10240x128xf32, #tpu.memory_space<hbm>> -> memref<1x10240x128xf32, #tpu.memory_space<hbm>>
      %dma_start3A_51 = tpu.memref_squeeze %dma_start3A_50 : memref<1x10240x128xf32, #tpu.memory_space<hbm>> -> memref<10240x128xf32, #tpu.memory_space<hbm>>
      %dma_start3A_52 = arith.constant 0 : i32
      %dma_start3A_53 = tpu.memref_slice %dma_start3A_51[%add3A_38, %dma_start3A_52] : memref<10240x128xf32, #tpu.memory_space<hbm>> -> memref<128x128xf32, #tpu.memory_space<hbm>>
      tpu.enqueue_dma source(%arg8 : memref<128x128xf32, #tpu.memory_space<vmem>>) target(%dma_start3A_53 : memref<128x128xf32, #tpu.memory_space<hbm>>) target_semaphore(%run_scoped3A : memref<!tpu.dma_semaphore, #tpu.memory_space<semaphore_mem>>)
      %dma_wait3A = arith.constant 0 : i32
      %dma_wait3A_54 = arith.constant 0 : i32
      %dma_wait3A_55 = tpu.memref_slice %arg5[%arg0, %dma_wait3A, %dma_wait3A_54] : memref<2x10240x128xf32, #tpu.memory_space<hbm>> -> memref<1x10240x128xf32, #tpu.memory_space<hbm>>
      %dma_wait3A_56 = tpu.memref_squeeze %dma_wait3A_55 : memref<1x10240x128xf32, #tpu.memory_space<hbm>> -> memref<10240x128xf32, #tpu.memory_space<hbm>>
      %dma_wait3A_57 = arith.constant 0 : i32
      %dma_wait3A_58 = tpu.memref_slice %dma_wait3A_56[%add3A_38, %dma_wait3A_57] : memref<10240x128xf32, #tpu.memory_space<hbm>> -> memref<128x128xf32, #tpu.memory_space<hbm>>
      %dma_wait3A_59 = arith.constant 0 : i32
      %dma_wait3A_60 = arith.constant 0 : i32
      %dma_wait3A_61 = tpu.memref_slice %arg5[%arg0, %dma_wait3A_59, %dma_wait3A_60] : memref<2x10240x128xf32, #tpu.memory_space<hbm>> -> memref<1x10240x128xf32, #tpu.memory_space<hbm>>
      %dma_wait3A_62 = tpu.memref_squeeze %dma_wait3A_61 : memref<1x10240x128xf32, #tpu.memory_space<hbm>> -> memref<10240x128xf32, #tpu.memory_space<hbm>>
      %dma_wait3A_63 = arith.constant 0 : i32
      %dma_wait3A_64 = tpu.memref_slice %dma_wait3A_62[%add3A_38, %dma_wait3A_63] : memref<10240x128xf32, #tpu.memory_space<hbm>> -> memref<128x128xf32, #tpu.memory_space<hbm>>
      tpu.wait_dma2 semaphore(%run_scoped3A : memref<!tpu.dma_semaphore, #tpu.memory_space<semaphore_mem>>) src(%arg8 : memref<128x128xf32, #tpu.memory_space<vmem>>) dst(%dma_wait3A_64 : memref<128x128xf32, #tpu.memory_space<hbm>>)
      tpu.yield
    }) : () -> ()
    %mul3A_39 = arith.constant 640 : i32
    %mul3A_40 = arith.muli %arg1, %mul3A_39 : i32
    %add3A_41 = arith.constant 512 : i32
    %add3A_42 = arith.addi %mul3A_40, %add3A_41 : i32
    "tpu.region"() ({
      %run_scoped3A = tpu.sem_alloc : memref<!tpu.dma_semaphore, #tpu.memory_space<semaphore_mem>>
      %dma_start3A = arith.constant 0 : i32
      %dma_start3A_43 = tpu.memref_slice %arg9[%add3A_42, %dma_start3A] : memref<10240x128xf32, #tpu.memory_space<vmem_shared>> -> memref<128x128xf32, #tpu.memory_space<vmem_shared>>
      %dma_start3A_44 = arith.constant 0 : i32
      %dma_start3A_45 = tpu.memref_slice %arg9[%add3A_42, %dma_start3A_44] : memref<10240x128xf32, #tpu.memory_space<vmem_shared>> -> memref<128x128xf32, #tpu.memory_space<vmem_shared>>
      tpu.enqueue_dma source(%dma_start3A_45 : memref<128x128xf32, #tpu.memory_space<vmem_shared>>) target(%arg8 : memref<128x128xf32, #tpu.memory_space<vmem>>) target_semaphore(%run_scoped3A : memref<!tpu.dma_semaphore, #tpu.memory_space<semaphore_mem>>)
      %dma_wait3A = arith.constant 0 : i32
      %dma_wait3A_46 = tpu.memref_slice %arg9[%add3A_42, %dma_wait3A] : memref<10240x128xf32, #tpu.memory_space<vmem_shared>> -> memref<128x128xf32, #tpu.memory_space<vmem_shared>>
      %dma_wait3A_47 = arith.constant 0 : i32
      %dma_wait3A_48 = tpu.memref_slice %arg9[%add3A_42, %dma_wait3A_47] : memref<10240x128xf32, #tpu.memory_space<vmem_shared>> -> memref<128x128xf32, #tpu.memory_space<vmem_shared>>
      tpu.wait_dma2 semaphore(%run_scoped3A : memref<!tpu.dma_semaphore, #tpu.memory_space<semaphore_mem>>) src(%dma_wait3A_48 : memref<128x128xf32, #tpu.memory_space<vmem_shared>>) dst(%arg8 : memref<128x128xf32, #tpu.memory_space<vmem>>)
      tpu.yield
    }) : () -> ()
    "tpu.region"() ({
      %run_scoped3A = tpu.sem_alloc : memref<!tpu.dma_semaphore, #tpu.memory_space<semaphore_mem>>
      %dma_start3A = arith.constant 0 : i32
      %dma_start3A_43 = arith.constant 0 : i32
      %dma_start3A_44 = tpu.memref_slice %arg5[%arg0, %dma_start3A, %dma_start3A_43] : memref<2x10240x128xf32, #tpu.memory_space<hbm>> -> memref<1x10240x128xf32, #tpu.memory_space<hbm>>
      %dma_start3A_45 = tpu.memref_squeeze %dma_start3A_44 : memref<1x10240x128xf32, #tpu.memory_space<hbm>> -> memref<10240x128xf32, #tpu.memory_space<hbm>>
      %dma_start3A_46 = arith.constant 0 : i32
      %dma_start3A_47 = tpu.memref_slice %dma_start3A_45[%add3A_42, %dma_start3A_46] : memref<10240x128xf32, #tpu.memory_space<hbm>> -> memref<128x128xf32, #tpu.memory_space<hbm>>
      %dma_start3A_48 = arith.constant 0 : i32
      %dma_start3A_49 = arith.constant 0 : i32
      %dma_start3A_50 = tpu.memref_slice %arg5[%arg0, %dma_start3A_48, %dma_start3A_49] : memref<2x10240x128xf32, #tpu.memory_space<hbm>> -> memref<1x10240x128xf32, #tpu.memory_space<hbm>>
      %dma_start3A_51 = tpu.memref_squeeze %dma_start3A_50 : memref<1x10240x128xf32, #tpu.memory_space<hbm>> -> memref<10240x128xf32, #tpu.memory_space<hbm>>
      %dma_start3A_52 = arith.constant 0 : i32
      %dma_start3A_53 = tpu.memref_slice %dma_start3A_51[%add3A_42, %dma_start3A_52] : memref<10240x128xf32, #tpu.memory_space<hbm>> -> memref<128x128xf32, #tpu.memory_space<hbm>>
      tpu.enqueue_dma source(%arg8 : memref<128x128xf32, #tpu.memory_space<vmem>>) target(%dma_start3A_53 : memref<128x128xf32, #tpu.memory_space<hbm>>) target_semaphore(%run_scoped3A : memref<!tpu.dma_semaphore, #tpu.memory_space<semaphore_mem>>)
      %dma_wait3A = arith.constant 0 : i32
      %dma_wait3A_54 = arith.constant 0 : i32
      %dma_wait3A_55 = tpu.memref_slice %arg5[%arg0, %dma_wait3A, %dma_wait3A_54] : memref<2x10240x128xf32, #tpu.memory_space<hbm>> -> memref<1x10240x128xf32, #tpu.memory_space<hbm>>
      %dma_wait3A_56 = tpu.memref_squeeze %dma_wait3A_55 : memref<1x10240x128xf32, #tpu.memory_space<hbm>> -> memref<10240x128xf32, #tpu.memory_space<hbm>>
      %dma_wait3A_57 = arith.constant 0 : i32
      %dma_wait3A_58 = tpu.memref_slice %dma_wait3A_56[%add3A_42, %dma_wait3A_57] : memref<10240x128xf32, #tpu.memory_space<hbm>> -> memref<128x128xf32, #tpu.memory_space<hbm>>
      %dma_wait3A_59 = arith.constant 0 : i32
      %dma_wait3A_60 = arith.constant 0 : i32
      %dma_wait3A_61 = tpu.memref_slice %arg5[%arg0, %dma_wait3A_59, %dma_wait3A_60] : memref<2x10240x128xf32, #tpu.memory_space<hbm>> -> memref<1x10240x128xf32, #tpu.memory_space<hbm>>
      %dma_wait3A_62 = tpu.memref_squeeze %dma_wait3A_61 : memref<1x10240x128xf32, #tpu.memory_space<hbm>> -> memref<10240x128xf32, #tpu.memory_space<hbm>>
      %dma_wait3A_63 = arith.constant 0 : i32
      %dma_wait3A_64 = tpu.memref_slice %dma_wait3A_62[%add3A_42, %dma_wait3A_63] : memref<10240x128xf32, #tpu.memory_space<hbm>> -> memref<128x128xf32, #tpu.memory_space<hbm>>
      tpu.wait_dma2 semaphore(%run_scoped3A : memref<!tpu.dma_semaphore, #tpu.memory_space<semaphore_mem>>) src(%arg8 : memref<128x128xf32, #tpu.memory_space<vmem>>) dst(%dma_wait3A_64 : memref<128x128xf32, #tpu.memory_space<hbm>>)
      tpu.yield
    }) : () -> ()
    return
  }
}

module attributes {stable_mosaic.version = 14 : i64} {
  func.func @body(%arg0: i32, %arg1: memref<2x2048x128xf32, #tpu.memory_space<vmem>>, %arg2: memref<128x128xf32, #tpu.memory_space<vmem>>, %arg3: memref<2048x128xf32, #tpu.memory_space<vmem>>) attributes {dimension_semantics = [#tpu.dimension_semantics<arbitrary>], iteration_bounds = array<i64: 5>, scalar_prefetch = 0 : i64, scratch_operands = 0 : i64, tpu.core_type = #tpu.core_type<tc>, window_params = [{transform_indices = @transform_0, window_bounds = array<i64: 2, 2048, 128>}, {pipeline_mode = #tpu.pipeline_mode<synchronous>, transform_indices = @transform_1, window_bounds = array<i64: 128, 128>}, {transform_indices = @transform_2, window_bounds = array<i64: 2048, 128>}]} {
    %get3A = arith.constant 0 : index
    %get3A_0 = arith.constant 0 : index
    %get3A_1 = arith.constant 0 : index
    %get3A_2 = vector.load %arg1[%get3A, %get3A_0, %get3A_1] : memref<2x2048x128xf32, #tpu.memory_space<vmem>>, vector<1x2048x128xf32>
    %get3A_3 = vector.shape_cast %get3A_2 : vector<1x2048x128xf32> to vector<2048x128xf32>
    %get3A_4 = arith.constant 1 : index
    %get3A_5 = arith.constant 0 : index
    %get3A_6 = arith.constant 0 : index
    %get3A_7 = vector.load %arg1[%get3A_4, %get3A_5, %get3A_6] : memref<2x2048x128xf32, #tpu.memory_space<vmem>>, vector<1x2048x128xf32>
    %get3A_8 = vector.shape_cast %get3A_7 : vector<1x2048x128xf32> to vector<2048x128xf32>
    %add3A = arith.addf %get3A_3, %get3A_8 : vector<2048x128xf32>
    %get3A_9 = arith.constant 0 : index
    %get3A_10 = arith.constant 0 : index
    %get3A_11 = vector.load %arg2[%get3A_9, %get3A_10] : memref<128x128xf32, #tpu.memory_space<vmem>>, vector<128x128xf32>
    %dot_general3A = arith.constant dense<0.000000e+00> : vector<2048x128xf32>
    %dot_general3A_12 = tpu.matmul %add3A, %get3A_11, %dot_general3A {dimension_numbers = #tpu.dot_dimension_numbers<[1], [0], [0], [1], [0, 0, 1, 1], [], []>, transpose_lhs_hint = false} : vector<2048x128xf32>, vector<128x128xf32>, vector<2048x128xf32> -> vector<2048x128xf32>
    %max3A = arith.constant 0.000000e+00 : f32
    %max3A_13 = vector.broadcast %max3A : f32 to vector<2048x128xf32>
    %max3A_14 = arith.maximumf %dot_general3A_12, %max3A_13 : vector<2048x128xf32>
    %swap3A = arith.constant 0 : index
    %swap3A_15 = arith.constant 0 : index
    %swap3A_16 = vector.load %arg3[%swap3A, %swap3A_15] : memref<2048x128xf32, #tpu.memory_space<vmem>>, vector<2048x128xf32>
    tpu.vector_store %arg3[%swap3A, %swap3A_15], %max3A_14 {strides = array<i32>} : memref<2048x128xf32, #tpu.memory_space<vmem>>, vector<2048x128xf32>,
    return
  }
  func.func @transform_0(%arg0: i32) -> (i32, i32, i32) {
    %c0_i32 = arith.constant 0 : i32
    %c0_i32_0 = arith.constant 0 : i32
    %c0_i32_1 = arith.constant 0 : i32
    return %c0_i32, %arg0, %c0_i32_0 : i32, i32, i32
  }
  func.func @transform_1(%arg0: i32) -> (i32, i32) {
    %c0_i32 = arith.constant 0 : i32
    %c0_i32_0 = arith.constant 0 : i32
    %c0_i32_1 = arith.constant 0 : i32
    return %c0_i32, %c0_i32_0 : i32, i32
  }
  func.func @transform_2(%arg0: i32) -> (i32, i32) {
    %c0_i32 = arith.constant 0 : i32
    %c0_i32_0 = arith.constant 0 : i32
    return %arg0, %c0_i32 : i32, i32
  }
}

module attributes {stable_mosaic.version = 14 : i64} {
  func.func @body(%arg0: i32, %arg1: memref<2x2048x128xf32, #tpu.memory_space<vmem>>, %arg2: memref<128x128xf32, #tpu.memory_space<vmem>>, %arg3: memref<2048x128xf32, #tpu.memory_space<vmem>>, %arg4: memref<2048x128xf32, #tpu.memory_space<vmem>>) attributes {dimension_semantics = [#tpu.dimension_semantics<arbitrary>], iteration_bounds = array<i64: 5>, scalar_prefetch = 0 : i64, scratch_operands = 0 : i64, tpu.core_type = #tpu.core_type<tc>, window_params = [{transform_indices = @transform_0, window_bounds = array<i64: 2, 2048, 128>}, {pipeline_mode = #tpu.pipeline_mode<synchronous>, transform_indices = @transform_1, window_bounds = array<i64: 128, 128>}, {transform_indices = @transform_2, window_bounds = array<i64: 2048, 128>}, {transform_indices = @transform_3, window_bounds = array<i64: 2048, 128>}]} {
    %get3A = arith.constant 0 : index
    %get3A_0 = arith.constant 0 : index
    %get3A_1 = arith.constant 0 : index
    %get3A_2 = vector.load %arg1[%get3A, %get3A_0, %get3A_1] : memref<2x2048x128xf32, #tpu.memory_space<vmem>>, vector<1x2048x128xf32>
    %get3A_3 = vector.shape_cast %get3A_2 : vector<1x2048x128xf32> to vector<2048x128xf32>
    %get3A_4 = arith.constant 1 : index
    %get3A_5 = arith.constant 0 : index
    %get3A_6 = arith.constant 0 : index
    %get3A_7 = vector.load %arg1[%get3A_4, %get3A_5, %get3A_6] : memref<2x2048x128xf32, #tpu.memory_space<vmem>>, vector<1x2048x128xf32>
    %get3A_8 = vector.shape_cast %get3A_7 : vector<1x2048x128xf32> to vector<2048x128xf32>
    %add3A = arith.addf %get3A_3, %get3A_8 : vector<2048x128xf32>
    %get3A_9 = arith.constant 0 : index
    %get3A_10 = arith.constant 0 : index
    %get3A_11 = vector.load %arg2[%get3A_9, %get3A_10] : memref<128x128xf32, #tpu.memory_space<vmem>>, vector<128x128xf32>
    %dot_general3A = arith.constant dense<0.000000e+00> : vector<2048x128xf32>
    %dot_general3A_12 = tpu.matmul %add3A, %get3A_11, %dot_general3A {dimension_numbers = #tpu.dot_dimension_numbers<[1], [0], [0], [1], [0, 0, 1, 1], [], []>, transpose_lhs_hint = false} : vector<2048x128xf32>, vector<128x128xf32>, vector<2048x128xf32> -> vector<2048x128xf32>
    %swap3A = arith.constant 0 : index
    %swap3A_13 = arith.constant 0 : index
    %swap3A_14 = vector.load %arg4[%swap3A, %swap3A_13] : memref<2048x128xf32, #tpu.memory_space<vmem>>, vector<2048x128xf32>
    tpu.vector_store %arg4[%swap3A, %swap3A_13], %dot_general3A_12 {strides = array<i32>} : memref<2048x128xf32, #tpu.memory_space<vmem>>, vector<2048x128xf32>,
    %reduce_max3A = arith.constant dense<0xFF800000> : vector<2048xf32>
    %reduce_max3A_15 = vector.multi_reduction <maximumf>, %dot_general3A_12, %reduce_max3A [1] : vector<2048x128xf32> to vector<2048xf32>
    %broadcast_in_dim3A = vector.shape_cast %reduce_max3A_15 : vector<2048xf32> to vector<2048x1xf32>
    %sub3A = vector.broadcast %broadcast_in_dim3A : vector<2048x1xf32> to vector<2048x128xf32>
    %sub3A_16 = arith.subf %dot_general3A_12, %sub3A : vector<2048x128xf32>
    %exp3A = math.exp %sub3A_16 : vector<2048x128xf32>
    %reduce_sum3A = arith.constant dense<0.000000e+00> : vector<2048xf32>
    %reduce_sum3A_17 = vector.multi_reduction <add>, %exp3A, %reduce_sum3A [1] : vector<2048x128xf32> to vector<2048xf32>
    %broadcast_in_dim3A_18 = vector.shape_cast %reduce_sum3A_17 : vector<2048xf32> to vector<2048x1xf32>
    %log3A = math.log %broadcast_in_dim3A_18 : vector<2048x1xf32>
    %add3A_19 = arith.addf %log3A, %broadcast_in_dim3A : vector<2048x1xf32>
    %sub3A_20 = vector.broadcast %add3A_19 : vector<2048x1xf32> to vector<2048x128xf32>
    %sub3A_21 = arith.subf %dot_general3A_12, %sub3A_20 : vector<2048x128xf32>
    %swap3A_22 = arith.constant 0 : index
    %swap3A_23 = arith.constant 0 : index
    %swap3A_24 = vector.load %arg3[%swap3A_22, %swap3A_23] : memref<2048x128xf32, #tpu.memory_space<vmem>>, vector<2048x128xf32>
    tpu.vector_store %arg3[%swap3A_22, %swap3A_23], %sub3A_21 {strides = array<i32>} : memref<2048x128xf32, #tpu.memory_space<vmem>>, vector<2048x128xf32>,
    return
  }
  func.func @transform_0(%arg0: i32) -> (i32, i32, i32) {
    %c0_i32 = arith.constant 0 : i32
    %c0_i32_0 = arith.constant 0 : i32
    %c0_i32_1 = arith.constant 0 : i32
    return %c0_i32, %arg0, %c0_i32_0 : i32, i32, i32
  }
  func.func @transform_1(%arg0: i32) -> (i32, i32) {
    %c0_i32 = arith.constant 0 : i32
    %c0_i32_0 = arith.constant 0 : i32
    %c0_i32_1 = arith.constant 0 : i32
    return %c0_i32, %c0_i32_0 : i32, i32
  }
  func.func @transform_2(%arg0: i32) -> (i32, i32) {
    %c0_i32 = arith.constant 0 : i32
    %c0_i32_0 = arith.constant 0 : i32
    return %arg0, %c0_i32 : i32, i32
  }
  func.func @transform_3(%arg0: i32) -> (i32, i32) {
    %c0_i32 = arith.constant 0 : i32
    %c0_i32_0 = arith.constant 0 : i32
    return %arg0, %c0_i32 : i32, i32
  }
}

</mosaic_0001>

<sc_bundles>
// kernel: kernel.11.cloned.1.call-start
scs
__scs_entry_jumppad:
0x0: {  	(pc) =	sbr.rel $0x88, $3  }
0x1: {  	(tag) =	ssettag $0x0;
	lr =	simm.s32 $0x1  }
0x2: {  	[smem:$0x3F9C] =	sst lr;
	_ =	strace $0xD0000000  }
0x3: {  	_ = 	snop  }
0x4: {  	_ = 	snop  }
0x5: {  	_ = 	snop  }
0x6: {  	_ = 	snop  }
0x7: {  	_ = 	snop  }
__scs_overlays_trampoline_lowered:
0x8: {  	[smem:$0x3FAB] =	sst s0  }
0x9: {  	[smem:$0x3FAC] =	sst s1  }
0xa: {  	[smem:$0x3FAD] =	sst s2  }
0xb: {  	[smem:$0x3FAE] =	sst s3  }
0xc: {  	[smem:$0x3FAF] =	sst s4  }
0xd: {  	[smem:$0x3FB0] =	sst s5  }
0xe: {  	[smem:$0x3FB1] =	sst s6  }
0xf: {  	[smem:$0x3FB2] =	sst s7  }
0x10: {  	[smem:$0x3FB3] =	sst s8  }
0x11: {  	[smem:$0x3FB4] =	sst s9;
	s0 =	simm.s32 @!p0 $0x0  }
0x12: {  	s1 =	sld [smem:$0x3F9A];
	s0 =	simm.s32 @p0 $0x1  }
0x13: {  	[smem:$0x3FB5] =	sst s0;
	s0 =	simm.s32 @!p1 $0x0  }
0x14: {  	s2 =	sld [smem:$0x3F99];
	s0 =	simm.s32 @p1 $0x1  }
0x15: {  	[smem:$0x3FB6] =	sst s0;
	s0 =	simm.s32 @!p2 $0x0  }
0x16: {  	s3 =	sld [smem:$0x3FDB];
	s0 =	simm.s32 @p2 $0x1  }
0x17: {  	s4 =	simm.s32 $0x1BF5;
	[smem:$0x3FB8] =	sst s0  }
0x18: {  	s0 =	sld [smem:$0x3F9B];
	_ =	swait.ge [sflag:s4], $0x0  }
0x19: {  	s7 =	sld [smem:$0x3F9C]  }
0x1a: {  	s8 =	sadd.s32 $0xFFFFE003, lr  }
0x1b: {  	s9 =	sadd.s32 $0xFFFFFEF7, lr;
	s5 =	simm.s32 $0xFFFFFFFF;
	p2 =	slt.u32 s8, $0xFFFFF086  }
0x1c: {  	p1 =	slt.u32 s9, $0xF7A;
	s5 =	simm.s32 @!p2 $0x0  }
0x1d: {  	s5 =	simm.s32 @p1 $0x1;
	p0 =	seq.s32 s7, s2  }
0x1e: {  	s7 =	smul.u32 @!p0 $0xF7A, s2;
	p2 =	seq.s32 @!p0 s5, $0x0  }
0x1f: {  	s9 =	smul.u32 $0xF7A, s1;
	s8 =	simm.s32 @!p0 $0x1BF5;
	p2 =	por !p2, p0  }
0x20: {  	[sflag:s8] =	ssyncset.s32 @!p0 $0xFFFFF086;
	s6 =	sadd.s32 @!p0 s3, s7;
	s7 =	simm.s32 @!p0 $0x108  }
0x21: {  	s3 =	sadd.s32 s3, s9;
	s6 =	sadd.s32 @!p0 $0x88, s6;
	s7 =	simm.s32 @p2 $0x1082  }
0x22: {  	[simem:s7], [sflag:s8] =	dma.local @!p0 [hbm:s6], $0xF7A  }
0x23: {  	s9 =	sor.u32 $0xD0000000, s2;
	s6 =	simm.s32 $0x108;
	_ =	swait.ge @!p0 [sflag:s8], $0x0  }
0x24: {  	s3 =	sadd.s32 $0x88, s3;
	s6 =	simm.s32 @!p1 $0x1082;
	[sflag:s4] =	ssyncset.s32 $0xFFFFF086  }
0x25: {  	[simem:s6], [sflag:s4] =	dma.local [hbm:s3], $0xF7A  }
0x26: {  	[smem:$0x3F9C] =	sst s1;
	(tag) =	ssettag s2;
	_ =	strace s9  }
0x27: {  	s1 =	sld [smem:$0x3FAC]  }
0x28: {  	s2 =	sld [smem:$0x3FAD]  }
0x29: {  	s4 =	sld [smem:$0x3FAF]  }
0x2a: {  	p0 =	seq.s32 s5, $0x0;
	s5 =	sld [smem:$0x3FB0]  }
0x2b: {  	s6 =	sld [smem:$0x3FB1]  }
0x2c: {  	s7 =	sld [smem:$0x3FB2]  }
0x2d: {  	s3 =	simm.s32 $0x108;
	s8 =	sld [smem:$0x3FB3]  }
0x2e: {  	s3 =	simm.s32 @!p0 $0x1082;
	s9 =	sld [smem:$0x3FB4]  }
0x2f: {  	lr =	sadd.s32 s0, s3;
	s0 =	sld [smem:$0x3FAB]  }
0x30: {  	s3 =	sld [smem:$0x3FAE]  }
0x31: {  	[smem:$0x3FB7] =	sst s10  }
0x32: {  	s10 =	sld [smem:$0x3FB5];
	_ =	sdelay $0x3  }
0x33: {  	p0 =	seq.s32 s10, $0x1;
	s10 =	sld [smem:$0x3FB7];
	_ =	sdelay $0x3  }
0x34: {  	[smem:$0x3FB7] =	sst s10  }
0x35: {  	s10 =	sld [smem:$0x3FB6];
	_ =	sdelay $0x3  }
0x36: {  	p1 =	seq.s32 s10, $0x1;
	s10 =	sld [smem:$0x3FB7];
	_ =	sdelay $0x3  }
0x37: {  	[smem:$0x3FB7] =	sst s10  }
0x38: {  	s10 =	sld [smem:$0x3FB8]  }
0x39: {  	_ = 	snop;
	(pc) =	sbr.ind lr, $3  }
0x3a: {  	_ = 	snop  }
0x3b: {  	_ = 	snop  }
0x3c: {  	p2 =	seq.s32 s10, $0x1;
	s10 =	sld [smem:$0x3FB7]  }
0x3d: {  	_ =	shalt  }
0x3e: {  	_ =	shalt  }
0x3f: {  	_ =	shalt  }
0x40: {  	_ =	shalt  }
0x41: {  	_ =	shalt  }
0x42: {  	_ =	shalt  }
0x43: {  	_ =	shalt  }
0x44: {  	_ =	shalt  }
0x45: {  	_ =	shalt  }
0x46: {  	_ =	shalt  }
0x47: {  	_ =	shalt  }
0x48: {  	_ =	shalt  }
0x49: {  	_ =	shalt  }
0x4a: {  	_ =	shalt  }
0x4b: {  	_ =	shalt  }
0x4c: {  	_ =	shalt  }
0x4d: {  	_ =	shalt  }
0x4e: {  	_ =	shalt  }
0x4f: {  	_ =	shalt  }
0x50: {  	_ =	shalt  }
0x51: {  	_ =	shalt  }
0x52: {  	_ =	shalt  }
0x53: {  	_ =	shalt  }
0x54: {  	_ =	shalt  }
0x55: {  	_ =	shalt  }
0x56: {  	_ =	shalt  }
0x57: {  	_ =	shalt  }
0x58: {  	_ =	shalt  }
0x59: {  	_ =	shalt  }
0x5a: {  	_ =	shalt  }
0x5b: {  	_ =	shalt  }
0x5c: {  	_ =	shalt  }
0x5d: {  	_ =	shalt  }
0x5e: {  	_ =	shalt  }
0x5f: {  	_ =	shalt  }
0x60: {  	_ =	shalt  }
0x61: {  	_ =	shalt  }
0x62: {  	_ =	shalt  }
0x63: {  	_ =	shalt  }
0x64: {  	_ =	shalt  }
0x65: {  	_ =	shalt  }
0x66: {  	_ =	shalt  }
0x67: {  	_ =	shalt  }
0x68: {  	_ =	shalt  }
0x69: {  	_ =	shalt  }
0x6a: {  	_ =	shalt  }
0x6b: {  	_ =	shalt  }
0x6c: {  	_ =	shalt  }
0x6d: {  	_ =	shalt  }
0x6e: {  	_ =	shalt  }
0x6f: {  	_ =	shalt  }
0x70: {  	_ =	shalt  }
0x71: {  	_ =	shalt  }
0x72: {  	_ =	shalt  }
0x73: {  	_ =	shalt  }
0x74: {  	_ =	shalt  }
0x75: {  	_ =	shalt  }
0x76: {  	_ =	shalt  }
0x77: {  	_ =	shalt  }
0x78: {  	_ =	shalt  }
0x79: {  	_ =	shalt  }
0x7a: {  	_ =	shalt  }
0x7b: {  	_ =	shalt  }
0x7c: {  	_ =	shalt  }
0x7d: {  	_ =	shalt  }
0x7e: {  	_ =	shalt  }
0x7f: {  	_ =	shalt  }
0x80: {  	_ =	shalt  }
0x81: {  	_ =	shalt  }
0x82: {  	_ =	shalt  }
0x83: {  	_ =	shalt  }
0x84: {  	_ =	shalt  }
0x85: {  	_ =	shalt  }
0x86: {  	_ =	shalt  }
0x87: {  	_ =	shalt  }
.Lfunc_end0:
.L_simem_size_0:
called_computation.1_lowered:
.L_overlay_start_0:
0x88: {  	s2 =	sld [smem:$0x3FD9]  }
0x89: {  	s3 =	sld [smem:$0x3FFE];
	_ =	sdelay $0x1  }
0x8a: {  	s1 =	srdreg.scid  }
0x8b: {  	s0 =	sand.u32 $0x1, s1  }
0x8c: {  	s14 =	sshll.u32 s0, $0xA;
	s2 =	sadd.s32 s3, s2  }
0x8d: {  	s2 =	sadd.s32 s2, s14  }
0x8e: {  	[smem:$0x3FC3] =	sst s2  }
0x8f: {  	_ = 	snop  }
0x90: {  	s2 =	sld [smem:$0x3FD0];
	_ =	sdelay $0x2  }
0x91: {  	s15 =	simm.s32 $0xA;
	s4 =	simm.s32 $0x10  }
0x92: {  	[smem:s4], [sflag:s15] =	dma.local [hbm:s2], $0x1  }
0x93: {  	_ =	swait.eq [sflag:s15], $0x1  }
0x94: {  	[sflag:s15] =	ssyncset.done $0x0  }
0x95: {  	s16 =	sld [smem:$0x10];
	[sflag:s15] =	ssyncadd.s32 $0xFFFFFFFF  }
0x96: {  	s17 =	sld [smem:$0x11];
	(tm) =	ssettm $0x1  }
0x97: {  	s18 =	sld [smem:$0x3FFB];
	_ =	sdelay $0x3  }
0x98: {  	_ =	strace s18  }
0x99: {  	s4 =	sld [smem:$0x3FFC];
	_ =	sdelay $0x3  }
0x9a: {  	_ =	strace s4  }
0x9b: {  	s4 =	sld [smem:$0x3FFD];
	_ =	sdelay $0x3  }
0x9c: {  	_ =	strace s4  }
0x9d: {  	_ =	strace $0x8FFFFFFF  }
0x9e: {  	s19 =	sld [smem:$0x3FDB];
	_ =	sdelay $0x1  }
0x9f: {  	s5 =	simm.s32 $_scs_section_size  }
0xa0: {  	s6 =	simm.s32 $_size__tile_overlayer_lowered;
	s7 =	simm.s32 $_tile_overlayer_lowered  }
0xa1: {  	s22 =	simm.s32 $0x1BFF;
	s21 =	sshll.u32 s7, $0x1;
	s4 =	sadd.s32 s5, s19  }
0xa2: {  	s8 =	simm.s32 $0x0;
	s20 =	sshll.u32 s6, $0x1;
	s6 =	sadd.s32 s21, s4  }
0xa3: {  	[timem:s8], [sflag:s22] =	dma.local [hbm:s6], s20  }
0xa4: {  	_ =	swait.ge [sflag:s22], s20  }
0xa5: {  	s5 =	ssub.s32 $0x0, s20;
	[sflag:s22] =	ssyncset.done $0x0  }
0xa6: {  	[sflag:s22] =	ssyncadd.s32 s5;
	_ =	sdelay $0x1  }
0xa7: {  	s23 =	simm.s32 $0x1B8B  }
0xa8: {  	_ =	swait.ge [sflag:s23], $0x1  }
0xa9: {  	[sflag:s23] =	ssyncset.done $0x0  }
0xaa: {  	s25 =	simm.s32 $0x1B8E;
	s24 =	sld [smem:$0x3FFE];
	[sflag:s23] =	ssyncadd.s32 $0xFFFFFFFF  }
0xab: {  	s26 =	simm.s32 $execute0_lowered;
	[smem:$0x3FD2] =	sst s25  }
0xac: {  	s6 =	sshll.u32 s26, $0x1;
	_ =	strace $0x80000049;
	[dreg:$0x1] =	wrdreg $0xFFFFFFFF  }
0xad: {  	s28 =	simm.s32 $_size_execute0_lowered;
	s4 =	sadd.s32 s4, s6;
	[dreg:$0x0] =	wrdreg $0x0  }
0xae: {  	s6 =	sshll.u32 s28, $0x1;
	[dreg:$0x2] =	wrdreg s4  }
0xaf: {  	[dreg:$0x3] =	wrdreg s6  }
0xb0: {  	[dreg:$0x4] =	wrdreg $0xC0  }
0xb1: {  	_ =	task [dreg:s8], $0x5FFFF  }
0xb2: {  	[dreg:$0x1] =	wrdreg $0xFFFFFFFF  }
0xb3: {  	[dreg:$0x0] =	wrdreg $0x60  }
0xb4: {  	[dreg:$0x2] =	wrdreg s24  }
0xb5: {  	[dreg:$0x3] =	wrdreg s17  }
0xb6: {  	[dreg:$0x4] =	wrdreg s16  }
0xb7: {  	[dreg:$0x5] =	wrdreg $0x90000  }
0xb8: {  	[dreg:$0x6] =	wrdreg $0x9  }
0xb9: {  	_ =	task.clear_ibuf [dreg:s8], $0x7FFFF;
	_ =	strace $0x90000049  }
0xba: {  	s29 =	simm.s32 $0x9;
	_ =	strace $0x8000004B  }
0xbb: {  	_ =	swait.ge [sflag:s29], $0x1  }
0xbc: {  	[sflag:s29] =	ssyncadd.s32 $0xFFFFFFFF  }
0xbd: {  	_ =	strace $0x9000004B  }
0xbe: {  	_ =	sfence  }
0xbf: {  	s30 =	sld [smem:$0x0];
	_ =	sdelay $0x2  }
0xc0: {  	s31 =	sshll.u32 s1, $0xD;
	s1 =	sshrl.u32 s1, $0x2  }
0xc1: {  	s3 =	sand.u32 $0x4000, s31;
	s1 =	sadd.s32 s1, s30  }
0xc2: {  	s0 =	sor.u32 s3, s0;
	s1 =	sshll.u32 s1, $0x11  }
0xc3: {  	s0 =	sor.u32 s1, s0  }
0xc4: {  	s0 =	sadd.s32 $0x8F2B, s0  }
0xc5: {  	[sflag:s0] =	ssyncadd.remote.s32 $0x1  }
0xc6: {  	_ =	sfence.sel $0xFFFF  }
0xc7: {  	[dreg:$0x0] =	wrdreg $0xFFFFFFFF;
	(pc) =	sbr.abs _section_cstart, $3  }
0xc8: {  	[dreg:$0x1] =	wrdreg $0xFFFFFFFF  }
0xc9: {  	_ =	task.clear_ibuf [dreg:s8], $0x2FFFF;
	_ =	strace $0x9FFFFFFF  }
0xca: {  	(tm) =	ssettm $0x7FFFFFFF  }
0xcb: {  	_ =	shalt  }
tec
execute0_lowered:
.L_overlay_start_1:
0x0: {  	(tag) =	ssettag $0x1  }
0x1: {  	s5 =	rddreg [dreg:$0x0]  }
0x2: {  	s6 =	rddreg [dreg:$0x1]  }
0x3: {  	s7 =	rddreg [dreg:$0x2];
	s1 =	stileid.u32  }
0x4: {  	s2 =	rddreg [dreg:$0x3];
	s11 =	smul.u32 $0x280, s1  }
0x5: {  	s3 =	srdreg.scid;
	s13 =	smul.u32 $0x50000, s1  }
0x6: {  	s0 =	rddreg [dreg:$0x4];
	s4 =	sand.u32 $0x1, s3;
	s18 =	smul.u32 $0x2800, s1  }
0x7: {  	s8 =	sshll.u32 s1, $0x1;
	s3 =	simm.s32 $0x0;
	s9 =	smul.u32 $0x28000, s4  }
0x8: {  	s8 =	sor.u32 s4, s8;
	[smem:$0x7FF] =	sst s3;
	s10 =	ssub.s32 $0x2, s4  }
0x9: {  	s4 =	sadd.s32 $0x1600, s5;
	s8 =	smul.u32 $0x500, s8;
	_ =	strace $0x8000004A  }
0xa: {  	s12 =	sshrl.u32 s10, $0x1;
	s15 =	sadd.s32 $0x80, s11;
	s26 =	sshrl.u32 s13, $0x2  }
0xb: {  	s29 =	sadd.s32 $0x100, s11;
	s16 =	sadd.s32 $0x180, s11;
	s17 =	sadd.s32 $0x200, s11  }
0xc: {  	s13 =	simm.s32 $0x2;
	s14 =	sadd.s32 s9, s5;
	s12 =	ssub.s32 s10, s12  }
0xd: {  	s28 =	sshll.u32 s15, $0x7;
	s30 =	sshll.u32 s29, $0x7;
	s31 =	sshll.u32 s16, $0x7  }
0xe: {  	s11 =	sshll.u32 s17, $0x7;
	s19 =	sshll.u32 s15, $0x4;
	s20 =	sshll.u32 s29, $0x4  }
0xf: {  	s21 =	sshll.u32 s16, $0x4;
	s23 =	sshll.u32 s17, $0x4;
	s15 =	simm.s32 $0x5000  }
0x10: {  	s16 =	simm.s32 $0x80;
	s17 =	simm.s32 $0x1;
	s5 =	sadd.s32 s6, s8  }
0x11: {  	s6 =	sadd.s32 s7, s8;
	s7 =	sadd.s32 s26, s2;
	s8 =	sadd.s32 s28, s2  }
0x12: {  	s9 =	sadd.s32 s30, s2;
	s10 =	sadd.s32 s31, s2;
	s11 =	sadd.s32 s11, s2  }
0x13: {  	s22 =	sadd.s32 $0x29600, s14;
	s12 =	smax.u32 s12, $0x1;
	s14 =	simm.s32 $0x2800  }
0x14: {  	s18 =	sadd.s32 s18, s22;
	s19 =	sadd.s32 s19, s22;
	s20 =	sadd.s32 s20, s22  }
0x15: {  	v0 =	vimm.f32 $0.0e+00;
	s21 =	sadd.s32 s21, s22;
	s22 =	sadd.s32 s23, s22;
	s23 =	simm.s32 $0x0  }
.LBB2_1:
0x16: {  	[tilespmem:s3], [sflag:$0x2] =	stream.linear.gather [hbm4b:s5+s3], $0x2780, $0x38;
	[tilespmem:$0x1D000] =	vst v63  }
0x17: {  	_ =	swait.ge [sflag:s13], $0x2780  }
0x18: {  	[sflag:s13] =	ssyncset.done $0x0  }
0x19: {  	[sflag:s13] =	ssyncadd.s32 $0xFFFFD880  }
0x1a: {  	[tilespmem:s14], [sflag:$0x2] =	stream.linear.gather [hbm4b:s6+s3], $0x2780, $0x38;
	[tilespmem:$0x1D000] =	vst v63  }
0x1b: {  	_ =	swait.ge [sflag:s13], $0x2780  }
0x1c: {  	[sflag:s13] =	ssyncset.done $0x0  }
0x1d: {  	s24 =	simm.s32 $0x0;
	s25 =	simm.s32 $0x200;
	[sflag:s13] =	ssyncadd.s32 $0xFFFFD880  }
.LBB2_2:
0x1e: {  	p0 =	sne.s32 s25, $0xFE00;
	[tilespmem:s24+$0x5070] =	vst v0  }
0x1f: {  	[tilespmem:s24+$0x5000] =	vst v0  }
0x20: {  	[tilespmem:s24+$0x5010] =	vst v0  }
.Ltmp0:
0x21: {  	[tilespmem:s24+$0x5020] =	vst v0;
	(pc) =	sbr.rel @p0 .LBB2_2-.Ltmp0, $4  }
0x22: {  	[tilespmem:s24+$0x5030] =	vst v0  }
0x23: {  	[tilespmem:s24+$0x5040] =	vst v0  }
0x24: {  	[tilespmem:s24+$0x5050] =	vst v0  }
0x25: {  	[tilespmem:s24+$0x5060] =	vst v0;
	s24 =	sshra.s32 s25, $0x2;
	s25 =	sadd.s32 $0x200, s25  }
0x26: {  	[tilespmem:s24+$0x5070] =	vst v0  }
0x27: {  	[tilespmem:s24+$0x5000] =	vst v0  }
0x28: {  	[tilespmem:s24+$0x5010] =	vst v0  }
0x29: {  	[tilespmem:s24+$0x5020] =	vst v0  }
0x2a: {  	[tilespmem:s24+$0x5030] =	vst v0  }
0x2b: {  	[tilespmem:s24+$0x5040] =	vst v0  }
0x2c: {  	[tilespmem:s24+$0x5050] =	vst v0  }
0x2d: {  	[tilespmem:s24+$0x5060] =	vst v0  }
0x2e: {  	[spmem:s7] =	stream.linear.scatter [tilespmem:s15], [sflag:$0x2], $0x4000, $0x38;
	[tilespmem:$0x1D000] =	vst v63  }
0x2f: {  	_ =	swait.ge [sflag:s13], $0x4000  }
0x30: {  	[sflag:s13] =	ssyncset.done $0x0  }
0x31: {  	[sflag:s13] =	ssyncadd.s32 $0xFFFFC000  }
0x32: {  	[spmem:s8] =	stream.linear.scatter [tilespmem:s15], [sflag:$0x2], $0x4000, $0x38;
	[tilespmem:$0x1D000] =	vst v63  }
0x33: {  	_ =	swait.ge [sflag:s13], $0x4000  }
0x34: {  	[sflag:s13] =	ssyncset.done $0x0  }
0x35: {  	[sflag:s13] =	ssyncadd.s32 $0xFFFFC000  }
0x36: {  	[spmem:s9] =	stream.linear.scatter [tilespmem:s15], [sflag:$0x2], $0x4000, $0x38;
	[tilespmem:$0x1D000] =	vst v63  }
0x37: {  	_ =	swait.ge [sflag:s13], $0x4000  }
0x38: {  	[sflag:s13] =	ssyncset.done $0x0  }
0x39: {  	[sflag:s13] =	ssyncadd.s32 $0xFFFFC000  }
0x3a: {  	[spmem:s10] =	stream.linear.scatter [tilespmem:s15], [sflag:$0x2], $0x4000, $0x38;
	[tilespmem:$0x1D000] =	vst v63  }
0x3b: {  	_ =	swait.ge [sflag:s13], $0x4000  }
0x3c: {  	[sflag:s13] =	ssyncset.done $0x0  }
0x3d: {  	[sflag:s13] =	ssyncadd.s32 $0xFFFFC000  }
0x3e: {  	[spmem:s11] =	stream.linear.scatter [tilespmem:s15], [sflag:$0x2], $0x4000, $0x38;
	[tilespmem:$0x1D000] =	vst v63  }
0x3f: {  	_ =	swait.ge [sflag:s13], $0x4000  }
0x40: {  	[sflag:s13] =	ssyncset.done $0x0  }
0x41: {  	[sflag:s13] =	ssyncadd.s32 $0xFFFFC000  }
0x42: {  	s30 =	simm.s32 $0x0;
	[bflag:$0x0] =	sbarrier.arrive $0xFFFF  }
0x43: {  	[tilespmem:s15], [sflag:$0x1] =	stream.indirect.gather [hbm4b:s4+s16], $0x80, s30, s16, $0xb8;
	[tilespmem:$0x1D000] =	vst v63  }
0x44: {  	_ =	swait.ge [sflag:s17], $0x4000  }
0x45: {  	[sflag:s17] =	ssyncset.done $0x0  }
0x46: {  	s31 =	simm.s32 $0x2800;
	[sflag:s17] =	ssyncadd.s32 $0xFFFFC000  }
0x47: {  	[spmem:s2] =	stream.indirect.scatter.add.f32 [tilespmem:s15], [sflag:$0x2], $0x80, s31, s16, $0xb8;
	[tilespmem:$0x1D000] =	vst v63  }
0x48: {  	_ =	swait.ge [sflag:s13], $0x4000  }
0x49: {  	s24 =	simm.s32 $0x200;
	s25 =	simm.s32 $0x400;
	[sflag:s13] =	ssyncset.done $0x0  }
.LBB2_4:
0x4a: {  	s26 =	sshra.s32 s24, $0x2  }
0x4b: {  	[sflag:s13] =	ssyncadd.s32 $0xFFFFC000;
	s24 =	smov.u32 s25;
	s28 =	sadd.s32 $0x200, s25  }
0x4c: {  	[tilespmem:s15], [sflag:$0x1] =	stream.indirect.gather [hbm4b:s4+s16], $0x80, s26, s16, $0xb8;
	[tilespmem:$0x1D000] =	vst v63  }
0x4d: {  	p0 =	sne.s32 s25, $0x9C00;
	_ =	swait.ge [sflag:s17], $0x4000  }
.Ltmp1:
0x4e: {  	[sflag:s17] =	ssyncset.done $0x0;
	(pc) =	sbr.rel @p0 .LBB2_4-.Ltmp1, $4  }
0x4f: {  	s25 =	sadd.s32 $0x2800, s26;
	[sflag:s17] =	ssyncadd.s32 $0xFFFFC000  }
0x50: {  	[spmem:s2] =	stream.indirect.scatter.add.f32 [tilespmem:s15], [sflag:$0x2], $0x80, s25, s16, $0xb8;
	[tilespmem:$0x1D000] =	vst v63  }
0x51: {  	_ =	swait.ge [sflag:s13], $0x4000  }
0x52: {  	s25 =	smov.u32 s28;
	[sflag:s13] =	ssyncset.done $0x0  }
0x53: {  	s24 =	sshra.s32 s24, $0x2;
	[sflag:s13] =	ssyncadd.s32 $0xFFFFC000  }
0x54: {  	[tilespmem:s15], [sflag:$0x1] =	stream.indirect.gather [hbm4b:s4+s16], $0x80, s24, s16, $0xb8;
	[tilespmem:$0x1D000] =	vst v63  }
0x55: {  	_ =	swait.ge [sflag:s17], $0x4000  }
0x56: {  	[sflag:s17] =	ssyncset.done $0x0  }
0x57: {  	s24 =	sadd.s32 $0x2800, s24;
	[sflag:s17] =	ssyncadd.s32 $0xFFFFC000  }
0x58: {  	[spmem:s2] =	stream.indirect.scatter.add.f32 [tilespmem:s15], [sflag:$0x2], $0x80, s24, s16, $0xb8;
	[tilespmem:$0x1D000] =	vst v63  }
0x59: {  	_ =	swait.ge [sflag:s13], $0x4000  }
0x5a: {  	[sflag:s13] =	ssyncset.done $0x0  }
0x5b: {  	[sflag:s13] =	ssyncadd.s32 $0xFFFFC000  }
0x5c: {  	[bflag:$0x0] =	sbarrier.arrive $0xFFFF  }
0x5d: {  	[tilespmem:s15], [sflag:$0x2] =	stream.linear.gather [spmem:s7], $0x4000, $0x38;
	[tilespmem:$0x1D000] =	vst v63  }
0x5e: {  	_ =	swait.ge [sflag:s13], $0x4000  }
0x5f: {  	[sflag:s13] =	ssyncset.done $0x0  }
0x60: {  	[sflag:s13] =	ssyncadd.s32 $0xFFFFC000  }
0x61: {  	[hbm4b:s18+s3] =	stream.linear.scatter [tilespmem:s15], [sflag:$0x2], $0x4000, $0x38;
	[tilespmem:$0x1D000] =	vst v63  }
0x62: {  	_ =	swait.ge [sflag:s13], $0x4000  }
0x63: {  	[sflag:s13] =	ssyncset.done $0x0  }
0x64: {  	[sflag:s13] =	ssyncadd.s32 $0xFFFFC000  }
0x65: {  	[tilespmem:s15], [sflag:$0x2] =	stream.linear.gather [spmem:s8], $0x4000, $0x38;
	[tilespmem:$0x1D000] =	vst v63  }
0x66: {  	_ =	swait.ge [sflag:s13], $0x4000  }
0x67: {  	[sflag:s13] =	ssyncset.done $0x0  }
0x68: {  	[sflag:s13] =	ssyncadd.s32 $0xFFFFC000  }
0x69: {  	[hbm4b:s19+s3] =	stream.linear.scatter [tilespmem:s15], [sflag:$0x2], $0x4000, $0x38;
	[tilespmem:$0x1D000] =	vst v63  }
0x6a: {  	_ =	swait.ge [sflag:s13], $0x4000  }
0x6b: {  	[sflag:s13] =	ssyncset.done $0x0  }
0x6c: {  	[sflag:s13] =	ssyncadd.s32 $0xFFFFC000  }
0x6d: {  	[tilespmem:s15], [sflag:$0x2] =	stream.linear.gather [spmem:s9], $0x4000, $0x38;
	[tilespmem:$0x1D000] =	vst v63  }
0x6e: {  	_ =	swait.ge [sflag:s13], $0x4000  }
0x6f: {  	[sflag:s13] =	ssyncset.done $0x0  }
0x70: {  	[sflag:s13] =	ssyncadd.s32 $0xFFFFC000  }
0x71: {  	[hbm4b:s20+s3] =	stream.linear.scatter [tilespmem:s15], [sflag:$0x2], $0x4000, $0x38;
	[tilespmem:$0x1D000] =	vst v63  }
0x72: {  	_ =	swait.ge [sflag:s13], $0x4000  }
0x73: {  	[sflag:s13] =	ssyncset.done $0x0  }
0x74: {  	[sflag:s13] =	ssyncadd.s32 $0xFFFFC000  }
0x75: {  	[tilespmem:s15], [sflag:$0x2] =	stream.linear.gather [spmem:s10], $0x4000, $0x38;
	[tilespmem:$0x1D000] =	vst v63  }
0x76: {  	_ =	swait.ge [sflag:s13], $0x4000  }
0x77: {  	[sflag:s13] =	ssyncset.done $0x0  }
0x78: {  	[sflag:s13] =	ssyncadd.s32 $0xFFFFC000  }
0x79: {  	[hbm4b:s21+s3] =	stream.linear.scatter [tilespmem:s15], [sflag:$0x2], $0x4000, $0x38;
	[tilespmem:$0x1D000] =	vst v63  }
0x7a: {  	_ =	swait.ge [sflag:s13], $0x4000  }
0x7b: {  	[sflag:s13] =	ssyncset.done $0x0  }
0x7c: {  	[sflag:s13] =	ssyncadd.s32 $0xFFFFC000  }
0x7d: {  	[tilespmem:s15], [sflag:$0x2] =	stream.linear.gather [spmem:s11], $0x4000, $0x38;
	[tilespmem:$0x1D000] =	vst v63  }
0x7e: {  	s23 =	sadd.s32 $0x1, s23;
	_ =	swait.ge [sflag:s13], $0x4000  }
0x7f: {  	p0 =	sne.s32 s23, s12;
	[sflag:s13] =	ssyncset.done $0x0  }
.Ltmp2:
0x80: {  	[sflag:s13] =	ssyncadd.s32 $0xFFFFC000;
	(pc) =	sbr.rel @p0 .LBB2_1-.Ltmp2, $4  }
0x81: {  	[hbm4b:s22+s3] =	stream.linear.scatter [tilespmem:s15], [sflag:$0x2], $0x4000, $0x38;
	[tilespmem:$0x1D000] =	vst v63  }
0x82: {  	_ =	swait.ge [sflag:s13], $0x4000  }
0x83: {  	[sflag:s13] =	ssyncset.done $0x0  }
0x84: {  	[sflag:s13] =	ssyncadd.s32 $0xFFFFC000  }
0x85: {  	_ =	sfence.sel $0x180000  }
0x86: {  	[bflag:$0x0] =	sbarrier.arrive $0xFFFF  }
0x87: {  	p0 =	sne.s32 s1, $0x0;
	_ =	strace $0x9000004A  }
0x88: {  	s0 =	sadd.s32 @!p0 $0x100000, s0;
	[bflag:$0x2] =	sbarrier.arrive $0xFFFF  }
0x89: {  	[sflag:s0] =	ssyncadd.tile.s32 @!p0 $0x1;
	_ =	shalt  }
.Lfunc_end2:
_tile_overlayer_lowered:
.L_overlay_start_2:
0x8a: {  	(tag) =	ssettag $0x2  }
0x8b: {  	s0 =	rddreg [dreg:$0x0];
	s2 =	stileid.u32  }
0x8c: {  	s1 =	rddreg [dreg:$0x1];
	p0 =	sne.s32 s2, $0x0  }
0x8d: {  	s3 =	rddreg [dreg:$0x2];
	[bflag:$0x3] =	sbarrier.arrive $0xFFFF;
	s2 =	simm.s32 @!p0 $0x1C02  }
0x8e: {  	[timem:s3], [sflag:s2] =	dma.local @!p0 [hbm:s0], s1  }
0x8f: {  	s0 =	simm.s32 @!p0 $0x2  }
0x90: {  	_ =	swait.ge @!p0 [sflag:s0], s1  }
0x91: {  	s1 =	ssub.s32 @!p0 $0x0, s1;
	[sflag:s0] =	ssyncset.done @!p0 $0x0  }
0x92: {  	[sflag:s0] =	ssyncadd.s32 @!p0 s1  }
0x93: {  	[bflag:$0x3] =	sbarrier.arrive $0xFFFF  }
0x94: {  	_ =	shalt  }

// kernel: kernel.14.cloned.1.call-start
scs
__scs_entry_jumppad:
0x0: {  	(pc) =	sbr.rel $0x88, $3  }
0x1: {  	(tag) =	ssettag $0x0;
	lr =	simm.s32 $0x1  }
0x2: {  	[smem:$0x3F9C] =	sst lr;
	_ =	strace $0xD0000000  }
0x3: {  	_ = 	snop  }
0x4: {  	_ = 	snop  }
0x5: {  	_ = 	snop  }
0x6: {  	_ = 	snop  }
0x7: {  	_ = 	snop  }
__scs_overlays_trampoline_lowered:
0x8: {  	[smem:$0x3FAB] =	sst s0  }
0x9: {  	[smem:$0x3FAC] =	sst s1  }
0xa: {  	[smem:$0x3FAD] =	sst s2  }
0xb: {  	[smem:$0x3FAE] =	sst s3  }
0xc: {  	[smem:$0x3FAF] =	sst s4  }
0xd: {  	[smem:$0x3FB0] =	sst s5  }
0xe: {  	[smem:$0x3FB1] =	sst s6  }
0xf: {  	[smem:$0x3FB2] =	sst s7  }
0x10: {  	[smem:$0x3FB3] =	sst s8  }
0x11: {  	[smem:$0x3FB4] =	sst s9;
	s0 =	simm.s32 @!p0 $0x0  }
0x12: {  	s1 =	sld [smem:$0x3F9A];
	s0 =	simm.s32 @p0 $0x1  }
0x13: {  	[smem:$0x3FB5] =	sst s0;
	s0 =	simm.s32 @!p1 $0x0  }
0x14: {  	s2 =	sld [smem:$0x3F99];
	s0 =	simm.s32 @p1 $0x1  }
0x15: {  	[smem:$0x3FB6] =	sst s0;
	s0 =	simm.s32 @!p2 $0x0  }
0x16: {  	s3 =	sld [smem:$0x3FDB];
	s0 =	simm.s32 @p2 $0x1  }
0x17: {  	s4 =	simm.s32 $0x1BF5;
	[smem:$0x3FB8] =	sst s0  }
0x18: {  	s0 =	sld [smem:$0x3F9B];
	_ =	swait.ge [sflag:s4], $0x0  }
0x19: {  	s7 =	sld [smem:$0x3F9C]  }
0x1a: {  	s8 =	sadd.s32 $0xFFFFE003, lr  }
0x1b: {  	s9 =	sadd.s32 $0xFFFFFEF7, lr;
	s5 =	simm.s32 $0xFFFFFFFF;
	p2 =	slt.u32 s8, $0xFFFFF086  }
0x1c: {  	p1 =	slt.u32 s9, $0xF7A;
	s5 =	simm.s32 @!p2 $0x0  }
0x1d: {  	s5 =	simm.s32 @p1 $0x1;
	p0 =	seq.s32 s7, s2  }
0x1e: {  	s7 =	smul.u32 @!p0 $0xF7A, s2;
	p2 =	seq.s32 @!p0 s5, $0x0  }
0x1f: {  	s9 =	smul.u32 $0xF7A, s1;
	s8 =	simm.s32 @!p0 $0x1BF5;
	p2 =	por !p2, p0  }
0x20: {  	[sflag:s8] =	ssyncset.s32 @!p0 $0xFFFFF086;
	s6 =	sadd.s32 @!p0 s3, s7;
	s7 =	simm.s32 @!p0 $0x108  }
0x21: {  	s3 =	sadd.s32 s3, s9;
	s6 =	sadd.s32 @!p0 $0x88, s6;
	s7 =	simm.s32 @p2 $0x1082  }
0x22: {  	[simem:s7], [sflag:s8] =	dma.local @!p0 [hbm:s6], $0xF7A  }
0x23: {  	s9 =	sor.u32 $0xD0000000, s2;
	s6 =	simm.s32 $0x108;
	_ =	swait.ge @!p0 [sflag:s8], $0x0  }
0x24: {  	s3 =	sadd.s32 $0x88, s3;
	s6 =	simm.s32 @!p1 $0x1082;
	[sflag:s4] =	ssyncset.s32 $0xFFFFF086  }
0x25: {  	[simem:s6], [sflag:s4] =	dma.local [hbm:s3], $0xF7A  }
0x26: {  	[smem:$0x3F9C] =	sst s1;
	(tag) =	ssettag s2;
	_ =	strace s9  }
0x27: {  	s1 =	sld [smem:$0x3FAC]  }
0x28: {  	s2 =	sld [smem:$0x3FAD]  }
0x29: {  	s4 =	sld [smem:$0x3FAF]  }
0x2a: {  	p0 =	seq.s32 s5, $0x0;
	s5 =	sld [smem:$0x3FB0]  }
0x2b: {  	s6 =	sld [smem:$0x3FB1]  }
0x2c: {  	s7 =	sld [smem:$0x3FB2]  }
0x2d: {  	s3 =	simm.s32 $0x108;
	s8 =	sld [smem:$0x3FB3]  }
0x2e: {  	s3 =	simm.s32 @!p0 $0x1082;
	s9 =	sld [smem:$0x3FB4]  }
0x2f: {  	lr =	sadd.s32 s0, s3;
	s0 =	sld [smem:$0x3FAB]  }
0x30: {  	s3 =	sld [smem:$0x3FAE]  }
0x31: {  	[smem:$0x3FB7] =	sst s10  }
0x32: {  	s10 =	sld [smem:$0x3FB5];
	_ =	sdelay $0x3  }
0x33: {  	p0 =	seq.s32 s10, $0x1;
	s10 =	sld [smem:$0x3FB7];
	_ =	sdelay $0x3  }
0x34: {  	[smem:$0x3FB7] =	sst s10  }
0x35: {  	s10 =	sld [smem:$0x3FB6];
	_ =	sdelay $0x3  }
0x36: {  	p1 =	seq.s32 s10, $0x1;
	s10 =	sld [smem:$0x3FB7];
	_ =	sdelay $0x3  }
0x37: {  	[smem:$0x3FB7] =	sst s10  }
0x38: {  	s10 =	sld [smem:$0x3FB8]  }
0x39: {  	_ = 	snop;
	(pc) =	sbr.ind lr, $3  }
0x3a: {  	_ = 	snop  }
0x3b: {  	_ = 	snop  }
0x3c: {  	p2 =	seq.s32 s10, $0x1;
	s10 =	sld [smem:$0x3FB7]  }
0x3d: {  	_ =	shalt  }
0x3e: {  	_ =	shalt  }
0x3f: {  	_ =	shalt  }
0x40: {  	_ =	shalt  }
0x41: {  	_ =	shalt  }
0x42: {  	_ =	shalt  }
0x43: {  	_ =	shalt  }
0x44: {  	_ =	shalt  }
0x45: {  	_ =	shalt  }
0x46: {  	_ =	shalt  }
0x47: {  	_ =	shalt  }
0x48: {  	_ =	shalt  }
0x49: {  	_ =	shalt  }
0x4a: {  	_ =	shalt  }
0x4b: {  	_ =	shalt  }
0x4c: {  	_ =	shalt  }
0x4d: {  	_ =	shalt  }
0x4e: {  	_ =	shalt  }
0x4f: {  	_ =	shalt  }
0x50: {  	_ =	shalt  }
0x51: {  	_ =	shalt  }
0x52: {  	_ =	shalt  }
0x53: {  	_ =	shalt  }
0x54: {  	_ =	shalt  }
0x55: {  	_ =	shalt  }
0x56: {  	_ =	shalt  }
0x57: {  	_ =	shalt  }
0x58: {  	_ =	shalt  }
0x59: {  	_ =	shalt  }
0x5a: {  	_ =	shalt  }
0x5b: {  	_ =	shalt  }
0x5c: {  	_ =	shalt  }
0x5d: {  	_ =	shalt  }
0x5e: {  	_ =	shalt  }
0x5f: {  	_ =	shalt  }
0x60: {  	_ =	shalt  }
0x61: {  	_ =	shalt  }
0x62: {  	_ =	shalt  }
0x63: {  	_ =	shalt  }
0x64: {  	_ =	shalt  }
0x65: {  	_ =	shalt  }
0x66: {  	_ =	shalt  }
0x67: {  	_ =	shalt  }
0x68: {  	_ =	shalt  }
0x69: {  	_ =	shalt  }
0x6a: {  	_ =	shalt  }
0x6b: {  	_ =	shalt  }
0x6c: {  	_ =	shalt  }
0x6d: {  	_ =	shalt  }
0x6e: {  	_ =	shalt  }
0x6f: {  	_ =	shalt  }
0x70: {  	_ =	shalt  }
0x71: {  	_ =	shalt  }
0x72: {  	_ =	shalt  }
0x73: {  	_ =	shalt  }
0x74: {  	_ =	shalt  }
0x75: {  	_ =	shalt  }
0x76: {  	_ =	shalt  }
0x77: {  	_ =	shalt  }
0x78: {  	_ =	shalt  }
0x79: {  	_ =	shalt  }
0x7a: {  	_ =	shalt  }
0x7b: {  	_ =	shalt  }
0x7c: {  	_ =	shalt  }
0x7d: {  	_ =	shalt  }
0x7e: {  	_ =	shalt  }
0x7f: {  	_ =	shalt  }
0x80: {  	_ =	shalt  }
0x81: {  	_ =	shalt  }
0x82: {  	_ =	shalt  }
0x83: {  	_ =	shalt  }
0x84: {  	_ =	shalt  }
0x85: {  	_ =	shalt  }
0x86: {  	_ =	shalt  }
0x87: {  	_ =	shalt  }
.Lfunc_end0:
.L_simem_size_0:
called_computation.2_lowered:
.L_overlay_start_0:
0x88: {  	s2 =	sld [smem:$0x3FD9]  }
0x89: {  	s3 =	sld [smem:$0x3FFE];
	_ =	sdelay $0x1  }
0x8a: {  	s1 =	srdreg.scid  }
0x8b: {  	s0 =	sand.u32 $0x1, s1  }
0x8c: {  	s14 =	sshll.u32 s0, $0xA;
	s2 =	sadd.s32 s3, s2  }
0x8d: {  	s2 =	sadd.s32 s2, s14  }
0x8e: {  	[smem:$0x3FC3] =	sst s2  }
0x8f: {  	_ = 	snop  }
0x90: {  	s2 =	sld [smem:$0x3FD0];
	_ =	sdelay $0x2  }
0x91: {  	s15 =	simm.s32 $0xA;
	s4 =	simm.s32 $0x10  }
0x92: {  	[smem:s4], [sflag:s15] =	dma.local [hbm:s2], $0x1  }
0x93: {  	_ =	swait.eq [sflag:s15], $0x1  }
0x94: {  	[sflag:s15] =	ssyncset.done $0x0  }
0x95: {  	s16 =	sld [smem:$0x10];
	[sflag:s15] =	ssyncadd.s32 $0xFFFFFFFF  }
0x96: {  	s17 =	sld [smem:$0x11];
	(tm) =	ssettm $0x1  }
0x97: {  	s18 =	sld [smem:$0x3FFB];
	_ =	sdelay $0x3  }
0x98: {  	_ =	strace s18  }
0x99: {  	s4 =	sld [smem:$0x3FFC];
	_ =	sdelay $0x3  }
0x9a: {  	_ =	strace s4  }
0x9b: {  	s4 =	sld [smem:$0x3FFD];
	_ =	sdelay $0x3  }
0x9c: {  	_ =	strace s4  }
0x9d: {  	_ =	strace $0x8FFFFFFF  }
0x9e: {  	s19 =	sld [smem:$0x3FDB];
	_ =	sdelay $0x1  }
0x9f: {  	s5 =	simm.s32 $_scs_section_size  }
0xa0: {  	s6 =	simm.s32 $_size__tile_overlayer_lowered;
	s7 =	simm.s32 $_tile_overlayer_lowered  }
0xa1: {  	s22 =	simm.s32 $0x1BFF;
	s21 =	sshll.u32 s7, $0x1;
	s4 =	sadd.s32 s5, s19  }
0xa2: {  	s8 =	simm.s32 $0x0;
	s20 =	sshll.u32 s6, $0x1;
	s6 =	sadd.s32 s21, s4  }
0xa3: {  	[timem:s8], [sflag:s22] =	dma.local [hbm:s6], s20  }
0xa4: {  	_ =	swait.ge [sflag:s22], s20  }
0xa5: {  	s5 =	ssub.s32 $0x0, s20;
	[sflag:s22] =	ssyncset.done $0x0  }
0xa6: {  	[sflag:s22] =	ssyncadd.s32 s5;
	_ =	sdelay $0x1  }
0xa7: {  	s23 =	simm.s32 $0x1B8B  }
0xa8: {  	_ =	swait.ge [sflag:s23], $0x1  }
0xa9: {  	[sflag:s23] =	ssyncset.done $0x0  }
0xaa: {  	s25 =	simm.s32 $0x1B8E;
	s24 =	sld [smem:$0x3FFE];
	[sflag:s23] =	ssyncadd.s32 $0xFFFFFFFF  }
0xab: {  	s26 =	simm.s32 $execute0_lowered;
	[smem:$0x3FD2] =	sst s25  }
0xac: {  	s6 =	sshll.u32 s26, $0x1;
	_ =	strace $0x8000004C;
	[dreg:$0x1] =	wrdreg $0xFFFFFFFF  }
0xad: {  	s28 =	simm.s32 $_size_execute0_lowered;
	s4 =	sadd.s32 s4, s6;
	[dreg:$0x0] =	wrdreg $0x0  }
0xae: {  	s6 =	sshll.u32 s28, $0x1;
	[dreg:$0x2] =	wrdreg s4  }
0xaf: {  	[dreg:$0x3] =	wrdreg s6  }
0xb0: {  	[dreg:$0x4] =	wrdreg $0xC0  }
0xb1: {  	_ =	task [dreg:s8], $0x5FFFF  }
0xb2: {  	[dreg:$0x1] =	wrdreg $0xFFFFFFFF  }
0xb3: {  	[dreg:$0x0] =	wrdreg $0x60  }
0xb4: {  	[dreg:$0x2] =	wrdreg s24  }
0xb5: {  	[dreg:$0x3] =	wrdreg s17  }
0xb6: {  	[dreg:$0x4] =	wrdreg s16  }
0xb7: {  	[dreg:$0x5] =	wrdreg $0x90000  }
0xb8: {  	[dreg:$0x6] =	wrdreg $0x9  }
0xb9: {  	_ =	task.clear_ibuf [dreg:s8], $0x7FFFF;
	_ =	strace $0x9000004C  }
0xba: {  	s29 =	simm.s32 $0x9;
	_ =	strace $0x8000004E  }
0xbb: {  	_ =	swait.ge [sflag:s29], $0x1  }
0xbc: {  	[sflag:s29] =	ssyncadd.s32 $0xFFFFFFFF  }
0xbd: {  	_ =	strace $0x9000004E  }
0xbe: {  	_ =	sfence  }
0xbf: {  	s30 =	sld [smem:$0x0];
	_ =	sdelay $0x2  }
0xc0: {  	s31 =	sshll.u32 s1, $0xD;
	s1 =	sshrl.u32 s1, $0x2  }
0xc1: {  	s3 =	sand.u32 $0x4000, s31;
	s1 =	sadd.s32 s1, s30  }
0xc2: {  	s0 =	sor.u32 s3, s0;
	s1 =	sshll.u32 s1, $0x11  }
0xc3: {  	s0 =	sor.u32 s1, s0  }
0xc4: {  	s0 =	sadd.s32 $0x8F2B, s0  }
0xc5: {  	[sflag:s0] =	ssyncadd.remote.s32 $0x1  }
0xc6: {  	_ =	sfence.sel $0xFFFF  }
0xc7: {  	[dreg:$0x0] =	wrdreg $0xFFFFFFFF;
	(pc) =	sbr.abs _section_cstart, $3  }
0xc8: {  	[dreg:$0x1] =	wrdreg $0xFFFFFFFF  }
0xc9: {  	_ =	task.clear_ibuf [dreg:s8], $0x2FFFF;
	_ =	strace $0x9FFFFFFF  }
0xca: {  	(tm) =	ssettm $0x7FFFFFFF  }
0xcb: {  	_ =	shalt  }
tec
execute0_lowered:
.L_overlay_start_1:
0x0: {  	(tag) =	ssettag $0x1  }
0x1: {  	s5 =	rddreg [dreg:$0x0]  }
0x2: {  	s6 =	rddreg [dreg:$0x1]  }
0x3: {  	s7 =	rddreg [dreg:$0x2];
	s1 =	stileid.u32  }
0x4: {  	s2 =	rddreg [dreg:$0x3];
	s11 =	smul.u32 $0x280, s1  }
0x5: {  	s3 =	srdreg.scid;
	s13 =	smul.u32 $0x50000, s1  }
0x6: {  	s0 =	rddreg [dreg:$0x4];
	s4 =	sand.u32 $0x1, s3;
	s18 =	smul.u32 $0x2800, s1  }
0x7: {  	s8 =	sshll.u32 s1, $0x1;
	s3 =	simm.s32 $0x0;
	s9 =	smul.u32 $0x28000, s4  }
0x8: {  	s8 =	sor.u32 s4, s8;
	[smem:$0x7FF] =	sst s3;
	s10 =	ssub.s32 $0x2, s4  }
0x9: {  	s4 =	sadd.s32 $0x1600, s5;
	s8 =	smul.u32 $0x500, s8;
	_ =	strace $0x8000004D  }
0xa: {  	s12 =	sshrl.u32 s10, $0x1;
	s15 =	sadd.s32 $0x80, s11;
	s26 =	sshrl.u32 s13, $0x2  }
0xb: {  	s29 =	sadd.s32 $0x100, s11;
	s16 =	sadd.s32 $0x180, s11;
	s17 =	sadd.s32 $0x200, s11  }
0xc: {  	s13 =	simm.s32 $0x2;
	s14 =	sadd.s32 s9, s5;
	s12 =	ssub.s32 s10, s12  }
0xd: {  	s28 =	sshll.u32 s15, $0x7;
	s30 =	sshll.u32 s29, $0x7;
	s31 =	sshll.u32 s16, $0x7  }
0xe: {  	s11 =	sshll.u32 s17, $0x7;
	s19 =	sshll.u32 s15, $0x4;
	s20 =	sshll.u32 s29, $0x4  }
0xf: {  	s21 =	sshll.u32 s16, $0x4;
	s23 =	sshll.u32 s17, $0x4;
	s15 =	simm.s32 $0x5000  }
0x10: {  	s16 =	simm.s32 $0x80;
	s17 =	simm.s32 $0x1;
	s5 =	sadd.s32 s6, s8  }
0x11: {  	s6 =	sadd.s32 s7, s8;
	s7 =	sadd.s32 s26, s2;
	s8 =	sadd.s32 s28, s2  }
0x12: {  	s9 =	sadd.s32 s30, s2;
	s10 =	sadd.s32 s31, s2;
	s11 =	sadd.s32 s11, s2  }
0x13: {  	s22 =	sadd.s32 $0x29600, s14;
	s12 =	smax.u32 s12, $0x1;
	s14 =	simm.s32 $0x2800  }
0x14: {  	s18 =	sadd.s32 s18, s22;
	s19 =	sadd.s32 s19, s22;
	s20 =	sadd.s32 s20, s22  }
0x15: {  	v0 =	vimm.f32 $0.0e+00;
	s21 =	sadd.s32 s21, s22;
	s22 =	sadd.s32 s23, s22;
	s23 =	simm.s32 $0x0  }
.LBB2_1:
0x16: {  	[tilespmem:s3], [sflag:$0x2] =	stream.linear.gather [hbm4b:s5+s3], $0x2780, $0x38;
	[tilespmem:$0x1D000] =	vst v63  }
0x17: {  	_ =	swait.ge [sflag:s13], $0x2780  }
0x18: {  	[sflag:s13] =	ssyncset.done $0x0  }
0x19: {  	[sflag:s13] =	ssyncadd.s32 $0xFFFFD880  }
0x1a: {  	[tilespmem:s14], [sflag:$0x2] =	stream.linear.gather [hbm4b:s6+s3], $0x2780, $0x38;
	[tilespmem:$0x1D000] =	vst v63  }
0x1b: {  	_ =	swait.ge [sflag:s13], $0x2780  }
0x1c: {  	[sflag:s13] =	ssyncset.done $0x0  }
0x1d: {  	s24 =	simm.s32 $0x0;
	s25 =	simm.s32 $0x200;
	[sflag:s13] =	ssyncadd.s32 $0xFFFFD880  }
.LBB2_2:
0x1e: {  	p0 =	sne.s32 s25, $0xFE00;
	[tilespmem:s24+$0x5070] =	vst v0  }
0x1f: {  	[tilespmem:s24+$0x5000] =	vst v0  }
0x20: {  	[tilespmem:s24+$0x5010] =	vst v0  }
.Ltmp0:
0x21: {  	[tilespmem:s24+$0x5020] =	vst v0;
	(pc) =	sbr.rel @p0 .LBB2_2-.Ltmp0, $4  }
0x22: {  	[tilespmem:s24+$0x5030] =	vst v0  }
0x23: {  	[tilespmem:s24+$0x5040] =	vst v0  }
0x24: {  	[tilespmem:s24+$0x5050] =	vst v0  }
0x25: {  	[tilespmem:s24+$0x5060] =	vst v0;
	s24 =	sshra.s32 s25, $0x2;
	s25 =	sadd.s32 $0x200, s25  }
0x26: {  	[tilespmem:s24+$0x5070] =	vst v0  }
0x27: {  	[tilespmem:s24+$0x5000] =	vst v0  }
0x28: {  	[tilespmem:s24+$0x5010] =	vst v0  }
0x29: {  	[tilespmem:s24+$0x5020] =	vst v0  }
0x2a: {  	[tilespmem:s24+$0x5030] =	vst v0  }
0x2b: {  	[tilespmem:s24+$0x5040] =	vst v0  }
0x2c: {  	[tilespmem:s24+$0x5050] =	vst v0  }
0x2d: {  	[tilespmem:s24+$0x5060] =	vst v0  }
0x2e: {  	[spmem:s7] =	stream.linear.scatter [tilespmem:s15], [sflag:$0x2], $0x4000, $0x38;
	[tilespmem:$0x1D000] =	vst v63  }
0x2f: {  	_ =	swait.ge [sflag:s13], $0x4000  }
0x30: {  	[sflag:s13] =	ssyncset.done $0x0  }
0x31: {  	[sflag:s13] =	ssyncadd.s32 $0xFFFFC000  }
0x32: {  	[spmem:s8] =	stream.linear.scatter [tilespmem:s15], [sflag:$0x2], $0x4000, $0x38;
	[tilespmem:$0x1D000] =	vst v63  }
0x33: {  	_ =	swait.ge [sflag:s13], $0x4000  }
0x34: {  	[sflag:s13] =	ssyncset.done $0x0  }
0x35: {  	[sflag:s13] =	ssyncadd.s32 $0xFFFFC000  }
0x36: {  	[spmem:s9] =	stream.linear.scatter [tilespmem:s15], [sflag:$0x2], $0x4000, $0x38;
	[tilespmem:$0x1D000] =	vst v63  }
0x37: {  	_ =	swait.ge [sflag:s13], $0x4000  }
0x38: {  	[sflag:s13] =	ssyncset.done $0x0  }
0x39: {  	[sflag:s13] =	ssyncadd.s32 $0xFFFFC000  }
0x3a: {  	[spmem:s10] =	stream.linear.scatter [tilespmem:s15], [sflag:$0x2], $0x4000, $0x38;
	[tilespmem:$0x1D000] =	vst v63  }
0x3b: {  	_ =	swait.ge [sflag:s13], $0x4000  }
0x3c: {  	[sflag:s13] =	ssyncset.done $0x0  }
0x3d: {  	[sflag:s13] =	ssyncadd.s32 $0xFFFFC000  }
0x3e: {  	[spmem:s11] =	stream.linear.scatter [tilespmem:s15], [sflag:$0x2], $0x4000, $0x38;
	[tilespmem:$0x1D000] =	vst v63  }
0x3f: {  	_ =	swait.ge [sflag:s13], $0x4000  }
0x40: {  	[sflag:s13] =	ssyncset.done $0x0  }
0x41: {  	[sflag:s13] =	ssyncadd.s32 $0xFFFFC000  }
0x42: {  	s30 =	simm.s32 $0x0;
	[bflag:$0x0] =	sbarrier.arrive $0xFFFF  }
0x43: {  	[tilespmem:s15], [sflag:$0x1] =	stream.indirect.gather [hbm4b:s4+s16], $0x80, s30, s16, $0xb8;
	[tilespmem:$0x1D000] =	vst v63  }
0x44: {  	_ =	swait.ge [sflag:s17], $0x4000  }
0x45: {  	[sflag:s17] =	ssyncset.done $0x0  }
0x46: {  	s31 =	simm.s32 $0x2800;
	[sflag:s17] =	ssyncadd.s32 $0xFFFFC000  }
0x47: {  	[spmem:s2] =	stream.indirect.scatter.add.f32 [tilespmem:s15], [sflag:$0x2], $0x80, s31, s16, $0xb8;
	[tilespmem:$0x1D000] =	vst v63  }
0x48: {  	_ =	swait.ge [sflag:s13], $0x4000  }
0x49: {  	s24 =	simm.s32 $0x200;
	s25 =	simm.s32 $0x400;
	[sflag:s13] =	ssyncset.done $0x0  }
.LBB2_4:
0x4a: {  	s26 =	sshra.s32 s24, $0x2  }
0x4b: {  	[sflag:s13] =	ssyncadd.s32 $0xFFFFC000;
	s24 =	smov.u32 s25;
	s28 =	sadd.s32 $0x200, s25  }
0x4c: {  	[tilespmem:s15], [sflag:$0x1] =	stream.indirect.gather [hbm4b:s4+s16], $0x80, s26, s16, $0xb8;
	[tilespmem:$0x1D000] =	vst v63  }
0x4d: {  	p0 =	sne.s32 s25, $0x9C00;
	_ =	swait.ge [sflag:s17], $0x4000  }
.Ltmp1:
0x4e: {  	[sflag:s17] =	ssyncset.done $0x0;
	(pc) =	sbr.rel @p0 .LBB2_4-.Ltmp1, $4  }
0x4f: {  	s25 =	sadd.s32 $0x2800, s26;
	[sflag:s17] =	ssyncadd.s32 $0xFFFFC000  }
0x50: {  	[spmem:s2] =	stream.indirect.scatter.add.f32 [tilespmem:s15], [sflag:$0x2], $0x80, s25, s16, $0xb8;
	[tilespmem:$0x1D000] =	vst v63  }
0x51: {  	_ =	swait.ge [sflag:s13], $0x4000  }
0x52: {  	s25 =	smov.u32 s28;
	[sflag:s13] =	ssyncset.done $0x0  }
0x53: {  	s24 =	sshra.s32 s24, $0x2;
	[sflag:s13] =	ssyncadd.s32 $0xFFFFC000  }
0x54: {  	[tilespmem:s15], [sflag:$0x1] =	stream.indirect.gather [hbm4b:s4+s16], $0x80, s24, s16, $0xb8;
	[tilespmem:$0x1D000] =	vst v63  }
0x55: {  	_ =	swait.ge [sflag:s17], $0x4000  }
0x56: {  	[sflag:s17] =	ssyncset.done $0x0  }
0x57: {  	s24 =	sadd.s32 $0x2800, s24;
	[sflag:s17] =	ssyncadd.s32 $0xFFFFC000  }
0x58: {  	[spmem:s2] =	stream.indirect.scatter.add.f32 [tilespmem:s15], [sflag:$0x2], $0x80, s24, s16, $0xb8;
	[tilespmem:$0x1D000] =	vst v63  }
0x59: {  	_ =	swait.ge [sflag:s13], $0x4000  }
0x5a: {  	[sflag:s13] =	ssyncset.done $0x0  }
0x5b: {  	[sflag:s13] =	ssyncadd.s32 $0xFFFFC000  }
0x5c: {  	[bflag:$0x0] =	sbarrier.arrive $0xFFFF  }
0x5d: {  	[tilespmem:s15], [sflag:$0x2] =	stream.linear.gather [spmem:s7], $0x4000, $0x38;
	[tilespmem:$0x1D000] =	vst v63  }
0x5e: {  	_ =	swait.ge [sflag:s13], $0x4000  }
0x5f: {  	[sflag:s13] =	ssyncset.done $0x0  }
0x60: {  	[sflag:s13] =	ssyncadd.s32 $0xFFFFC000  }
0x61: {  	[hbm4b:s18+s3] =	stream.linear.scatter [tilespmem:s15], [sflag:$0x2], $0x4000, $0x38;
	[tilespmem:$0x1D000] =	vst v63  }
0x62: {  	_ =	swait.ge [sflag:s13], $0x4000  }
0x63: {  	[sflag:s13] =	ssyncset.done $0x0  }
0x64: {  	[sflag:s13] =	ssyncadd.s32 $0xFFFFC000  }
0x65: {  	[tilespmem:s15], [sflag:$0x2] =	stream.linear.gather [spmem:s8], $0x4000, $0x38;
	[tilespmem:$0x1D000] =	vst v63  }
0x66: {  	_ =	swait.ge [sflag:s13], $0x4000  }
0x67: {  	[sflag:s13] =	ssyncset.done $0x0  }
0x68: {  	[sflag:s13] =	ssyncadd.s32 $0xFFFFC000  }
0x69: {  	[hbm4b:s19+s3] =	stream.linear.scatter [tilespmem:s15], [sflag:$0x2], $0x4000, $0x38;
	[tilespmem:$0x1D000] =	vst v63  }
0x6a: {  	_ =	swait.ge [sflag:s13], $0x4000  }
0x6b: {  	[sflag:s13] =	ssyncset.done $0x0  }
0x6c: {  	[sflag:s13] =	ssyncadd.s32 $0xFFFFC000  }
0x6d: {  	[tilespmem:s15], [sflag:$0x2] =	stream.linear.gather [spmem:s9], $0x4000, $0x38;
	[tilespmem:$0x1D000] =	vst v63  }
0x6e: {  	_ =	swait.ge [sflag:s13], $0x4000  }
0x6f: {  	[sflag:s13] =	ssyncset.done $0x0  }
0x70: {  	[sflag:s13] =	ssyncadd.s32 $0xFFFFC000  }
0x71: {  	[hbm4b:s20+s3] =	stream.linear.scatter [tilespmem:s15], [sflag:$0x2], $0x4000, $0x38;
	[tilespmem:$0x1D000] =	vst v63  }
0x72: {  	_ =	swait.ge [sflag:s13], $0x4000  }
0x73: {  	[sflag:s13] =	ssyncset.done $0x0  }
0x74: {  	[sflag:s13] =	ssyncadd.s32 $0xFFFFC000  }
0x75: {  	[tilespmem:s15], [sflag:$0x2] =	stream.linear.gather [spmem:s10], $0x4000, $0x38;
	[tilespmem:$0x1D000] =	vst v63  }
0x76: {  	_ =	swait.ge [sflag:s13], $0x4000  }
0x77: {  	[sflag:s13] =	ssyncset.done $0x0  }
0x78: {  	[sflag:s13] =	ssyncadd.s32 $0xFFFFC000  }
0x79: {  	[hbm4b:s21+s3] =	stream.linear.scatter [tilespmem:s15], [sflag:$0x2], $0x4000, $0x38;
	[tilespmem:$0x1D000] =	vst v63  }
0x7a: {  	_ =	swait.ge [sflag:s13], $0x4000  }
0x7b: {  	[sflag:s13] =	ssyncset.done $0x0  }
0x7c: {  	[sflag:s13] =	ssyncadd.s32 $0xFFFFC000  }
0x7d: {  	[tilespmem:s15], [sflag:$0x2] =	stream.linear.gather [spmem:s11], $0x4000, $0x38;
	[tilespmem:$0x1D000] =	vst v63  }
0x7e: {  	s23 =	sadd.s32 $0x1, s23;
	_ =	swait.ge [sflag:s13], $0x4000  }
0x7f: {  	p0 =	sne.s32 s23, s12;
	[sflag:s13] =	ssyncset.done $0x0  }
.Ltmp2:
0x80: {  	[sflag:s13] =	ssyncadd.s32 $0xFFFFC000;
	(pc) =	sbr.rel @p0 .LBB2_1-.Ltmp2, $4  }
0x81: {  	[hbm4b:s22+s3] =	stream.linear.scatter [tilespmem:s15], [sflag:$0x2], $0x4000, $0x38;
	[tilespmem:$0x1D000] =	vst v63  }
0x82: {  	_ =	swait.ge [sflag:s13], $0x4000  }
0x83: {  	[sflag:s13] =	ssyncset.done $0x0  }
0x84: {  	[sflag:s13] =	ssyncadd.s32 $0xFFFFC000  }
0x85: {  	_ =	sfence.sel $0x180000  }
0x86: {  	[bflag:$0x0] =	sbarrier.arrive $0xFFFF  }
0x87: {  	p0 =	sne.s32 s1, $0x0;
	_ =	strace $0x9000004D  }
0x88: {  	s0 =	sadd.s32 @!p0 $0x100000, s0;
	[bflag:$0x2] =	sbarrier.arrive $0xFFFF  }
0x89: {  	[sflag:s0] =	ssyncadd.tile.s32 @!p0 $0x1;
	_ =	shalt  }
.Lfunc_end2:
_tile_overlayer_lowered:
.L_overlay_start_2:
0x8a: {  	(tag) =	ssettag $0x2  }
0x8b: {  	s0 =	rddreg [dreg:$0x0];
	s2 =	stileid.u32  }
0x8c: {  	s1 =	rddreg [dreg:$0x1];
	p0 =	sne.s32 s2, $0x0  }
0x8d: {  	s3 =	rddreg [dreg:$0x2];
	[bflag:$0x3] =	sbarrier.arrive $0xFFFF;
	s2 =	simm.s32 @!p0 $0x1C02  }
0x8e: {  	[timem:s3], [sflag:s2] =	dma.local @!p0 [hbm:s0], s1  }
0x8f: {  	s0 =	simm.s32 @!p0 $0x2  }
0x90: {  	_ =	swait.ge @!p0 [sflag:s0], s1  }
0x91: {  	s1 =	ssub.s32 @!p0 $0x0, s1;
	[sflag:s0] =	ssyncset.done @!p0 $0x0  }
0x92: {  	[sflag:s0] =	ssyncadd.s32 @!p0 s1  }
0x93: {  	[bflag:$0x3] =	sbarrier.arrive $0xFFFF  }
0x94: {  	_ =	shalt  }

// kernel: kernel.8.cloned.1.call-start
scs
__scs_entry_jumppad:
0x0: {  	(pc) =	sbr.rel $0x88, $3  }
0x1: {  	(tag) =	ssettag $0x0;
	lr =	simm.s32 $0x1  }
0x2: {  	[smem:$0x3F9C] =	sst lr;
	_ =	strace $0xD0000000  }
0x3: {  	_ = 	snop  }
0x4: {  	_ = 	snop  }
0x5: {  	_ = 	snop  }
0x6: {  	_ = 	snop  }
0x7: {  	_ = 	snop  }
__scs_overlays_trampoline_lowered:
0x8: {  	[smem:$0x3FAB] =	sst s0  }
0x9: {  	[smem:$0x3FAC] =	sst s1  }
0xa: {  	[smem:$0x3FAD] =	sst s2  }
0xb: {  	[smem:$0x3FAE] =	sst s3  }
0xc: {  	[smem:$0x3FAF] =	sst s4  }
0xd: {  	[smem:$0x3FB0] =	sst s5  }
0xe: {  	[smem:$0x3FB1] =	sst s6  }
0xf: {  	[smem:$0x3FB2] =	sst s7  }
0x10: {  	[smem:$0x3FB3] =	sst s8  }
0x11: {  	[smem:$0x3FB4] =	sst s9;
	s0 =	simm.s32 @!p0 $0x0  }
0x12: {  	s1 =	sld [smem:$0x3F9A];
	s0 =	simm.s32 @p0 $0x1  }
0x13: {  	[smem:$0x3FB5] =	sst s0;
	s0 =	simm.s32 @!p1 $0x0  }
0x14: {  	s2 =	sld [smem:$0x3F99];
	s0 =	simm.s32 @p1 $0x1  }
0x15: {  	[smem:$0x3FB6] =	sst s0;
	s0 =	simm.s32 @!p2 $0x0  }
0x16: {  	s3 =	sld [smem:$0x3FDB];
	s0 =	simm.s32 @p2 $0x1  }
0x17: {  	s4 =	simm.s32 $0x1BF5;
	[smem:$0x3FB8] =	sst s0  }
0x18: {  	s0 =	sld [smem:$0x3F9B];
	_ =	swait.ge [sflag:s4], $0x0  }
0x19: {  	s7 =	sld [smem:$0x3F9C]  }
0x1a: {  	s8 =	sadd.s32 $0xFFFFE003, lr  }
0x1b: {  	s9 =	sadd.s32 $0xFFFFFEF7, lr;
	s5 =	simm.s32 $0xFFFFFFFF;
	p2 =	slt.u32 s8, $0xFFFFF086  }
0x1c: {  	p1 =	slt.u32 s9, $0xF7A;
	s5 =	simm.s32 @!p2 $0x0  }
0x1d: {  	s5 =	simm.s32 @p1 $0x1;
	p0 =	seq.s32 s7, s2  }
0x1e: {  	s7 =	smul.u32 @!p0 $0xF7A, s2;
	p2 =	seq.s32 @!p0 s5, $0x0  }
0x1f: {  	s9 =	smul.u32 $0xF7A, s1;
	s8 =	simm.s32 @!p0 $0x1BF5;
	p2 =	por !p2, p0  }
0x20: {  	[sflag:s8] =	ssyncset.s32 @!p0 $0xFFFFF086;
	s6 =	sadd.s32 @!p0 s3, s7;
	s7 =	simm.s32 @!p0 $0x108  }
0x21: {  	s3 =	sadd.s32 s3, s9;
	s6 =	sadd.s32 @!p0 $0x88, s6;
	s7 =	simm.s32 @p2 $0x1082  }
0x22: {  	[simem:s7], [sflag:s8] =	dma.local @!p0 [hbm:s6], $0xF7A  }
0x23: {  	s9 =	sor.u32 $0xD0000000, s2;
	s6 =	simm.s32 $0x108;
	_ =	swait.ge @!p0 [sflag:s8], $0x0  }
0x24: {  	s3 =	sadd.s32 $0x88, s3;
	s6 =	simm.s32 @!p1 $0x1082;
	[sflag:s4] =	ssyncset.s32 $0xFFFFF086  }
0x25: {  	[simem:s6], [sflag:s4] =	dma.local [hbm:s3], $0xF7A  }
0x26: {  	[smem:$0x3F9C] =	sst s1;
	(tag) =	ssettag s2;
	_ =	strace s9  }
0x27: {  	s1 =	sld [smem:$0x3FAC]  }
0x28: {  	s2 =	sld [smem:$0x3FAD]  }
0x29: {  	s4 =	sld [smem:$0x3FAF]  }
0x2a: {  	p0 =	seq.s32 s5, $0x0;
	s5 =	sld [smem:$0x3FB0]  }
0x2b: {  	s6 =	sld [smem:$0x3FB1]  }
0x2c: {  	s7 =	sld [smem:$0x3FB2]  }
0x2d: {  	s3 =	simm.s32 $0x108;
	s8 =	sld [smem:$0x3FB3]  }
0x2e: {  	s3 =	simm.s32 @!p0 $0x1082;
	s9 =	sld [smem:$0x3FB4]  }
0x2f: {  	lr =	sadd.s32 s0, s3;
	s0 =	sld [smem:$0x3FAB]  }
0x30: {  	s3 =	sld [smem:$0x3FAE]  }
0x31: {  	[smem:$0x3FB7] =	sst s10  }
0x32: {  	s10 =	sld [smem:$0x3FB5];
	_ =	sdelay $0x3  }
0x33: {  	p0 =	seq.s32 s10, $0x1;
	s10 =	sld [smem:$0x3FB7];
	_ =	sdelay $0x3  }
0x34: {  	[smem:$0x3FB7] =	sst s10  }
0x35: {  	s10 =	sld [smem:$0x3FB6];
	_ =	sdelay $0x3  }
0x36: {  	p1 =	seq.s32 s10, $0x1;
	s10 =	sld [smem:$0x3FB7];
	_ =	sdelay $0x3  }
0x37: {  	[smem:$0x3FB7] =	sst s10  }
0x38: {  	s10 =	sld [smem:$0x3FB8]  }
0x39: {  	_ = 	snop;
	(pc) =	sbr.ind lr, $3  }
0x3a: {  	_ = 	snop  }
0x3b: {  	_ = 	snop  }
0x3c: {  	p2 =	seq.s32 s10, $0x1;
	s10 =	sld [smem:$0x3FB7]  }
0x3d: {  	_ =	shalt  }
0x3e: {  	_ =	shalt  }
0x3f: {  	_ =	shalt  }
0x40: {  	_ =	shalt  }
0x41: {  	_ =	shalt  }
0x42: {  	_ =	shalt  }
0x43: {  	_ =	shalt  }
0x44: {  	_ =	shalt  }
0x45: {  	_ =	shalt  }
0x46: {  	_ =	shalt  }
0x47: {  	_ =	shalt  }
0x48: {  	_ =	shalt  }
0x49: {  	_ =	shalt  }
0x4a: {  	_ =	shalt  }
0x4b: {  	_ =	shalt  }
0x4c: {  	_ =	shalt  }
0x4d: {  	_ =	shalt  }
0x4e: {  	_ =	shalt  }
0x4f: {  	_ =	shalt  }
0x50: {  	_ =	shalt  }
0x51: {  	_ =	shalt  }
0x52: {  	_ =	shalt  }
0x53: {  	_ =	shalt  }
0x54: {  	_ =	shalt  }
0x55: {  	_ =	shalt  }
0x56: {  	_ =	shalt  }
0x57: {  	_ =	shalt  }
0x58: {  	_ =	shalt  }
0x59: {  	_ =	shalt  }
0x5a: {  	_ =	shalt  }
0x5b: {  	_ =	shalt  }
0x5c: {  	_ =	shalt  }
0x5d: {  	_ =	shalt  }
0x5e: {  	_ =	shalt  }
0x5f: {  	_ =	shalt  }
0x60: {  	_ =	shalt  }
0x61: {  	_ =	shalt  }
0x62: {  	_ =	shalt  }
0x63: {  	_ =	shalt  }
0x64: {  	_ =	shalt  }
0x65: {  	_ =	shalt  }
0x66: {  	_ =	shalt  }
0x67: {  	_ =	shalt  }
0x68: {  	_ =	shalt  }
0x69: {  	_ =	shalt  }
0x6a: {  	_ =	shalt  }
0x6b: {  	_ =	shalt  }
0x6c: {  	_ =	shalt  }
0x6d: {  	_ =	shalt  }
0x6e: {  	_ =	shalt  }
0x6f: {  	_ =	shalt  }
0x70: {  	_ =	shalt  }
0x71: {  	_ =	shalt  }
0x72: {  	_ =	shalt  }
0x73: {  	_ =	shalt  }
0x74: {  	_ =	shalt  }
0x75: {  	_ =	shalt  }
0x76: {  	_ =	shalt  }
0x77: {  	_ =	shalt  }
0x78: {  	_ =	shalt  }
0x79: {  	_ =	shalt  }
0x7a: {  	_ =	shalt  }
0x7b: {  	_ =	shalt  }
0x7c: {  	_ =	shalt  }
0x7d: {  	_ =	shalt  }
0x7e: {  	_ =	shalt  }
0x7f: {  	_ =	shalt  }
0x80: {  	_ =	shalt  }
0x81: {  	_ =	shalt  }
0x82: {  	_ =	shalt  }
0x83: {  	_ =	shalt  }
0x84: {  	_ =	shalt  }
0x85: {  	_ =	shalt  }
0x86: {  	_ =	shalt  }
0x87: {  	_ =	shalt  }
.Lfunc_end0:
.L_simem_size_0:
called_computation_lowered:
.L_overlay_start_0:
0x88: {  	s2 =	sld [smem:$0x3FD9]  }
0x89: {  	s3 =	sld [smem:$0x3FFE];
	_ =	sdelay $0x1  }
0x8a: {  	s1 =	srdreg.scid  }
0x8b: {  	s0 =	sand.u32 $0x1, s1  }
0x8c: {  	s14 =	sshll.u32 s0, $0xA;
	s2 =	sadd.s32 s3, s2  }
0x8d: {  	s2 =	sadd.s32 s2, s14  }
0x8e: {  	[smem:$0x3FC3] =	sst s2  }
0x8f: {  	_ = 	snop  }
0x90: {  	s2 =	sld [smem:$0x3FD0];
	_ =	sdelay $0x2  }
0x91: {  	s4 =	simm.s32 $0xA;
	s5 =	simm.s32 $0x10;
	s15 =	sld [smem:$0x3FC9]  }
0x92: {  	[smem:s5], [sflag:s4] =	dma.local [hbm:s2], $0x1  }
0x93: {  	_ =	swait.eq [sflag:s4], $0x1  }
0x94: {  	[sflag:s4] =	ssyncset.done $0x0  }
0x95: {  	s16 =	sld [smem:$0x10];
	[sflag:s4] =	ssyncadd.s32 $0xFFFFFFFF  }
0x96: {  	s17 =	sld [smem:$0x11];
	(tm) =	ssettm $0x1  }
0x97: {  	s18 =	sld [smem:$0x3FFB];
	_ =	sdelay $0x3  }
0x98: {  	_ =	strace s18  }
0x99: {  	s5 =	sld [smem:$0x3FFC];
	_ =	sdelay $0x3  }
0x9a: {  	_ =	strace s5  }
0x9b: {  	s5 =	sld [smem:$0x3FFD];
	_ =	sdelay $0x3  }
0x9c: {  	_ =	strace s5  }
0x9d: {  	_ =	strace $0x8FFFFFFF  }
0x9e: {  	s19 =	sld [smem:$0x3FDB];
	_ =	sdelay $0x1  }
0x9f: {  	s6 =	simm.s32 $_scs_section_size  }
0xa0: {  	s7 =	simm.s32 $_size__tile_overlayer_lowered;
	s8 =	simm.s32 $_tile_overlayer_lowered  }
0xa1: {  	s22 =	simm.s32 $0x1BFF;
	s21 =	sshll.u32 s8, $0x1;
	s5 =	sadd.s32 s6, s19  }
0xa2: {  	s9 =	simm.s32 $0x0;
	s20 =	sshll.u32 s7, $0x1;
	s7 =	sadd.s32 s21, s5  }
0xa3: {  	[timem:s9], [sflag:s22] =	dma.local [hbm:s7], s20  }
0xa4: {  	_ =	swait.ge [sflag:s22], s20  }
0xa5: {  	s6 =	ssub.s32 $0x0, s20;
	[sflag:s22] =	ssyncset.done $0x0  }
0xa6: {  	[sflag:s22] =	ssyncadd.s32 s6;
	_ =	sdelay $0x1  }
0xa7: {  	s23 =	simm.s32 $0x1B8B  }
0xa8: {  	_ =	swait.ge [sflag:s23], $0x1  }
0xa9: {  	[sflag:s23] =	ssyncset.done $0x0  }
0xaa: {  	s25 =	simm.s32 $0x1B8E;
	s24 =	sld [smem:$0x3FFE];
	[sflag:s23] =	ssyncadd.s32 $0xFFFFFFFF  }
0xab: {  	s26 =	simm.s32 $execute0_lowered;
	[smem:$0x3FD2] =	sst s25  }
0xac: {  	s7 =	sshll.u32 s26, $0x1;
	_ =	strace $0x80000046;
	[dreg:$0x1] =	wrdreg $0xFFFFFFFF  }
0xad: {  	s28 =	simm.s32 $_size_execute0_lowered;
	s5 =	sadd.s32 s5, s7;
	[dreg:$0x0] =	wrdreg $0x0  }
0xae: {  	s7 =	sshll.u32 s28, $0x1;
	[dreg:$0x2] =	wrdreg s5  }
0xaf: {  	[dreg:$0x3] =	wrdreg s7  }
0xb0: {  	[dreg:$0x4] =	wrdreg $0xC0  }
0xb1: {  	_ =	task [dreg:s9], $0x5FFFF  }
0xb2: {  	[dreg:$0x1] =	wrdreg $0xFFFFFFFF  }
0xb3: {  	[dreg:$0x0] =	wrdreg $0x60  }
0xb4: {  	[dreg:$0x2] =	wrdreg s15  }
0xb5: {  	[dreg:$0x3] =	wrdreg s17  }
0xb6: {  	[dreg:$0x4] =	wrdreg s16  }
0xb7: {  	[dreg:$0x5] =	wrdreg s24  }
0xb8: {  	[dreg:$0x6] =	wrdreg $0x90000  }
0xb9: {  	[dreg:$0x7] =	wrdreg $0x9  }
0xba: {  	_ =	task.clear_ibuf [dreg:s9], $0x8FFFF;
	_ =	strace $0x90000046  }
0xbb: {  	s29 =	simm.s32 $0x9;
	_ =	strace $0x80000048  }
0xbc: {  	_ =	swait.ge [sflag:s29], $0x1  }
0xbd: {  	[sflag:s29] =	ssyncadd.s32 $0xFFFFFFFF  }
0xbe: {  	_ =	strace $0x90000048  }
0xbf: {  	_ =	sfence  }
0xc0: {  	s30 =	sld [smem:$0x0];
	_ =	sdelay $0x2  }
0xc1: {  	s31 =	sshll.u32 s1, $0xD;
	s1 =	sshrl.u32 s1, $0x2  }
0xc2: {  	s3 =	sand.u32 $0x4000, s31;
	s1 =	sadd.s32 s1, s30  }
0xc3: {  	s0 =	sor.u32 s3, s0;
	s1 =	sshll.u32 s1, $0x11  }
0xc4: {  	s0 =	sor.u32 s1, s0  }
0xc5: {  	s0 =	sadd.s32 $0x8F2B, s0  }
0xc6: {  	[sflag:s0] =	ssyncadd.remote.s32 $0x1  }
0xc7: {  	_ =	sfence.sel $0xFFFF  }
0xc8: {  	[dreg:$0x0] =	wrdreg $0xFFFFFFFF;
	(pc) =	sbr.abs _section_cstart, $3  }
0xc9: {  	[dreg:$0x1] =	wrdreg $0xFFFFFFFF  }
0xca: {  	_ =	task.clear_ibuf [dreg:s9], $0x2FFFF;
	_ =	strace $0x9FFFFFFF  }
0xcb: {  	(tm) =	ssettm $0x7FFFFFFF  }
tec
execute0_lowered:
.L_overlay_start_1:
0x0: {  	(tag) =	ssettag $0x1  }
0x1: {  	s1 =	rddreg [dreg:$0x0]  }
0x2: {  	s5 =	rddreg [dreg:$0x1]  }
0x3: {  	s6 =	rddreg [dreg:$0x2];
	s2 =	srdreg.scid  }
0x4: {  	s0 =	stileid.u32;
	s7 =	rddreg [dreg:$0x3]  }
0x5: {  	s3 =	rddreg [dreg:$0x4];
	s11 =	smul.u32 $0x280, s0  }
0x6: {  	s4 =	simm.s32 $0x0;
	s8 =	sand.u32 $0x1, s2;
	s13 =	smul.u32 $0x50000, s0  }
0x7: {  	s25 =	sshll.u32 s0, $0x1;
	s2 =	rddreg [dreg:$0x5];
	s18 =	smul.u32 $0x2800, s0  }
0x8: {  	[smem:$0x7FF] =	sst s4;
	s9 =	smul.u32 $0x28000, s8;
	s10 =	sor.u32 s8, s25  }
0x9: {  	s8 =	ssub.s32 $0x2, s8;
	_ =	strace $0x80000047;
	s10 =	smul.u32 $0x500, s10  }
0xa: {  	s12 =	sshrl.u32 s8, $0x1;
	s15 =	sadd.s32 $0x80, s11;
	s26 =	sshrl.u32 s13, $0x2  }
0xb: {  	s29 =	sadd.s32 $0x100, s11;
	s16 =	sadd.s32 $0x180, s11;
	s17 =	sadd.s32 $0x200, s11  }
0xc: {  	s13 =	simm.s32 $0x2;
	s14 =	sadd.s32 s9, s7;
	s12 =	ssub.s32 s8, s12  }
0xd: {  	s28 =	sshll.u32 s15, $0x7;
	s7 =	sadd.s32 s26, s3;
	s30 =	sshll.u32 s29, $0x7  }
0xe: {  	s31 =	sshll.u32 s16, $0x7;
	s11 =	sshll.u32 s17, $0x7;
	s19 =	sshll.u32 s15, $0x4  }
0xf: {  	s20 =	sshll.u32 s29, $0x4;
	s21 =	sshll.u32 s16, $0x4;
	s23 =	sshll.u32 s17, $0x4  }
0x10: {  	s15 =	simm.s32 $0x5000;
	s16 =	simm.s32 $0x80;
	s17 =	simm.s32 $0x1  }
0x11: {  	s5 =	sadd.s32 s5, s10;
	s6 =	sadd.s32 s6, s10;
	s8 =	sadd.s32 s28, s3  }
0x12: {  	s9 =	sadd.s32 s30, s3;
	s10 =	sadd.s32 s31, s3;
	s11 =	sadd.s32 s11, s3  }
0x13: {  	s22 =	sadd.s32 $0x1600, s14;
	s12 =	smax.u32 s12, $0x1;
	s14 =	simm.s32 $0x2800  }
0x14: {  	s18 =	sadd.s32 s18, s22;
	s19 =	sadd.s32 s19, s22;
	s20 =	sadd.s32 s20, s22  }
0x15: {  	v0 =	vimm.f32 $0.0e+00;
	s21 =	sadd.s32 s21, s22;
	s22 =	sadd.s32 s23, s22;
	s23 =	simm.s32 $0x0  }
.LBB2_1:
0x16: {  	[tilespmem:s4], [sflag:$0x2] =	stream.linear.gather [hbm4b:s5+s4], $0x2780, $0x38;
	[tilespmem:$0x1D000] =	vst v63  }
0x17: {  	_ =	swait.ge [sflag:s13], $0x2780  }
0x18: {  	[sflag:s13] =	ssyncset.done $0x0  }
0x19: {  	[sflag:s13] =	ssyncadd.s32 $0xFFFFD880  }
0x1a: {  	[tilespmem:s14], [sflag:$0x2] =	stream.linear.gather [hbm4b:s6+s4], $0x2780, $0x38;
	[tilespmem:$0x1D000] =	vst v63  }
0x1b: {  	_ =	swait.ge [sflag:s13], $0x2780  }
0x1c: {  	[sflag:s13] =	ssyncset.done $0x0  }
0x1d: {  	s24 =	simm.s32 $0x0;
	s25 =	simm.s32 $0x200;
	[sflag:s13] =	ssyncadd.s32 $0xFFFFD880  }
.LBB2_2:
0x1e: {  	p0 =	sne.s32 s25, $0xFE00;
	[tilespmem:s24+$0x5070] =	vst v0  }
0x1f: {  	[tilespmem:s24+$0x5000] =	vst v0  }
0x20: {  	[tilespmem:s24+$0x5010] =	vst v0  }
.Ltmp0:
0x21: {  	[tilespmem:s24+$0x5020] =	vst v0;
	(pc) =	sbr.rel @p0 .LBB2_2-.Ltmp0, $4  }
0x22: {  	[tilespmem:s24+$0x5030] =	vst v0  }
0x23: {  	[tilespmem:s24+$0x5040] =	vst v0  }
0x24: {  	[tilespmem:s24+$0x5050] =	vst v0  }
0x25: {  	[tilespmem:s24+$0x5060] =	vst v0;
	s24 =	sshra.s32 s25, $0x2;
	s25 =	sadd.s32 $0x200, s25  }
0x26: {  	[tilespmem:s24+$0x5070] =	vst v0  }
0x27: {  	[tilespmem:s24+$0x5000] =	vst v0  }
0x28: {  	[tilespmem:s24+$0x5010] =	vst v0  }
0x29: {  	[tilespmem:s24+$0x5020] =	vst v0  }
0x2a: {  	[tilespmem:s24+$0x5030] =	vst v0  }
0x2b: {  	[tilespmem:s24+$0x5040] =	vst v0  }
0x2c: {  	[tilespmem:s24+$0x5050] =	vst v0  }
0x2d: {  	[tilespmem:s24+$0x5060] =	vst v0  }
0x2e: {  	[spmem:s7] =	stream.linear.scatter [tilespmem:s15], [sflag:$0x2], $0x4000, $0x38;
	[tilespmem:$0x1D000] =	vst v63  }
0x2f: {  	_ =	swait.ge [sflag:s13], $0x4000  }
0x30: {  	[sflag:s13] =	ssyncset.done $0x0  }
0x31: {  	[sflag:s13] =	ssyncadd.s32 $0xFFFFC000  }
0x32: {  	[spmem:s8] =	stream.linear.scatter [tilespmem:s15], [sflag:$0x2], $0x4000, $0x38;
	[tilespmem:$0x1D000] =	vst v63  }
0x33: {  	_ =	swait.ge [sflag:s13], $0x4000  }
0x34: {  	[sflag:s13] =	ssyncset.done $0x0  }
0x35: {  	[sflag:s13] =	ssyncadd.s32 $0xFFFFC000  }
0x36: {  	[spmem:s9] =	stream.linear.scatter [tilespmem:s15], [sflag:$0x2], $0x4000, $0x38;
	[tilespmem:$0x1D000] =	vst v63  }
0x37: {  	_ =	swait.ge [sflag:s13], $0x4000  }
0x38: {  	[sflag:s13] =	ssyncset.done $0x0  }
0x39: {  	[sflag:s13] =	ssyncadd.s32 $0xFFFFC000  }
0x3a: {  	[spmem:s10] =	stream.linear.scatter [tilespmem:s15], [sflag:$0x2], $0x4000, $0x38;
	[tilespmem:$0x1D000] =	vst v63  }
0x3b: {  	_ =	swait.ge [sflag:s13], $0x4000  }
0x3c: {  	[sflag:s13] =	ssyncset.done $0x0  }
0x3d: {  	[sflag:s13] =	ssyncadd.s32 $0xFFFFC000  }
0x3e: {  	[spmem:s11] =	stream.linear.scatter [tilespmem:s15], [sflag:$0x2], $0x4000, $0x38;
	[tilespmem:$0x1D000] =	vst v63  }
0x3f: {  	_ =	swait.ge [sflag:s13], $0x4000  }
0x40: {  	[sflag:s13] =	ssyncset.done $0x0  }
0x41: {  	[sflag:s13] =	ssyncadd.s32 $0xFFFFC000  }
0x42: {  	s30 =	simm.s32 $0x0;
	[bflag:$0x0] =	sbarrier.arrive $0xFFFF  }
0x43: {  	[tilespmem:s15], [sflag:$0x1] =	stream.indirect.gather [hbm4b:s1+s16], $0x80, s30, s16, $0xb8;
	[tilespmem:$0x1D000] =	vst v63  }
0x44: {  	_ =	swait.ge [sflag:s17], $0x4000  }
0x45: {  	[sflag:s17] =	ssyncset.done $0x0  }
0x46: {  	s31 =	simm.s32 $0x2800;
	[sflag:s17] =	ssyncadd.s32 $0xFFFFC000  }
0x47: {  	[spmem:s3] =	stream.indirect.scatter.add.f32 [tilespmem:s15], [sflag:$0x2], $0x80, s31, s16, $0xb8;
	[tilespmem:$0x1D000] =	vst v63  }
0x48: {  	_ =	swait.ge [sflag:s13], $0x4000  }
0x49: {  	s24 =	simm.s32 $0x200;
	s25 =	simm.s32 $0x400;
	[sflag:s13] =	ssyncset.done $0x0  }
.LBB2_4:
0x4a: {  	s26 =	sshra.s32 s24, $0x2  }
0x4b: {  	[sflag:s13] =	ssyncadd.s32 $0xFFFFC000;
	s24 =	smov.u32 s25;
	s28 =	sadd.s32 $0x200, s25  }
0x4c: {  	[tilespmem:s15], [sflag:$0x1] =	stream.indirect.gather [hbm4b:s1+s16], $0x80, s26, s16, $0xb8;
	[tilespmem:$0x1D000] =	vst v63  }
0x4d: {  	p0 =	sne.s32 s25, $0x9C00;
	_ =	swait.ge [sflag:s17], $0x4000  }
.Ltmp1:
0x4e: {  	[sflag:s17] =	ssyncset.done $0x0;
	(pc) =	sbr.rel @p0 .LBB2_4-.Ltmp1, $4  }
0x4f: {  	s25 =	sadd.s32 $0x2800, s26;
	[sflag:s17] =	ssyncadd.s32 $0xFFFFC000  }
0x50: {  	[spmem:s3] =	stream.indirect.scatter.add.f32 [tilespmem:s15], [sflag:$0x2], $0x80, s25, s16, $0xb8;
	[tilespmem:$0x1D000] =	vst v63  }
0x51: {  	_ =	swait.ge [sflag:s13], $0x4000  }
0x52: {  	s25 =	smov.u32 s28;
	[sflag:s13] =	ssyncset.done $0x0  }
0x53: {  	s24 =	sshra.s32 s24, $0x2;
	[sflag:s13] =	ssyncadd.s32 $0xFFFFC000  }
0x54: {  	[tilespmem:s15], [sflag:$0x1] =	stream.indirect.gather [hbm4b:s1+s16], $0x80, s24, s16, $0xb8;
	[tilespmem:$0x1D000] =	vst v63  }
0x55: {  	_ =	swait.ge [sflag:s17], $0x4000  }
0x56: {  	[sflag:s17] =	ssyncset.done $0x0  }
0x57: {  	s24 =	sadd.s32 $0x2800, s24;
	[sflag:s17] =	ssyncadd.s32 $0xFFFFC000  }
0x58: {  	[spmem:s3] =	stream.indirect.scatter.add.f32 [tilespmem:s15], [sflag:$0x2], $0x80, s24, s16, $0xb8;
	[tilespmem:$0x1D000] =	vst v63  }
0x59: {  	_ =	swait.ge [sflag:s13], $0x4000  }
0x5a: {  	[sflag:s13] =	ssyncset.done $0x0  }
0x5b: {  	[sflag:s13] =	ssyncadd.s32 $0xFFFFC000  }
0x5c: {  	[bflag:$0x0] =	sbarrier.arrive $0xFFFF  }
0x5d: {  	[tilespmem:s15], [sflag:$0x2] =	stream.linear.gather [spmem:s7], $0x4000, $0x38;
	[tilespmem:$0x1D000] =	vst v63  }
0x5e: {  	_ =	swait.ge [sflag:s13], $0x4000  }
0x5f: {  	[sflag:s13] =	ssyncset.done $0x0  }
0x60: {  	[sflag:s13] =	ssyncadd.s32 $0xFFFFC000  }
0x61: {  	[hbm4b:s18+s4] =	stream.linear.scatter [tilespmem:s15], [sflag:$0x2], $0x4000, $0x38;
	[tilespmem:$0x1D000] =	vst v63  }
0x62: {  	_ =	swait.ge [sflag:s13], $0x4000  }
0x63: {  	[sflag:s13] =	ssyncset.done $0x0  }
0x64: {  	[sflag:s13] =	ssyncadd.s32 $0xFFFFC000  }
0x65: {  	[tilespmem:s15], [sflag:$0x2] =	stream.linear.gather [spmem:s8], $0x4000, $0x38;
	[tilespmem:$0x1D000] =	vst v63  }
0x66: {  	_ =	swait.ge [sflag:s13], $0x4000  }
0x67: {  	[sflag:s13] =	ssyncset.done $0x0  }
0x68: {  	[sflag:s13] =	ssyncadd.s32 $0xFFFFC000  }
0x69: {  	[hbm4b:s19+s4] =	stream.linear.scatter [tilespmem:s15], [sflag:$0x2], $0x4000, $0x38;
	[tilespmem:$0x1D000] =	vst v63  }
0x6a: {  	_ =	swait.ge [sflag:s13], $0x4000  }
0x6b: {  	[sflag:s13] =	ssyncset.done $0x0  }
0x6c: {  	[sflag:s13] =	ssyncadd.s32 $0xFFFFC000  }
0x6d: {  	[tilespmem:s15], [sflag:$0x2] =	stream.linear.gather [spmem:s9], $0x4000, $0x38;
	[tilespmem:$0x1D000] =	vst v63  }
0x6e: {  	_ =	swait.ge [sflag:s13], $0x4000  }
0x6f: {  	[sflag:s13] =	ssyncset.done $0x0  }
0x70: {  	[sflag:s13] =	ssyncadd.s32 $0xFFFFC000  }
0x71: {  	[hbm4b:s20+s4] =	stream.linear.scatter [tilespmem:s15], [sflag:$0x2], $0x4000, $0x38;
	[tilespmem:$0x1D000] =	vst v63  }
0x72: {  	_ =	swait.ge [sflag:s13], $0x4000  }
0x73: {  	[sflag:s13] =	ssyncset.done $0x0  }
0x74: {  	[sflag:s13] =	ssyncadd.s32 $0xFFFFC000  }
0x75: {  	[tilespmem:s15], [sflag:$0x2] =	stream.linear.gather [spmem:s10], $0x4000, $0x38;
	[tilespmem:$0x1D000] =	vst v63  }
0x76: {  	_ =	swait.ge [sflag:s13], $0x4000  }
0x77: {  	[sflag:s13] =	ssyncset.done $0x0  }
0x78: {  	[sflag:s13] =	ssyncadd.s32 $0xFFFFC000  }
0x79: {  	[hbm4b:s21+s4] =	stream.linear.scatter [tilespmem:s15], [sflag:$0x2], $0x4000, $0x38;
	[tilespmem:$0x1D000] =	vst v63  }
0x7a: {  	_ =	swait.ge [sflag:s13], $0x4000  }
0x7b: {  	[sflag:s13] =	ssyncset.done $0x0  }
0x7c: {  	[sflag:s13] =	ssyncadd.s32 $0xFFFFC000  }
0x7d: {  	[tilespmem:s15], [sflag:$0x2] =	stream.linear.gather [spmem:s11], $0x4000, $0x38;
	[tilespmem:$0x1D000] =	vst v63  }
0x7e: {  	s23 =	sadd.s32 $0x1, s23;
	_ =	swait.ge [sflag:s13], $0x4000  }
0x7f: {  	p0 =	sne.s32 s23, s12;
	[sflag:s13] =	ssyncset.done $0x0  }
.Ltmp2:
0x80: {  	[sflag:s13] =	ssyncadd.s32 $0xFFFFC000;
	(pc) =	sbr.rel @p0 .LBB2_1-.Ltmp2, $4  }
0x81: {  	[hbm4b:s22+s4] =	stream.linear.scatter [tilespmem:s15], [sflag:$0x2], $0x4000, $0x38;
	[tilespmem:$0x1D000] =	vst v63  }
0x82: {  	_ =	swait.ge [sflag:s13], $0x4000  }
0x83: {  	[sflag:s13] =	ssyncset.done $0x0  }
0x84: {  	[sflag:s13] =	ssyncadd.s32 $0xFFFFC000  }
0x85: {  	_ =	sfence.sel $0x180000  }
0x86: {  	[bflag:$0x0] =	sbarrier.arrive $0xFFFF  }
0x87: {  	p0 =	sne.s32 s0, $0x0;
	_ =	strace $0x90000047  }
0x88: {  	s0 =	sadd.s32 @!p0 $0x100000, s2;
	[bflag:$0x2] =	sbarrier.arrive $0xFFFF  }
0x89: {  	[sflag:s0] =	ssyncadd.tile.s32 @!p0 $0x1;
	_ =	shalt  }
.Lfunc_end2:
_tile_overlayer_lowered:
.L_overlay_start_2:
0x8a: {  	(tag) =	ssettag $0x2  }
0x8b: {  	s0 =	rddreg [dreg:$0x0];
	s2 =	stileid.u32  }
0x8c: {  	s1 =	rddreg [dreg:$0x1];
	p0 =	sne.s32 s2, $0x0  }
0x8d: {  	s3 =	rddreg [dreg:$0x2];
	[bflag:$0x3] =	sbarrier.arrive $0xFFFF;
	s2 =	simm.s32 @!p0 $0x1C02  }
0x8e: {  	[timem:s3], [sflag:s2] =	dma.local @!p0 [hbm:s0], s1  }
0x8f: {  	s0 =	simm.s32 @!p0 $0x2  }
0x90: {  	_ =	swait.ge @!p0 [sflag:s0], s1  }
0x91: {  	s1 =	ssub.s32 @!p0 $0x0, s1;
	[sflag:s0] =	ssyncset.done @!p0 $0x0  }
0x92: {  	[sflag:s0] =	ssyncadd.s32 @!p0 s1  }
0x93: {  	[bflag:$0x3] =	sbarrier.arrive $0xFFFF  }
0x94: {  	_ =	shalt  }

</sc_bundles>
